<compile_context>
chip_gen: v7x
topology: tpu7x:2x2x1
jax: 0.10.2.dev20260603
libtpu: 0.0.44.dev20260713+nightly
codegen_flags: <defaults>
</compile_context>

<pallas_src>
import jax
import jax.numpy as jnp
from jax import lax
from jax.experimental import pallas as pl
from jax.experimental.pallas import tpu as pltpu
from jax.experimental.pallas import tpu_sc as plsc


_NC = 2
_NS = 16
_NW = _NC * _NS
_K = 128
_GRP = 28



def _make_edge_agg(n_pad, d, gpw):
    rt = n_pad // _NS
    spw = gpw // 2
    ngrp = gpw // _GRP
    sgrp = _GRP // 2
    mesh = plsc.VectorSubcoreMesh(core_axis_name="c", subcore_axis_name="s")

    def body(table, srcw, dstw2, zeros, out,
             src_v, dst_v, rows0, rows1, acc, ga0, ga1, sa0, sa1):
        cid = lax.axis_index("c")
        sid = lax.axis_index("s")
        w = cid * _NS + sid
        pltpu.sync_copy(zeros, acc.at[pl.ds(sid * rt, rt)])
        plsc.subcore_barrier()

        def gather(u, buf, sem):
            a = pltpu.async_copy(table.at[src_v.at[2 * u]],
                                 buf.at[pl.ds(0, _K)], sem)
            b = pltpu.async_copy(table.at[src_v.at[2 * u + 1]],
                                 buf.at[pl.ds(_K, _K)], sem)
            return a, b

        def scat(u, buf, sem):
            return pltpu.async_copy(buf, acc.at[dst_v.at[u]], sem, add=True)

        def group(g, carry):
            pltpu.sync_copy(srcw.at[pl.ds(w * gpw + g * _GRP, _GRP)], src_v)
            pltpu.sync_copy(dstw2.at[pl.ds(w * spw + g * sgrp, sgrp)], dst_v)
            a0, a1 = gather(0, rows0, ga0)
            b0, b1 = gather(1, rows1, ga1)

            def step(i, c2):
                u = 2 * i
                a0.wait()
                a1.wait()
                sA = scat(u, rows0, sa0)
                b0.wait()
                b1.wait()
                sB = scat(u + 1, rows1, sa1)
                sA.wait()
                gather(u + 2, rows0, ga0)
                sB.wait()
                gather(u + 3, rows1, ga1)
                return c2

            lax.fori_loop(0, sgrp // 2 - 1, step, 0)
            a0.wait()
            a1.wait()
            sA = scat(sgrp - 2, rows0, sa0)
            b0.wait()
            b1.wait()
            sB = scat(sgrp - 1, rows1, sa1)
            sA.wait()
            sB.wait()
            return carry

        lax.fori_loop(0, ngrp, group, 0)
        plsc.subcore_barrier()
        pltpu.sync_copy(acc.at[pl.ds(sid * rt, rt)],
                        out.at[cid, pl.ds(sid * rt, rt)])

    return pl.kernel(
        body,
        mesh=mesh,
        out_type=jax.ShapeDtypeStruct((_NC, n_pad, d), jnp.float32),
        compiler_params=pltpu.CompilerParams(use_tc_tiling_on_sc=False),
        scratch_types=[
            pltpu.VMEM((_GRP, _K), jnp.int32),
            pltpu.VMEM((sgrp, 2 * _K), jnp.int32),
            pltpu.VMEM((2 * _K, d), jnp.float32),
            pltpu.VMEM((2 * _K, d), jnp.float32),
            pltpu.VMEM_SHARED((n_pad, d), jnp.float32),
            pltpu.SemaphoreType.DMA,
            pltpu.SemaphoreType.DMA,
            pltpu.SemaphoreType.DMA,
            pltpu.SemaphoreType.DMA,
        ],
    )


def _make_edge_agg8(n_pad, gpw):
    d = 8
    rt = n_pad // _NS
    spw = gpw // 2
    nq = spw // 4 - 1
    mesh = plsc.VectorSubcoreMesh(core_axis_name="c", subcore_axis_name="s")

    def body(table, srcw, dstw2, zeros, out,
             src_v, dst_v, r0, r1, r2, r3, acc,
             g0, g1, g2, g3, s0, s1, s2, s3):
        cid = lax.axis_index("c")
        sid = lax.axis_index("s")
        w = cid * _NS + sid
        pltpu.sync_copy(zeros, acc.at[pl.ds(sid * rt, rt)])
        pltpu.sync_copy(srcw.at[pl.ds(w * gpw, gpw)], src_v)
        pltpu.sync_copy(dstw2.at[pl.ds(w * spw, spw)], dst_v)
        plsc.subcore_barrier()

        bufs = (r0, r1, r2, r3)
        gsem = (g0, g1, g2, g3)
        ssem = (s0, s1, s2, s3)

        def gather(u, buf, sem):
            a = pltpu.async_copy(table.at[src_v.at[2 * u]],
                                 buf.at[pl.ds(0, _K)], sem)
            b = pltpu.async_copy(table.at[src_v.at[2 * u + 1]],
                                 buf.at[pl.ds(_K, _K)], sem)
            return a, b

        pro = [gather(b, bufs[b], gsem[b]) for b in range(4)]

        def quad(i, c):
            u0 = 4 * i
            for b in range(4):
                pro[b][0].wait()
                pro[b][1].wait()
                sc = pltpu.async_copy(bufs[b], acc.at[dst_v.at[u0 + b]],
                                      ssem[b], add=True)
                sc.wait()
                gather(u0 + b + 4, bufs[b], gsem[b])
            return c

        lax.fori_loop(0, nq, quad, 0)
        base = 4 * nq
        for b in range(4):
            pro[b][0].wait()
            pro[b][1].wait()
            pltpu.sync_copy(bufs[b], acc.at[dst_v.at[base + b]], add=True)
        for b in range(spw - base - 4):
            u = base + 4 + b
            a, bb = gather(u, bufs[b], gsem[b])
            a.wait()
            bb.wait()
            pltpu.sync_copy(bufs[b], acc.at[dst_v.at[u]], add=True)
        plsc.subcore_barrier()
        pltpu.sync_copy(acc.at[pl.ds(sid * rt, rt)],
                        out.at[cid, pl.ds(sid * rt, rt)])

    kern = pl.kernel(
        body,
        mesh=mesh,
        out_type=jax.ShapeDtypeStruct((_NC, n_pad, d), jnp.float32),
        compiler_params=pltpu.CompilerParams(use_tc_tiling_on_sc=False),
        scratch_types=[
            pltpu.VMEM((gpw, _K), jnp.int32),
            pltpu.VMEM((spw, 2 * _K), jnp.int32),
            pltpu.VMEM((2 * _K, d), jnp.float32),
            pltpu.VMEM((2 * _K, d), jnp.float32),
            pltpu.VMEM((2 * _K, d), jnp.float32),
            pltpu.VMEM((2 * _K, d), jnp.float32),
            pltpu.VMEM_SHARED((n_pad, d), jnp.float32),
        ] + [pltpu.SemaphoreType.DMA] * 8,
    )
    return kern


def _make_degree(n_pad, d, gpw):
    rt = n_pad // _NS
    spw = gpw // 2
    ngrp = gpw // _GRP
    sgrp = _GRP // 2
    mesh = plsc.VectorSubcoreMesh(core_axis_name="c", subcore_axis_name="s")

    def body(dstw2, zeros, ones, out, dst_v, ones_v, acc, d0, d1, d2, d3):
        cid = lax.axis_index("c")
        sid = lax.axis_index("s")
        w = cid * _NS + sid
        pltpu.sync_copy(zeros, acc.at[pl.ds(sid * rt, rt)])
        pltpu.sync_copy(ones, ones_v)
        plsc.subcore_barrier()

        sems = (d0, d1, d2, d3)

        def group(g, carry):
            pltpu.sync_copy(dstw2.at[pl.ds(w * spw + g * sgrp, sgrp)], dst_v)
            pro = [pltpu.async_copy(ones_v, acc.at[dst_v.at[b]], sems[b],
                                    add=True) for b in range(4)]
            nq = sgrp // 4 - 1

            def quad(i, c2):
                u0 = 4 * i
                for b in range(4):
                    pro[b].wait()
                    pltpu.async_copy(ones_v, acc.at[dst_v.at[u0 + b + 4]],
                                     sems[b], add=True)
                return c2

            lax.fori_loop(0, nq, quad, 0)
            base = 4 * nq + 4
            for b in range(4):
                pro[b].wait()
            for b in range(sgrp - base):
                pltpu.sync_copy(ones_v, acc.at[dst_v.at[base + b]], add=True)
            return carry

        lax.fori_loop(0, ngrp, group, 0)
        plsc.subcore_barrier()
        pltpu.sync_copy(acc.at[pl.ds(sid * rt, rt)],
                        out.at[cid, pl.ds(sid * rt, rt)])

    return pl.kernel(
        body,
        mesh=mesh,
        out_type=jax.ShapeDtypeStruct((_NC, n_pad, d), jnp.float32),
        compiler_params=pltpu.CompilerParams(use_tc_tiling_on_sc=False),
        scratch_types=[
            pltpu.VMEM((sgrp, 2 * _K), jnp.int32),
            pltpu.VMEM((2 * _K, d), jnp.float32),
            pltpu.VMEM_SHARED((n_pad, d), jnp.float32),
        ] + [pltpu.SemaphoreType.DMA] * 4,
    )



def _tc1_body(x4_ref, w1blk_ref, dv4_ref, g1_ref):
    dinv4 = lax.rsqrt(1.0 + dv4_ref[0] + dv4_ref[1])
    h4 = jnp.dot(x4_ref[...], w1blk_ref[...],
                 preferred_element_type=jnp.float32)
    g1_ref[...] = dinv4 * h4


def _tc2_body(dv4_ref, p_ref, g1_ref, b1t4_ref, w2sel_ref, g2_ref):
    dinv4 = lax.rsqrt(1.0 + dv4_ref[0] + dv4_ref[1])
    agg = p_ref[0] + p_ref[1] + g1_ref[...]
    out1 = jnp.maximum(dinv4 * agg + b1t4_ref[...], 0.0)
    g2_ref[...] = jnp.dot(dinv4 * out1, w2sel_ref[...],
                          preferred_element_type=jnp.float32)


def _tc3_body(dv4_ref, p_ref, g2_ref, b2t4_ref, sel_ref, xp_ref, o_ref):
    r4 = g2_ref.shape[0]
    dinv4 = lax.rsqrt(1.0 + dv4_ref[0] + dv4_ref[1])
    zc = p_ref[0] + p_ref[1] + g2_ref[...]
    zbig = jnp.dot(zc, xp_ref[...], preferred_element_type=jnp.float32)
    z = dinv4 * zbig + b2t4_ref[...]
    lane = lax.broadcasted_iota(jnp.int32, (r4, 128), 1)
    other = jnp.where(lane % 32 == 0, jnp.roll(z, -1, axis=1),
                      jnp.roll(z, 1, axis=1))
    m = jnp.maximum(z, other)
    logp = z - m - jnp.log(jnp.exp(z - m) + jnp.exp(other - m))
    o_ref[...] = jnp.dot(logp, sel_ref[...],
                         preferred_element_type=jnp.float32)



@jax.jit
def kernel(x, edge_index, dropout, W1, b1, W2, b2):
    n, f = x.shape
    e = edge_index.shape[1]
    dh = W1.shape[1]
    nc = W2.shape[1]

    n_pad = ((n + 127) // 128) * 128
    rt = n_pad // _NS

    chunks = (e + _K - 1) // _K
    gpw = (chunks + _NW - 1) // _NW
    gpw = ((gpw + _GRP - 1) // _GRP) * _GRP
    e_pad = _NW * gpw * _K
    src = jnp.concatenate(
        [edge_index[0], jnp.zeros((e_pad - e,), jnp.int32)])
    dst = jnp.concatenate(
        [edge_index[1], jnp.full((e_pad - e,), n_pad - 8, jnp.int32)])
    srcw = src.reshape(_NW * gpw, _K)
    dstw2 = dst.reshape(_NW * gpw // 2, 2 * _K)

    zeros_h = jnp.zeros((rt, dh), jnp.float32)
    zeros_p = jnp.zeros((rt, 8), jnp.float32)
    ones_v = jnp.ones((2 * _K, dh), jnp.float32)

    eye4 = jnp.eye(4, dtype=jnp.float32)
    w1blk = jnp.kron(eye4, W1)
    dp = 8
    w2sel = jnp.kron(eye4, jnp.pad(W2, ((0, 0), (0, dp - nc))))
    xp = jnp.kron(eye4, jnp.pad(jnp.eye(dp, dtype=jnp.float32),
                                ((0, 0), (0, dh - dp))))
    b1t4 = jnp.tile(b1, 4).reshape(1, 128)
    b2t4 = jnp.tile(jnp.pad(b2, (0, dh - nc)), 4).reshape(1, 128)
    sel = jnp.kron(eye4, jnp.pad(jnp.eye(nc, dtype=jnp.float32),
                                 ((0, dh - nc), (0, 0))))

    x4 = jnp.pad(x, ((0, n_pad - n), (0, 0))).reshape(n_pad // 4, 4 * f)

    r = 2176
    grid = n_pad // r
    r4 = r // 4

    degp = _make_degree(n_pad, dh, gpw)(dstw2, zeros_h, ones_v)
    dv4 = degp.reshape(_NC, n_pad // 4, 128)

    g1p4 = pl.pallas_call(
        _tc1_body,
        grid=(grid,),
        in_specs=[
            pl.BlockSpec((r4, 4 * f), lambda i: (i, 0)),
            pl.BlockSpec((4 * f, 128), lambda i: (0, 0)),
            pl.BlockSpec((_NC, r4, 128), lambda i: (0, i, 0)),
        ],
        out_specs=pl.BlockSpec((r4, 128), lambda i: (i, 0)),
        out_shape=jax.ShapeDtypeStruct((n_pad // 4, 128), jnp.float32),
    )(x4, w1blk, dv4)

    p1 = _make_edge_agg(n_pad, dh, gpw)(
        g1p4.reshape(n_pad, dh), srcw, dstw2, zeros_h)
    p1v = p1.reshape(_NC, n_pad // 4, 128)

    g2sel = pl.pallas_call(
        _tc2_body,
        grid=(grid,),
        in_specs=[
            pl.BlockSpec((_NC, r4, 128), lambda i: (0, i, 0)),
            pl.BlockSpec((_NC, r4, 128), lambda i: (0, i, 0)),
            pl.BlockSpec((r4, 128), lambda i: (i, 0)),
            pl.BlockSpec((1, 128), lambda i: (0, 0)),
            pl.BlockSpec((128, 32), lambda i: (0, 0)),
        ],
        out_specs=pl.BlockSpec((r4, 32), lambda i: (i, 0)),
        out_shape=jax.ShapeDtypeStruct((n_pad // 4, 32), jnp.float32),
    )(dv4, p1v, g1p4, b1t4, w2sel)

    p2 = _make_edge_agg8(n_pad, gpw)(
        g2sel.reshape(n_pad, 8), srcw, dstw2, zeros_p)
    p2v = p2.reshape(_NC, n_pad // 4, 32)

    zsel = pl.pallas_call(
        _tc3_body,
        grid=(grid,),
        in_specs=[
            pl.BlockSpec((_NC, r4, 128), lambda i: (0, i, 0)),
            pl.BlockSpec((_NC, r4, 32), lambda i: (0, i, 0)),
            pl.BlockSpec((r4, 32), lambda i: (i, 0)),
            pl.BlockSpec((1, 128), lambda i: (0, 0)),
            pl.BlockSpec((128, 4 * nc), lambda i: (0, 0)),
            pl.BlockSpec((32, 128), lambda i: (0, 0)),
        ],
        out_specs=pl.BlockSpec((r4, 4 * nc), lambda i: (i, 0)),
        out_shape=jax.ShapeDtypeStruct((n_pad // 4, 4 * nc), jnp.float32),
    )(dv4, p2v, g2sel, b2t4, sel, xp)

    return zsel.reshape(n_pad, nc)[:n]

# --- scband reference (transcript-rebuilt; emitter-appended) ---
"""Pipeline reference for scband-gcn-net-59098749993118 (READ-ONLY COPY).

The authoritative reference and input builder live on the scoring server;
editing this copy changes nothing except your own understanding.
"""

import jax, jax.numpy as jnp
import numpy as np

N = 50000
E = 800000
NUM_FEATURES = 61
DIM_HID = 32
NUM_CLASSES = 2


def setup_inputs(seed: int = 0) -> dict:
    key = jax.random.key(seed)
    k1, k2, k3, k4 = jax.random.split(key, 4)
    x = jax.random.normal(k1, (N, NUM_FEATURES), dtype=jnp.float32)
    edge_index = jax.random.randint(k2, (2, E), 0, N, dtype=jnp.int32)
    W1 = jax.random.normal(k3, (NUM_FEATURES, DIM_HID), dtype=jnp.float32) * (1.0 / np.sqrt(NUM_FEATURES))
    b1 = jnp.zeros((DIM_HID,), dtype=jnp.float32)
    W2 = jax.random.normal(k4, (DIM_HID, NUM_CLASSES), dtype=jnp.float32) * (1.0 / np.sqrt(DIM_HID))
    b2 = jnp.zeros((NUM_CLASSES,), dtype=jnp.float32)
    return {"x": x, "edge_index": edge_index, "dropout": 0, "W1": W1, "b1": b1, "W2": W2, "b2": b2}


def gcn_conv(x, edge_index, W, b, n):
    # x' = x @ W; add self-loops; symmetric normalization; scatter-add aggregate
    h = x @ W
    loop = jnp.arange(n, dtype=edge_index.dtype)
    src = jnp.concatenate([edge_index[0], loop])
    dst = jnp.concatenate([edge_index[1], loop])
    ones = jnp.ones(src.shape[0], dtype=h.dtype)
    deg = jax.ops.segment_sum(ones, dst, num_segments=n)
    dinv = jnp.where(deg > 0, deg ** -0.5, 0.0)
    norm = dinv[src] * dinv[dst]
    msg = norm[:, None] * jnp.take(h, src, axis=0)
    out = jax.ops.segment_sum(msg, dst, num_segments=n)
    return out + b


def reference(x, edge_index, dropout, W1, b1, W2, b2):
    n = x.shape[0]
    h = jax.nn.relu(gcn_conv(x, edge_index, W1, b1, n))
    # F.dropout(..., training=self.training): identity in eval mode
    out = gcn_conv(h, edge_index, W2, b2, n)
    return jax.nn.log_softmax(out, axis=1)

if __name__ == "__main__":
    import jax
    _d = setup_inputs()
    print(jax.jit(kernel)(*tuple(_d.values())))

</pallas_src>

<mosaic_0001>
#map = affine_map<(d0, d1) -> (0, 0)>
#map1 = affine_map<(d0, d1) -> (0, 0, 0)>
module attributes {stable_mosaic.version = 14 : i64} {
  func.func @body(%arg0: i32, %arg1: i32, %arg2: memref<50048x8xf32, #tpu.memory_space<hbm>>, %arg3: memref<6272x128xi32, #tpu.memory_space<hbm>>, %arg4: memref<3136x256xi32, #tpu.memory_space<hbm>>, %arg5: memref<3128x8xf32, #tpu.memory_space<hbm>>, %arg6: memref<2x50048x8xf32, #tpu.memory_space<hbm>>, %arg7: memref<196x128xi32, #tpu.memory_space<vmem>>, %arg8: memref<98x256xi32, #tpu.memory_space<vmem>>, %arg9: memref<256x8xf32, #tpu.memory_space<vmem>>, %arg10: memref<256x8xf32, #tpu.memory_space<vmem>>, %arg11: memref<256x8xf32, #tpu.memory_space<vmem>>, %arg12: memref<256x8xf32, #tpu.memory_space<vmem>>, %arg13: memref<50048x8xf32, #tpu.memory_space<vmem_shared>>, %arg14: memref<!tpu.dma_semaphore, #tpu.memory_space<semaphore_mem>>, %arg15: memref<!tpu.dma_semaphore, #tpu.memory_space<semaphore_mem>>, %arg16: memref<!tpu.dma_semaphore, #tpu.memory_space<semaphore_mem>>, %arg17: memref<!tpu.dma_semaphore, #tpu.memory_space<semaphore_mem>>, %arg18: memref<!tpu.dma_semaphore, #tpu.memory_space<semaphore_mem>>, %arg19: memref<!tpu.dma_semaphore, #tpu.memory_space<semaphore_mem>>, %arg20: memref<!tpu.dma_semaphore, #tpu.memory_space<semaphore_mem>>, %arg21: memref<!tpu.dma_semaphore, #tpu.memory_space<semaphore_mem>>) attributes {dimension_semantics = [#tpu.dimension_semantics<core_parallel>, #tpu.dimension_semantics<subcore_parallel>], iteration_bounds = array<i64: 2, 16>, scalar_prefetch = 0 : i64, scratch_operands = 15 : i64, tpu.core_type = #tpu.core_type<sc_vector_subcore>, window_params = [{transform_indices = #map}, {transform_indices = #map}, {transform_indices = #map}, {transform_indices = #map}, {transform_indices = #map1}]} {
    %mul3A = arith.constant 16 : i32
    %mul3A_0 = arith.muli %arg0, %mul3A : i32
    %add3A = arith.addi %mul3A_0, %arg1 : i32
    %mul3A_1 = arith.constant 3128 : i32
    %mul3A_2 = arith.muli %arg1, %mul3A_1 : i32
    "tpu.region"() ({
      %run_scoped3A_268 = tpu.sem_alloc : memref<!tpu.dma_semaphore, #tpu.memory_space<semaphore_mem>>
      %dma_start3A_269 = arith.constant 0 : i32
      %dma_start3A_270 = tpu.memref_slice %arg13[%mul3A_2, %dma_start3A_269] : memref<50048x8xf32, #tpu.memory_space<vmem_shared>> -> memref<3128x8xf32, #tpu.memory_space<vmem_shared>>
      tpu.enqueue_dma source(%arg5 : memref<3128x8xf32, #tpu.memory_space<hbm>>) target(%dma_start3A_270 : memref<3128x8xf32, #tpu.memory_space<vmem_shared>>) target_semaphore(%run_scoped3A_268 : memref<!tpu.dma_semaphore, #tpu.memory_space<semaphore_mem>>)
      %dma_wait3A_271 = arith.constant 0 : i32
      %dma_wait3A_272 = tpu.memref_slice %arg13[%mul3A_2, %dma_wait3A_271] : memref<50048x8xf32, #tpu.memory_space<vmem_shared>> -> memref<3128x8xf32, #tpu.memory_space<vmem_shared>>
      tpu.wait_dma2 semaphore(%run_scoped3A_268 : memref<!tpu.dma_semaphore, #tpu.memory_space<semaphore_mem>>) src(%arg5 : memref<3128x8xf32, #tpu.memory_space<hbm>>) dst(%dma_wait3A_272 : memref<3128x8xf32, #tpu.memory_space<vmem_shared>>)
      tpu.yield
    }) : () -> ()
    %mul3A_3 = arith.constant 196 : i32
    %mul3A_4 = arith.muli %add3A, %mul3A_3 : i32
    "tpu.region"() ({
      %run_scoped3A_268 = tpu.sem_alloc : memref<!tpu.dma_semaphore, #tpu.memory_space<semaphore_mem>>
      %dma_start3A_269 = arith.constant 0 : i32
      %dma_start3A_270 = tpu.memref_slice %arg3[%mul3A_4, %dma_start3A_269] : memref<6272x128xi32, #tpu.memory_space<hbm>> -> memref<196x128xi32, #tpu.memory_space<hbm>>
      %dma_start3A_271 = arith.constant 0 : i32
      %dma_start3A_272 = tpu.memref_slice %arg3[%mul3A_4, %dma_start3A_271] : memref<6272x128xi32, #tpu.memory_space<hbm>> -> memref<196x128xi32, #tpu.memory_space<hbm>>
      tpu.enqueue_dma source(%dma_start3A_272 : memref<196x128xi32, #tpu.memory_space<hbm>>) target(%arg7 : memref<196x128xi32, #tpu.memory_space<vmem>>) target_semaphore(%run_scoped3A_268 : memref<!tpu.dma_semaphore, #tpu.memory_space<semaphore_mem>>)
      %dma_wait3A_273 = arith.constant 0 : i32
      %dma_wait3A_274 = tpu.memref_slice %arg3[%mul3A_4, %dma_wait3A_273] : memref<6272x128xi32, #tpu.memory_space<hbm>> -> memref<196x128xi32, #tpu.memory_space<hbm>>
      %dma_wait3A_275 = arith.constant 0 : i32
      %dma_wait3A_276 = tpu.memref_slice %arg3[%mul3A_4, %dma_wait3A_275] : memref<6272x128xi32, #tpu.memory_space<hbm>> -> memref<196x128xi32, #tpu.memory_space<hbm>>
      tpu.wait_dma2 semaphore(%run_scoped3A_268 : memref<!tpu.dma_semaphore, #tpu.memory_space<semaphore_mem>>) src(%dma_wait3A_276 : memref<196x128xi32, #tpu.memory_space<hbm>>) dst(%arg7 : memref<196x128xi32, #tpu.memory_space<vmem>>)
      tpu.yield
    }) : () -> ()
    %mul3A_5 = arith.constant 98 : i32
    %mul3A_6 = arith.muli %add3A, %mul3A_5 : i32
    "tpu.region"() ({
      %run_scoped3A_268 = tpu.sem_alloc : memref<!tpu.dma_semaphore, #tpu.memory_space<semaphore_mem>>
      %dma_start3A_269 = arith.constant 0 : i32
      %dma_start3A_270 = tpu.memref_slice %arg4[%mul3A_6, %dma_start3A_269] : memref<3136x256xi32, #tpu.memory_space<hbm>> -> memref<98x256xi32, #tpu.memory_space<hbm>>
      %dma_start3A_271 = arith.constant 0 : i32
      %dma_start3A_272 = tpu.memref_slice %arg4[%mul3A_6, %dma_start3A_271] : memref<3136x256xi32, #tpu.memory_space<hbm>> -> memref<98x256xi32, #tpu.memory_space<hbm>>
      tpu.enqueue_dma source(%dma_start3A_272 : memref<98x256xi32, #tpu.memory_space<hbm>>) target(%arg8 : memref<98x256xi32, #tpu.memory_space<vmem>>) target_semaphore(%run_scoped3A_268 : memref<!tpu.dma_semaphore, #tpu.memory_space<semaphore_mem>>)
      %dma_wait3A_273 = arith.constant 0 : i32
      %dma_wait3A_274 = tpu.memref_slice %arg4[%mul3A_6, %dma_wait3A_273] : memref<3136x256xi32, #tpu.memory_space<hbm>> -> memref<98x256xi32, #tpu.memory_space<hbm>>
      %dma_wait3A_275 = arith.constant 0 : i32
      %dma_wait3A_276 = tpu.memref_slice %arg4[%mul3A_6, %dma_wait3A_275] : memref<3136x256xi32, #tpu.memory_space<hbm>> -> memref<98x256xi32, #tpu.memory_space<hbm>>
      tpu.wait_dma2 semaphore(%run_scoped3A_268 : memref<!tpu.dma_semaphore, #tpu.memory_space<semaphore_mem>>) src(%dma_wait3A_276 : memref<98x256xi32, #tpu.memory_space<hbm>>) dst(%arg8 : memref<98x256xi32, #tpu.memory_space<vmem>>)
      tpu.yield
    }) : () -> ()
    %barrier3A = arith.constant 0 : index
    tpu.barrier barrier_id(%barrier3A)
    %dma_start3A = arith.constant 0 : i32
    %dma_start3A_7 = arith.constant 0 : i32
    %dma_start3A_8 = arith.constant 0 : i32
    %dma_start3A_9 = tpu.memref_slice %arg9[%dma_start3A_7, %dma_start3A_8] : memref<256x8xf32, #tpu.memory_space<vmem>> -> memref<128x8xf32, #tpu.memory_space<vmem>>
    %dma_start3A_10 = arith.constant 0 : i32
    %dma_start3A_11 = tpu.memref_slice %arg7[%dma_start3A, %dma_start3A_10] : memref<196x128xi32, #tpu.memory_space<vmem>> -> memref<1x128xi32, #tpu.memory_space<vmem>>
    %dma_start3A_12 = tpu.memref_squeeze %dma_start3A_11 : memref<1x128xi32, #tpu.memory_space<vmem>> -> memref<128xi32, #tpu.memory_space<vmem>>
    %dma_start3A_13 = arith.constant 0 : i32
    %dma_start3A_14 = arith.constant 0 : i32
    %dma_start3A_15 = tpu.memref_slice %arg2[%dma_start3A_13, %dma_start3A_14] : memref<50048x8xf32, #tpu.memory_space<hbm>> -> memref<50048x8xf32, #tpu.memory_space<hbm>>
    tpu.enqueue_indirect_dma source(%dma_start3A_15 : memref<50048x8xf32, #tpu.memory_space<hbm>>) target(%dma_start3A_9 : memref<128x8xf32, #tpu.memory_space<vmem>>) offsets(%dma_start3A_12 : memref<128xi32, #tpu.memory_space<vmem>>) semaphore(%arg14 : memref<!tpu.dma_semaphore, #tpu.memory_space<semaphore_mem>>)
    %dma_start3A_16 = arith.constant 1 : i32
    %dma_start3A_17 = arith.constant 128 : i32
    %dma_start3A_18 = arith.constant 0 : i32
    %dma_start3A_19 = tpu.memref_slice %arg9[%dma_start3A_17, %dma_start3A_18] : memref<256x8xf32, #tpu.memory_space<vmem>> -> memref<128x8xf32, #tpu.memory_space<vmem>>
    %dma_start3A_20 = arith.constant 0 : i32
    %dma_start3A_21 = tpu.memref_slice %arg7[%dma_start3A_16, %dma_start3A_20] : memref<196x128xi32, #tpu.memory_space<vmem>> -> memref<1x128xi32, #tpu.memory_space<vmem>>
    %dma_start3A_22 = tpu.memref_squeeze %dma_start3A_21 : memref<1x128xi32, #tpu.memory_space<vmem>> -> memref<128xi32, #tpu.memory_space<vmem>>
    %dma_start3A_23 = arith.constant 0 : i32
    %dma_start3A_24 = arith.constant 0 : i32
    %dma_start3A_25 = tpu.memref_slice %arg2[%dma_start3A_23, %dma_start3A_24] : memref<50048x8xf32, #tpu.memory_space<hbm>> -> memref<50048x8xf32, #tpu.memory_space<hbm>>
    tpu.enqueue_indirect_dma source(%dma_start3A_25 : memref<50048x8xf32, #tpu.memory_space<hbm>>) target(%dma_start3A_19 : memref<128x8xf32, #tpu.memory_space<vmem>>) offsets(%dma_start3A_22 : memref<128xi32, #tpu.memory_space<vmem>>) semaphore(%arg14 : memref<!tpu.dma_semaphore, #tpu.memory_space<semaphore_mem>>)
    %dma_start3A_26 = arith.constant 2 : i32
    %dma_start3A_27 = arith.constant 0 : i32
    %dma_start3A_28 = arith.constant 0 : i32
    %dma_start3A_29 = tpu.memref_slice %arg10[%dma_start3A_27, %dma_start3A_28] : memref<256x8xf32, #tpu.memory_space<vmem>> -> memref<128x8xf32, #tpu.memory_space<vmem>>
    %dma_start3A_30 = arith.constant 0 : i32
    %dma_start3A_31 = tpu.memref_slice %arg7[%dma_start3A_26, %dma_start3A_30] : memref<196x128xi32, #tpu.memory_space<vmem>> -> memref<1x128xi32, #tpu.memory_space<vmem>>
    %dma_start3A_32 = tpu.memref_squeeze %dma_start3A_31 : memref<1x128xi32, #tpu.memory_space<vmem>> -> memref<128xi32, #tpu.memory_space<vmem>>
    %dma_start3A_33 = arith.constant 0 : i32
    %dma_start3A_34 = arith.constant 0 : i32
    %dma_start3A_35 = tpu.memref_slice %arg2[%dma_start3A_33, %dma_start3A_34] : memref<50048x8xf32, #tpu.memory_space<hbm>> -> memref<50048x8xf32, #tpu.memory_space<hbm>>
    tpu.enqueue_indirect_dma source(%dma_start3A_35 : memref<50048x8xf32, #tpu.memory_space<hbm>>) target(%dma_start3A_29 : memref<128x8xf32, #tpu.memory_space<vmem>>) offsets(%dma_start3A_32 : memref<128xi32, #tpu.memory_space<vmem>>) semaphore(%arg15 : memref<!tpu.dma_semaphore, #tpu.memory_space<semaphore_mem>>)
    %dma_start3A_36 = arith.constant 3 : i32
    %dma_start3A_37 = arith.constant 128 : i32
    %dma_start3A_38 = arith.constant 0 : i32
    %dma_start3A_39 = tpu.memref_slice %arg10[%dma_start3A_37, %dma_start3A_38] : memref<256x8xf32, #tpu.memory_space<vmem>> -> memref<128x8xf32, #tpu.memory_space<vmem>>
    %dma_start3A_40 = arith.constant 0 : i32
    %dma_start3A_41 = tpu.memref_slice %arg7[%dma_start3A_36, %dma_start3A_40] : memref<196x128xi32, #tpu.memory_space<vmem>> -> memref<1x128xi32, #tpu.memory_space<vmem>>
    %dma_start3A_42 = tpu.memref_squeeze %dma_start3A_41 : memref<1x128xi32, #tpu.memory_space<vmem>> -> memref<128xi32, #tpu.memory_space<vmem>>
    %dma_start3A_43 = arith.constant 0 : i32
    %dma_start3A_44 = arith.constant 0 : i32
    %dma_start3A_45 = tpu.memref_slice %arg2[%dma_start3A_43, %dma_start3A_44] : memref<50048x8xf32, #tpu.memory_space<hbm>> -> memref<50048x8xf32, #tpu.memory_space<hbm>>
    tpu.enqueue_indirect_dma source(%dma_start3A_45 : memref<50048x8xf32, #tpu.memory_space<hbm>>) target(%dma_start3A_39 : memref<128x8xf32, #tpu.memory_space<vmem>>) offsets(%dma_start3A_42 : memref<128xi32, #tpu.memory_space<vmem>>) semaphore(%arg15 : memref<!tpu.dma_semaphore, #tpu.memory_space<semaphore_mem>>)
    %dma_start3A_46 = arith.constant 4 : i32
    %dma_start3A_47 = arith.constant 0 : i32
    %dma_start3A_48 = arith.constant 0 : i32
    %dma_start3A_49 = tpu.memref_slice %arg11[%dma_start3A_47, %dma_start3A_48] : memref<256x8xf32, #tpu.memory_space<vmem>> -> memref<128x8xf32, #tpu.memory_space<vmem>>
    %dma_start3A_50 = arith.constant 0 : i32
    %dma_start3A_51 = tpu.memref_slice %arg7[%dma_start3A_46, %dma_start3A_50] : memref<196x128xi32, #tpu.memory_space<vmem>> -> memref<1x128xi32, #tpu.memory_space<vmem>>
    %dma_start3A_52 = tpu.memref_squeeze %dma_start3A_51 : memref<1x128xi32, #tpu.memory_space<vmem>> -> memref<128xi32, #tpu.memory_space<vmem>>
    %dma_start3A_53 = arith.constant 0 : i32
    %dma_start3A_54 = arith.constant 0 : i32
    %dma_start3A_55 = tpu.memref_slice %arg2[%dma_start3A_53, %dma_start3A_54] : memref<50048x8xf32, #tpu.memory_space<hbm>> -> memref<50048x8xf32, #tpu.memory_space<hbm>>
    tpu.enqueue_indirect_dma source(%dma_start3A_55 : memref<50048x8xf32, #tpu.memory_space<hbm>>) target(%dma_start3A_49 : memref<128x8xf32, #tpu.memory_space<vmem>>) offsets(%dma_start3A_52 : memref<128xi32, #tpu.memory_space<vmem>>) semaphore(%arg16 : memref<!tpu.dma_semaphore, #tpu.memory_space<semaphore_mem>>)
    %dma_start3A_56 = arith.constant 5 : i32
    %dma_start3A_57 = arith.constant 128 : i32
    %dma_start3A_58 = arith.constant 0 : i32
    %dma_start3A_59 = tpu.memref_slice %arg11[%dma_start3A_57, %dma_start3A_58] : memref<256x8xf32, #tpu.memory_space<vmem>> -> memref<128x8xf32, #tpu.memory_space<vmem>>
    %dma_start3A_60 = arith.constant 0 : i32
    %dma_start3A_61 = tpu.memref_slice %arg7[%dma_start3A_56, %dma_start3A_60] : memref<196x128xi32, #tpu.memory_space<vmem>> -> memref<1x128xi32, #tpu.memory_space<vmem>>
    %dma_start3A_62 = tpu.memref_squeeze %dma_start3A_61 : memref<1x128xi32, #tpu.memory_space<vmem>> -> memref<128xi32, #tpu.memory_space<vmem>>
    %dma_start3A_63 = arith.constant 0 : i32
    %dma_start3A_64 = arith.constant 0 : i32
    %dma_start3A_65 = tpu.memref_slice %arg2[%dma_start3A_63, %dma_start3A_64] : memref<50048x8xf32, #tpu.memory_space<hbm>> -> memref<50048x8xf32, #tpu.memory_space<hbm>>
    tpu.enqueue_indirect_dma source(%dma_start3A_65 : memref<50048x8xf32, #tpu.memory_space<hbm>>) target(%dma_start3A_59 : memref<128x8xf32, #tpu.memory_space<vmem>>) offsets(%dma_start3A_62 : memref<128xi32, #tpu.memory_space<vmem>>) semaphore(%arg16 : memref<!tpu.dma_semaphore, #tpu.memory_space<semaphore_mem>>)
    %dma_start3A_66 = arith.constant 6 : i32
    %dma_start3A_67 = arith.constant 0 : i32
    %dma_start3A_68 = arith.constant 0 : i32
    %dma_start3A_69 = tpu.memref_slice %arg12[%dma_start3A_67, %dma_start3A_68] : memref<256x8xf32, #tpu.memory_space<vmem>> -> memref<128x8xf32, #tpu.memory_space<vmem>>
    %dma_start3A_70 = arith.constant 0 : i32
    %dma_start3A_71 = tpu.memref_slice %arg7[%dma_start3A_66, %dma_start3A_70] : memref<196x128xi32, #tpu.memory_space<vmem>> -> memref<1x128xi32, #tpu.memory_space<vmem>>
    %dma_start3A_72 = tpu.memref_squeeze %dma_start3A_71 : memref<1x128xi32, #tpu.memory_space<vmem>> -> memref<128xi32, #tpu.memory_space<vmem>>
    %dma_start3A_73 = arith.constant 0 : i32
    %dma_start3A_74 = arith.constant 0 : i32
    %dma_start3A_75 = tpu.memref_slice %arg2[%dma_start3A_73, %dma_start3A_74] : memref<50048x8xf32, #tpu.memory_space<hbm>> -> memref<50048x8xf32, #tpu.memory_space<hbm>>
    tpu.enqueue_indirect_dma source(%dma_start3A_75 : memref<50048x8xf32, #tpu.memory_space<hbm>>) target(%dma_start3A_69 : memref<128x8xf32, #tpu.memory_space<vmem>>) offsets(%dma_start3A_72 : memref<128xi32, #tpu.memory_space<vmem>>) semaphore(%arg17 : memref<!tpu.dma_semaphore, #tpu.memory_space<semaphore_mem>>)
    %dma_start3A_76 = arith.constant 7 : i32
    %dma_start3A_77 = arith.constant 128 : i32
    %dma_start3A_78 = arith.constant 0 : i32
    %dma_start3A_79 = tpu.memref_slice %arg12[%dma_start3A_77, %dma_start3A_78] : memref<256x8xf32, #tpu.memory_space<vmem>> -> memref<128x8xf32, #tpu.memory_space<vmem>>
    %dma_start3A_80 = arith.constant 0 : i32
    %dma_start3A_81 = tpu.memref_slice %arg7[%dma_start3A_76, %dma_start3A_80] : memref<196x128xi32, #tpu.memory_space<vmem>> -> memref<1x128xi32, #tpu.memory_space<vmem>>
    %dma_start3A_82 = tpu.memref_squeeze %dma_start3A_81 : memref<1x128xi32, #tpu.memory_space<vmem>> -> memref<128xi32, #tpu.memory_space<vmem>>
    %dma_start3A_83 = arith.constant 0 : i32
    %dma_start3A_84 = arith.constant 0 : i32
    %dma_start3A_85 = tpu.memref_slice %arg2[%dma_start3A_83, %dma_start3A_84] : memref<50048x8xf32, #tpu.memory_space<hbm>> -> memref<50048x8xf32, #tpu.memory_space<hbm>>
    tpu.enqueue_indirect_dma source(%dma_start3A_85 : memref<50048x8xf32, #tpu.memory_space<hbm>>) target(%dma_start3A_79 : memref<128x8xf32, #tpu.memory_space<vmem>>) offsets(%dma_start3A_82 : memref<128xi32, #tpu.memory_space<vmem>>) semaphore(%arg17 : memref<!tpu.dma_semaphore, #tpu.memory_space<semaphore_mem>>)
    %scan3A = arith.constant 0 : i32
    %scan3A_86 = arith.constant 0 : i32
    %scan3A_87 = arith.constant 1 : i32
    %scan3A_88 = arith.constant 2 : i32
    %scan3A_89 = arith.constant 3 : i32
    %scan3A_90 = arith.constant 4 : i32
    %scan3A_91 = arith.constant 5 : i32
    %scan3A_92 = arith.constant 6 : i32
    %scan3A_93 = arith.constant 7 : i32
    %scan3A_94 = arith.constant 0 : i32
    %scan3A_95 = arith.constant 23 : i32
    %scan3A_96 = arith.addi %scan3A_94, %scan3A_95 : i32
    %scan3A_97 = arith.constant 1 : i32
    scf.for %scan3A_268 = %scan3A_94 to %scan3A_96 step %scan3A_97  : i32 {
      %mul3A_269 = arith.constant 4 : i32
      %mul3A_270 = arith.muli %mul3A_269, %scan3A_268 : i32
      %dma_wait3A_271 = arith.constant 0 : i32
      %dma_wait3A_272 = arith.constant 0 : i32
      %dma_wait3A_273 = tpu.memref_slice %arg9[%dma_wait3A_271, %dma_wait3A_272] : memref<256x8xf32, #tpu.memory_space<vmem>> -> memref<128x8xf32, #tpu.memory_space<vmem>>
      %dma_wait3A_274 = arith.constant 0 : i32
      %dma_wait3A_275 = tpu.memref_slice %arg7[%scan3A_86, %dma_wait3A_274] : memref<196x128xi32, #tpu.memory_space<vmem>> -> memref<1x128xi32, #tpu.memory_space<vmem>>
      %dma_wait3A_276 = tpu.memref_squeeze %dma_wait3A_275 : memref<1x128xi32, #tpu.memory_space<vmem>> -> memref<128xi32, #tpu.memory_space<vmem>>
      %dma_wait3A_277 = arith.constant 0 : i32
      %dma_wait3A_278 = arith.constant 0 : i32
      %dma_wait3A_279 = tpu.memref_slice %arg2[%dma_wait3A_277, %dma_wait3A_278] : memref<50048x8xf32, #tpu.memory_space<hbm>> -> memref<50048x8xf32, #tpu.memory_space<hbm>>
      tpu.wait_indirect_dma semaphore(%arg14 : memref<!tpu.dma_semaphore, #tpu.memory_space<semaphore_mem>>) src(%dma_wait3A_279 : memref<50048x8xf32, #tpu.memory_space<hbm>>) dst(%dma_wait3A_273 : memref<128x8xf32, #tpu.memory_space<vmem>>)
      %dma_wait3A_280 = arith.constant 128 : i32
      %dma_wait3A_281 = arith.constant 0 : i32
      %dma_wait3A_282 = tpu.memref_slice %arg9[%dma_wait3A_280, %dma_wait3A_281] : memref<256x8xf32, #tpu.memory_space<vmem>> -> memref<128x8xf32, #tpu.memory_space<vmem>>
      %dma_wait3A_283 = arith.constant 0 : i32
      %dma_wait3A_284 = tpu.memref_slice %arg7[%scan3A_87, %dma_wait3A_283] : memref<196x128xi32, #tpu.memory_space<vmem>> -> memref<1x128xi32, #tpu.memory_space<vmem>>
      %dma_wait3A_285 = tpu.memref_squeeze %dma_wait3A_284 : memref<1x128xi32, #tpu.memory_space<vmem>> -> memref<128xi32, #tpu.memory_space<vmem>>
      %dma_wait3A_286 = arith.constant 0 : i32
      %dma_wait3A_287 = arith.constant 0 : i32
      %dma_wait3A_288 = tpu.memref_slice %arg2[%dma_wait3A_286, %dma_wait3A_287] : memref<50048x8xf32, #tpu.memory_space<hbm>> -> memref<50048x8xf32, #tpu.memory_space<hbm>>
      tpu.wait_indirect_dma semaphore(%arg14 : memref<!tpu.dma_semaphore, #tpu.memory_space<semaphore_mem>>) src(%dma_wait3A_288 : memref<50048x8xf32, #tpu.memory_space<hbm>>) dst(%dma_wait3A_282 : memref<128x8xf32, #tpu.memory_space<vmem>>)
      %add3A_289 = arith.constant 0 : i32
      %add3A_290 = arith.addi %mul3A_270, %add3A_289 : i32
      %dma_start3A_291 = arith.constant 0 : i32
      %dma_start3A_292 = tpu.memref_slice %arg8[%add3A_290, %dma_start3A_291] : memref<98x256xi32, #tpu.memory_space<vmem>> -> memref<1x256xi32, #tpu.memory_space<vmem>>
      %dma_start3A_293 = tpu.memref_squeeze %dma_start3A_292 : memref<1x256xi32, #tpu.memory_space<vmem>> -> memref<256xi32, #tpu.memory_space<vmem>>
      %dma_start3A_294 = arith.constant 0 : i32
      %dma_start3A_295 = arith.constant 0 : i32
      %dma_start3A_296 = tpu.memref_slice %arg13[%dma_start3A_294, %dma_start3A_295] : memref<50048x8xf32, #tpu.memory_space<vmem_shared>> -> memref<50048x8xf32, #tpu.memory_space<vmem_shared>>
      tpu.enqueue_indirect_dma source(%arg9 : memref<256x8xf32, #tpu.memory_space<vmem>>) target(%dma_start3A_296 : memref<50048x8xf32, #tpu.memory_space<vmem_shared>>) offsets(%dma_start3A_293 : memref<256xi32, #tpu.memory_space<vmem>>) semaphore(%arg18 : memref<!tpu.dma_semaphore, #tpu.memory_space<semaphore_mem>>) {add = true}
      %dma_wait3A_297 = arith.constant 0 : i32
      %dma_wait3A_298 = tpu.memref_slice %arg8[%add3A_290, %dma_wait3A_297] : memref<98x256xi32, #tpu.memory_space<vmem>> -> memref<1x256xi32, #tpu.memory_space<vmem>>
      %dma_wait3A_299 = tpu.memref_squeeze %dma_wait3A_298 : memref<1x256xi32, #tpu.memory_space<vmem>> -> memref<256xi32, #tpu.memory_space<vmem>>
      %dma_wait3A_300 = arith.constant 0 : i32
      %dma_wait3A_301 = arith.constant 0 : i32
      %dma_wait3A_302 = tpu.memref_slice %arg13[%dma_wait3A_300, %dma_wait3A_301] : memref<50048x8xf32, #tpu.memory_space<vmem_shared>> -> memref<50048x8xf32, #tpu.memory_space<vmem_shared>>
      tpu.wait_indirect_dma semaphore(%arg18 : memref<!tpu.dma_semaphore, #tpu.memory_space<semaphore_mem>>) src(%arg9 : memref<256x8xf32, #tpu.memory_space<vmem>>) dst(%dma_wait3A_302 : memref<50048x8xf32, #tpu.memory_space<vmem_shared>>)
      %add3A_303 = arith.constant 0 : i32
      %add3A_304 = arith.addi %mul3A_270, %add3A_303 : i32
      %add3A_305 = arith.constant 4 : i32
      %add3A_306 = arith.addi %add3A_304, %add3A_305 : i32
      %mul3A_307 = arith.constant 2 : i32
      %mul3A_308 = arith.muli %mul3A_307, %add3A_306 : i32
      %dma_start3A_309 = arith.constant 0 : i32
      %dma_start3A_310 = arith.constant 0 : i32
      %dma_start3A_311 = tpu.memref_slice %arg9[%dma_start3A_309, %dma_start3A_310] : memref<256x8xf32, #tpu.memory_space<vmem>> -> memref<128x8xf32, #tpu.memory_space<vmem>>
      %dma_start3A_312 = arith.constant 0 : i32
      %dma_start3A_313 = tpu.memref_slice %arg7[%mul3A_308, %dma_start3A_312] : memref<196x128xi32, #tpu.memory_space<vmem>> -> memref<1x128xi32, #tpu.memory_space<vmem>>
      %dma_start3A_314 = tpu.memref_squeeze %dma_start3A_313 : memref<1x128xi32, #tpu.memory_space<vmem>> -> memref<128xi32, #tpu.memory_space<vmem>>
      %dma_start3A_315 = arith.constant 0 : i32
      %dma_start3A_316 = arith.constant 0 : i32
      %dma_start3A_317 = tpu.memref_slice %arg2[%dma_start3A_315, %dma_start3A_316] : memref<50048x8xf32, #tpu.memory_space<hbm>> -> memref<50048x8xf32, #tpu.memory_space<hbm>>
      tpu.enqueue_indirect_dma source(%dma_start3A_317 : memref<50048x8xf32, #tpu.memory_space<hbm>>) target(%dma_start3A_311 : memref<128x8xf32, #tpu.memory_space<vmem>>) offsets(%dma_start3A_314 : memref<128xi32, #tpu.memory_space<vmem>>) semaphore(%arg14 : memref<!tpu.dma_semaphore, #tpu.memory_space<semaphore_mem>>)
      %mul3A_318 = arith.constant 2 : i32
      %mul3A_319 = arith.muli %mul3A_318, %add3A_306 : i32
      %add3A_320 = arith.constant 1 : i32
      %add3A_321 = arith.addi %mul3A_319, %add3A_320 : i32
      %dma_start3A_322 = arith.constant 128 : i32
      %dma_start3A_323 = arith.constant 0 : i32
      %dma_start3A_324 = tpu.memref_slice %arg9[%dma_start3A_322, %dma_start3A_323] : memref<256x8xf32, #tpu.memory_space<vmem>> -> memref<128x8xf32, #tpu.memory_space<vmem>>
      %dma_start3A_325 = arith.constant 0 : i32
      %dma_start3A_326 = tpu.memref_slice %arg7[%add3A_321, %dma_start3A_325] : memref<196x128xi32, #tpu.memory_space<vmem>> -> memref<1x128xi32, #tpu.memory_space<vmem>>
      %dma_start3A_327 = tpu.memref_squeeze %dma_start3A_326 : memref<1x128xi32, #tpu.memory_space<vmem>> -> memref<128xi32, #tpu.memory_space<vmem>>
      %dma_start3A_328 = arith.constant 0 : i32
      %dma_start3A_329 = arith.constant 0 : i32
      %dma_start3A_330 = tpu.memref_slice %arg2[%dma_start3A_328, %dma_start3A_329] : memref<50048x8xf32, #tpu.memory_space<hbm>> -> memref<50048x8xf32, #tpu.memory_space<hbm>>
      tpu.enqueue_indirect_dma source(%dma_start3A_330 : memref<50048x8xf32, #tpu.memory_space<hbm>>) target(%dma_start3A_324 : memref<128x8xf32, #tpu.memory_space<vmem>>) offsets(%dma_start3A_327 : memref<128xi32, #tpu.memory_space<vmem>>) semaphore(%arg14 : memref<!tpu.dma_semaphore, #tpu.memory_space<semaphore_mem>>)
      %dma_wait3A_331 = arith.constant 0 : i32
      %dma_wait3A_332 = arith.constant 0 : i32
      %dma_wait3A_333 = tpu.memref_slice %arg10[%dma_wait3A_331, %dma_wait3A_332] : memref<256x8xf32, #tpu.memory_space<vmem>> -> memref<128x8xf32, #tpu.memory_space<vmem>>
      %dma_wait3A_334 = arith.constant 0 : i32
      %dma_wait3A_335 = tpu.memref_slice %arg7[%scan3A_88, %dma_wait3A_334] : memref<196x128xi32, #tpu.memory_space<vmem>> -> memref<1x128xi32, #tpu.memory_space<vmem>>
      %dma_wait3A_336 = tpu.memref_squeeze %dma_wait3A_335 : memref<1x128xi32, #tpu.memory_space<vmem>> -> memref<128xi32, #tpu.memory_space<vmem>>
      %dma_wait3A_337 = arith.constant 0 : i32
      %dma_wait3A_338 = arith.constant 0 : i32
      %dma_wait3A_339 = tpu.memref_slice %arg2[%dma_wait3A_337, %dma_wait3A_338] : memref<50048x8xf32, #tpu.memory_space<hbm>> -> memref<50048x8xf32, #tpu.memory_space<hbm>>
      tpu.wait_indirect_dma semaphore(%arg15 : memref<!tpu.dma_semaphore, #tpu.memory_space<semaphore_mem>>) src(%dma_wait3A_339 : memref<50048x8xf32, #tpu.memory_space<hbm>>) dst(%dma_wait3A_333 : memref<128x8xf32, #tpu.memory_space<vmem>>)
      %dma_wait3A_340 = arith.constant 128 : i32
      %dma_wait3A_341 = arith.constant 0 : i32
      %dma_wait3A_342 = tpu.memref_slice %arg10[%dma_wait3A_340, %dma_wait3A_341] : memref<256x8xf32, #tpu.memory_space<vmem>> -> memref<128x8xf32, #tpu.memory_space<vmem>>
      %dma_wait3A_343 = arith.constant 0 : i32
      %dma_wait3A_344 = tpu.memref_slice %arg7[%scan3A_89, %dma_wait3A_343] : memref<196x128xi32, #tpu.memory_space<vmem>> -> memref<1x128xi32, #tpu.memory_space<vmem>>
      %dma_wait3A_345 = tpu.memref_squeeze %dma_wait3A_344 : memref<1x128xi32, #tpu.memory_space<vmem>> -> memref<128xi32, #tpu.memory_space<vmem>>
      %dma_wait3A_346 = arith.constant 0 : i32
      %dma_wait3A_347 = arith.constant 0 : i32
      %dma_wait3A_348 = tpu.memref_slice %arg2[%dma_wait3A_346, %dma_wait3A_347] : memref<50048x8xf32, #tpu.memory_space<hbm>> -> memref<50048x8xf32, #tpu.memory_space<hbm>>
      tpu.wait_indirect_dma semaphore(%arg15 : memref<!tpu.dma_semaphore, #tpu.memory_space<semaphore_mem>>) src(%dma_wait3A_348 : memref<50048x8xf32, #tpu.memory_space<hbm>>) dst(%dma_wait3A_342 : memref<128x8xf32, #tpu.memory_space<vmem>>)
      %add3A_349 = arith.constant 1 : i32
      %add3A_350 = arith.addi %mul3A_270, %add3A_349 : i32
      %dma_start3A_351 = arith.constant 0 : i32
      %dma_start3A_352 = tpu.memref_slice %arg8[%add3A_350, %dma_start3A_351] : memref<98x256xi32, #tpu.memory_space<vmem>> -> memref<1x256xi32, #tpu.memory_space<vmem>>
      %dma_start3A_353 = tpu.memref_squeeze %dma_start3A_352 : memref<1x256xi32, #tpu.memory_space<vmem>> -> memref<256xi32, #tpu.memory_space<vmem>>
      %dma_start3A_354 = arith.constant 0 : i32
      %dma_start3A_355 = arith.constant 0 : i32
      %dma_start3A_356 = tpu.memref_slice %arg13[%dma_start3A_354, %dma_start3A_355] : memref<50048x8xf32, #tpu.memory_space<vmem_shared>> -> memref<50048x8xf32, #tpu.memory_space<vmem_shared>>
      tpu.enqueue_indirect_dma source(%arg10 : memref<256x8xf32, #tpu.memory_space<vmem>>) target(%dma_start3A_356 : memref<50048x8xf32, #tpu.memory_space<vmem_shared>>) offsets(%dma_start3A_353 : memref<256xi32, #tpu.memory_space<vmem>>) semaphore(%arg19 : memref<!tpu.dma_semaphore, #tpu.memory_space<semaphore_mem>>) {add = true}
      %dma_wait3A_357 = arith.constant 0 : i32
      %dma_wait3A_358 = tpu.memref_slice %arg8[%add3A_350, %dma_wait3A_357] : memref<98x256xi32, #tpu.memory_space<vmem>> -> memref<1x256xi32, #tpu.memory_space<vmem>>
      %dma_wait3A_359 = tpu.memref_squeeze %dma_wait3A_358 : memref<1x256xi32, #tpu.memory_space<vmem>> -> memref<256xi32, #tpu.memory_space<vmem>>
      %dma_wait3A_360 = arith.constant 0 : i32
      %dma_wait3A_361 = arith.constant 0 : i32
      %dma_wait3A_362 = tpu.memref_slice %arg13[%dma_wait3A_360, %dma_wait3A_361] : memref<50048x8xf32, #tpu.memory_space<vmem_shared>> -> memref<50048x8xf32, #tpu.memory_space<vmem_shared>>
      tpu.wait_indirect_dma semaphore(%arg19 : memref<!tpu.dma_semaphore, #tpu.memory_space<semaphore_mem>>) src(%arg10 : memref<256x8xf32, #tpu.memory_space<vmem>>) dst(%dma_wait3A_362 : memref<50048x8xf32, #tpu.memory_space<vmem_shared>>)
      %add3A_363 = arith.constant 1 : i32
      %add3A_364 = arith.addi %mul3A_270, %add3A_363 : i32
      %add3A_365 = arith.constant 4 : i32
      %add3A_366 = arith.addi %add3A_364, %add3A_365 : i32
      %mul3A_367 = arith.constant 2 : i32
      %mul3A_368 = arith.muli %mul3A_367, %add3A_366 : i32
      %dma_start3A_369 = arith.constant 0 : i32
      %dma_start3A_370 = arith.constant 0 : i32
      %dma_start3A_371 = tpu.memref_slice %arg10[%dma_start3A_369, %dma_start3A_370] : memref<256x8xf32, #tpu.memory_space<vmem>> -> memref<128x8xf32, #tpu.memory_space<vmem>>
      %dma_start3A_372 = arith.constant 0 : i32
      %dma_start3A_373 = tpu.memref_slice %arg7[%mul3A_368, %dma_start3A_372] : memref<196x128xi32, #tpu.memory_space<vmem>> -> memref<1x128xi32, #tpu.memory_space<vmem>>
      %dma_start3A_374 = tpu.memref_squeeze %dma_start3A_373 : memref<1x128xi32, #tpu.memory_space<vmem>> -> memref<128xi32, #tpu.memory_space<vmem>>
      %dma_start3A_375 = arith.constant 0 : i32
      %dma_start3A_376 = arith.constant 0 : i32
      %dma_start3A_377 = tpu.memref_slice %arg2[%dma_start3A_375, %dma_start3A_376] : memref<50048x8xf32, #tpu.memory_space<hbm>> -> memref<50048x8xf32, #tpu.memory_space<hbm>>
      tpu.enqueue_indirect_dma source(%dma_start3A_377 : memref<50048x8xf32, #tpu.memory_space<hbm>>) target(%dma_start3A_371 : memref<128x8xf32, #tpu.memory_space<vmem>>) offsets(%dma_start3A_374 : memref<128xi32, #tpu.memory_space<vmem>>) semaphore(%arg15 : memref<!tpu.dma_semaphore, #tpu.memory_space<semaphore_mem>>)
      %mul3A_378 = arith.constant 2 : i32
      %mul3A_379 = arith.muli %mul3A_378, %add3A_366 : i32
      %add3A_380 = arith.constant 1 : i32
      %add3A_381 = arith.addi %mul3A_379, %add3A_380 : i32
      %dma_start3A_382 = arith.constant 128 : i32
      %dma_start3A_383 = arith.constant 0 : i32
      %dma_start3A_384 = tpu.memref_slice %arg10[%dma_start3A_382, %dma_start3A_383] : memref<256x8xf32, #tpu.memory_space<vmem>> -> memref<128x8xf32, #tpu.memory_space<vmem>>
      %dma_start3A_385 = arith.constant 0 : i32
      %dma_start3A_386 = tpu.memref_slice %arg7[%add3A_381, %dma_start3A_385] : memref<196x128xi32, #tpu.memory_space<vmem>> -> memref<1x128xi32, #tpu.memory_space<vmem>>
      %dma_start3A_387 = tpu.memref_squeeze %dma_start3A_386 : memref<1x128xi32, #tpu.memory_space<vmem>> -> memref<128xi32, #tpu.memory_space<vmem>>
      %dma_start3A_388 = arith.constant 0 : i32
      %dma_start3A_389 = arith.constant 0 : i32
      %dma_start3A_390 = tpu.memref_slice %arg2[%dma_start3A_388, %dma_start3A_389] : memref<50048x8xf32, #tpu.memory_space<hbm>> -> memref<50048x8xf32, #tpu.memory_space<hbm>>
      tpu.enqueue_indirect_dma source(%dma_start3A_390 : memref<50048x8xf32, #tpu.memory_space<hbm>>) target(%dma_start3A_384 : memref<128x8xf32, #tpu.memory_space<vmem>>) offsets(%dma_start3A_387 : memref<128xi32, #tpu.memory_space<vmem>>) semaphore(%arg15 : memref<!tpu.dma_semaphore, #tpu.memory_space<semaphore_mem>>)
      %dma_wait3A_391 = arith.constant 0 : i32
      %dma_wait3A_392 = arith.constant 0 : i32
      %dma_wait3A_393 = tpu.memref_slice %arg11[%dma_wait3A_391, %dma_wait3A_392] : memref<256x8xf32, #tpu.memory_space<vmem>> -> memref<128x8xf32, #tpu.memory_space<vmem>>
      %dma_wait3A_394 = arith.constant 0 : i32
      %dma_wait3A_395 = tpu.memref_slice %arg7[%scan3A_90, %dma_wait3A_394] : memref<196x128xi32, #tpu.memory_space<vmem>> -> memref<1x128xi32, #tpu.memory_space<vmem>>
      %dma_wait3A_396 = tpu.memref_squeeze %dma_wait3A_395 : memref<1x128xi32, #tpu.memory_space<vmem>> -> memref<128xi32, #tpu.memory_space<vmem>>
      %dma_wait3A_397 = arith.constant 0 : i32
      %dma_wait3A_398 = arith.constant 0 : i32
      %dma_wait3A_399 = tpu.memref_slice %arg2[%dma_wait3A_397, %dma_wait3A_398] : memref<50048x8xf32, #tpu.memory_space<hbm>> -> memref<50048x8xf32, #tpu.memory_space<hbm>>
      tpu.wait_indirect_dma semaphore(%arg16 : memref<!tpu.dma_semaphore, #tpu.memory_space<semaphore_mem>>) src(%dma_wait3A_399 : memref<50048x8xf32, #tpu.memory_space<hbm>>) dst(%dma_wait3A_393 : memref<128x8xf32, #tpu.memory_space<vmem>>)
      %dma_wait3A_400 = arith.constant 128 : i32
      %dma_wait3A_401 = arith.constant 0 : i32
      %dma_wait3A_402 = tpu.memref_slice %arg11[%dma_wait3A_400, %dma_wait3A_401] : memref<256x8xf32, #tpu.memory_space<vmem>> -> memref<128x8xf32, #tpu.memory_space<vmem>>
      %dma_wait3A_403 = arith.constant 0 : i32
      %dma_wait3A_404 = tpu.memref_slice %arg7[%scan3A_91, %dma_wait3A_403] : memref<196x128xi32, #tpu.memory_space<vmem>> -> memref<1x128xi32, #tpu.memory_space<vmem>>
      %dma_wait3A_405 = tpu.memref_squeeze %dma_wait3A_404 : memref<1x128xi32, #tpu.memory_space<vmem>> -> memref<128xi32, #tpu.memory_space<vmem>>
      %dma_wait3A_406 = arith.constant 0 : i32
      %dma_wait3A_407 = arith.constant 0 : i32
      %dma_wait3A_408 = tpu.memref_slice %arg2[%dma_wait3A_406, %dma_wait3A_407] : memref<50048x8xf32, #tpu.memory_space<hbm>> -> memref<50048x8xf32, #tpu.memory_space<hbm>>
      tpu.wait_indirect_dma semaphore(%arg16 : memref<!tpu.dma_semaphore, #tpu.memory_space<semaphore_mem>>) src(%dma_wait3A_408 : memref<50048x8xf32, #tpu.memory_space<hbm>>) dst(%dma_wait3A_402 : memref<128x8xf32, #tpu.memory_space<vmem>>)
      %add3A_409 = arith.constant 2 : i32
      %add3A_410 = arith.addi %mul3A_270, %add3A_409 : i32
      %dma_start3A_411 = arith.constant 0 : i32
      %dma_start3A_412 = tpu.memref_slice %arg8[%add3A_410, %dma_start3A_411] : memref<98x256xi32, #tpu.memory_space<vmem>> -> memref<1x256xi32, #tpu.memory_space<vmem>>
      %dma_start3A_413 = tpu.memref_squeeze %dma_start3A_412 : memref<1x256xi32, #tpu.memory_space<vmem>> -> memref<256xi32, #tpu.memory_space<vmem>>
      %dma_start3A_414 = arith.constant 0 : i32
      %dma_start3A_415 = arith.constant 0 : i32
      %dma_start3A_416 = tpu.memref_slice %arg13[%dma_start3A_414, %dma_start3A_415] : memref<50048x8xf32, #tpu.memory_space<vmem_shared>> -> memref<50048x8xf32, #tpu.memory_space<vmem_shared>>
      tpu.enqueue_indirect_dma source(%arg11 : memref<256x8xf32, #tpu.memory_space<vmem>>) target(%dma_start3A_416 : memref<50048x8xf32, #tpu.memory_space<vmem_shared>>) offsets(%dma_start3A_413 : memref<256xi32, #tpu.memory_space<vmem>>) semaphore(%arg20 : memref<!tpu.dma_semaphore, #tpu.memory_space<semaphore_mem>>) {add = true}
      %dma_wait3A_417 = arith.constant 0 : i32
      %dma_wait3A_418 = tpu.memref_slice %arg8[%add3A_410, %dma_wait3A_417] : memref<98x256xi32, #tpu.memory_space<vmem>> -> memref<1x256xi32, #tpu.memory_space<vmem>>
      %dma_wait3A_419 = tpu.memref_squeeze %dma_wait3A_418 : memref<1x256xi32, #tpu.memory_space<vmem>> -> memref<256xi32, #tpu.memory_space<vmem>>
      %dma_wait3A_420 = arith.constant 0 : i32
      %dma_wait3A_421 = arith.constant 0 : i32
      %dma_wait3A_422 = tpu.memref_slice %arg13[%dma_wait3A_420, %dma_wait3A_421] : memref<50048x8xf32, #tpu.memory_space<vmem_shared>> -> memref<50048x8xf32, #tpu.memory_space<vmem_shared>>
      tpu.wait_indirect_dma semaphore(%arg20 : memref<!tpu.dma_semaphore, #tpu.memory_space<semaphore_mem>>) src(%arg11 : memref<256x8xf32, #tpu.memory_space<vmem>>) dst(%dma_wait3A_422 : memref<50048x8xf32, #tpu.memory_space<vmem_shared>>)
      %add3A_423 = arith.constant 2 : i32
      %add3A_424 = arith.addi %mul3A_270, %add3A_423 : i32
      %add3A_425 = arith.constant 4 : i32
      %add3A_426 = arith.addi %add3A_424, %add3A_425 : i32
      %mul3A_427 = arith.constant 2 : i32
      %mul3A_428 = arith.muli %mul3A_427, %add3A_426 : i32
      %dma_start3A_429 = arith.constant 0 : i32
      %dma_start3A_430 = arith.constant 0 : i32
      %dma_start3A_431 = tpu.memref_slice %arg11[%dma_start3A_429, %dma_start3A_430] : memref<256x8xf32, #tpu.memory_space<vmem>> -> memref<128x8xf32, #tpu.memory_space<vmem>>
      %dma_start3A_432 = arith.constant 0 : i32
      %dma_start3A_433 = tpu.memref_slice %arg7[%mul3A_428, %dma_start3A_432] : memref<196x128xi32, #tpu.memory_space<vmem>> -> memref<1x128xi32, #tpu.memory_space<vmem>>
      %dma_start3A_434 = tpu.memref_squeeze %dma_start3A_433 : memref<1x128xi32, #tpu.memory_space<vmem>> -> memref<128xi32, #tpu.memory_space<vmem>>
      %dma_start3A_435 = arith.constant 0 : i32
      %dma_start3A_436 = arith.constant 0 : i32
      %dma_start3A_437 = tpu.memref_slice %arg2[%dma_start3A_435, %dma_start3A_436] : memref<50048x8xf32, #tpu.memory_space<hbm>> -> memref<50048x8xf32, #tpu.memory_space<hbm>>
      tpu.enqueue_indirect_dma source(%dma_start3A_437 : memref<50048x8xf32, #tpu.memory_space<hbm>>) target(%dma_start3A_431 : memref<128x8xf32, #tpu.memory_space<vmem>>) offsets(%dma_start3A_434 : memref<128xi32, #tpu.memory_space<vmem>>) semaphore(%arg16 : memref<!tpu.dma_semaphore, #tpu.memory_space<semaphore_mem>>)
      %mul3A_438 = arith.constant 2 : i32
      %mul3A_439 = arith.muli %mul3A_438, %add3A_426 : i32
      %add3A_440 = arith.constant 1 : i32
      %add3A_441 = arith.addi %mul3A_439, %add3A_440 : i32
      %dma_start3A_442 = arith.constant 128 : i32
      %dma_start3A_443 = arith.constant 0 : i32
      %dma_start3A_444 = tpu.memref_slice %arg11[%dma_start3A_442, %dma_start3A_443] : memref<256x8xf32, #tpu.memory_space<vmem>> -> memref<128x8xf32, #tpu.memory_space<vmem>>
      %dma_start3A_445 = arith.constant 0 : i32
      %dma_start3A_446 = tpu.memref_slice %arg7[%add3A_441, %dma_start3A_445] : memref<196x128xi32, #tpu.memory_space<vmem>> -> memref<1x128xi32, #tpu.memory_space<vmem>>
      %dma_start3A_447 = tpu.memref_squeeze %dma_start3A_446 : memref<1x128xi32, #tpu.memory_space<vmem>> -> memref<128xi32, #tpu.memory_space<vmem>>
      %dma_start3A_448 = arith.constant 0 : i32
      %dma_start3A_449 = arith.constant 0 : i32
      %dma_start3A_450 = tpu.memref_slice %arg2[%dma_start3A_448, %dma_start3A_449] : memref<50048x8xf32, #tpu.memory_space<hbm>> -> memref<50048x8xf32, #tpu.memory_space<hbm>>
      tpu.enqueue_indirect_dma source(%dma_start3A_450 : memref<50048x8xf32, #tpu.memory_space<hbm>>) target(%dma_start3A_444 : memref<128x8xf32, #tpu.memory_space<vmem>>) offsets(%dma_start3A_447 : memref<128xi32, #tpu.memory_space<vmem>>) semaphore(%arg16 : memref<!tpu.dma_semaphore, #tpu.memory_space<semaphore_mem>>)
      %dma_wait3A_451 = arith.constant 0 : i32
      %dma_wait3A_452 = arith.constant 0 : i32
      %dma_wait3A_453 = tpu.memref_slice %arg12[%dma_wait3A_451, %dma_wait3A_452] : memref<256x8xf32, #tpu.memory_space<vmem>> -> memref<128x8xf32, #tpu.memory_space<vmem>>
      %dma_wait3A_454 = arith.constant 0 : i32
      %dma_wait3A_455 = tpu.memref_slice %arg7[%scan3A_92, %dma_wait3A_454] : memref<196x128xi32, #tpu.memory_space<vmem>> -> memref<1x128xi32, #tpu.memory_space<vmem>>
      %dma_wait3A_456 = tpu.memref_squeeze %dma_wait3A_455 : memref<1x128xi32, #tpu.memory_space<vmem>> -> memref<128xi32, #tpu.memory_space<vmem>>
      %dma_wait3A_457 = arith.constant 0 : i32
      %dma_wait3A_458 = arith.constant 0 : i32
      %dma_wait3A_459 = tpu.memref_slice %arg2[%dma_wait3A_457, %dma_wait3A_458] : memref<50048x8xf32, #tpu.memory_space<hbm>> -> memref<50048x8xf32, #tpu.memory_space<hbm>>
      tpu.wait_indirect_dma semaphore(%arg17 : memref<!tpu.dma_semaphore, #tpu.memory_space<semaphore_mem>>) src(%dma_wait3A_459 : memref<50048x8xf32, #tpu.memory_space<hbm>>) dst(%dma_wait3A_453 : memref<128x8xf32, #tpu.memory_space<vmem>>)
      %dma_wait3A_460 = arith.constant 128 : i32
      %dma_wait3A_461 = arith.constant 0 : i32
      %dma_wait3A_462 = tpu.memref_slice %arg12[%dma_wait3A_460, %dma_wait3A_461] : memref<256x8xf32, #tpu.memory_space<vmem>> -> memref<128x8xf32, #tpu.memory_space<vmem>>
      %dma_wait3A_463 = arith.constant 0 : i32
      %dma_wait3A_464 = tpu.memref_slice %arg7[%scan3A_93, %dma_wait3A_463] : memref<196x128xi32, #tpu.memory_space<vmem>> -> memref<1x128xi32, #tpu.memory_space<vmem>>
      %dma_wait3A_465 = tpu.memref_squeeze %dma_wait3A_464 : memref<1x128xi32, #tpu.memory_space<vmem>> -> memref<128xi32, #tpu.memory_space<vmem>>
      %dma_wait3A_466 = arith.constant 0 : i32
      %dma_wait3A_467 = arith.constant 0 : i32
      %dma_wait3A_468 = tpu.memref_slice %arg2[%dma_wait3A_466, %dma_wait3A_467] : memref<50048x8xf32, #tpu.memory_space<hbm>> -> memref<50048x8xf32, #tpu.memory_space<hbm>>
      tpu.wait_indirect_dma semaphore(%arg17 : memref<!tpu.dma_semaphore, #tpu.memory_space<semaphore_mem>>) src(%dma_wait3A_468 : memref<50048x8xf32, #tpu.memory_space<hbm>>) dst(%dma_wait3A_462 : memref<128x8xf32, #tpu.memory_space<vmem>>)
      %add3A_469 = arith.constant 3 : i32
      %add3A_470 = arith.addi %mul3A_270, %add3A_469 : i32
      %dma_start3A_471 = arith.constant 0 : i32
      %dma_start3A_472 = tpu.memref_slice %arg8[%add3A_470, %dma_start3A_471] : memref<98x256xi32, #tpu.memory_space<vmem>> -> memref<1x256xi32, #tpu.memory_space<vmem>>
      %dma_start3A_473 = tpu.memref_squeeze %dma_start3A_472 : memref<1x256xi32, #tpu.memory_space<vmem>> -> memref<256xi32, #tpu.memory_space<vmem>>
      %dma_start3A_474 = arith.constant 0 : i32
      %dma_start3A_475 = arith.constant 0 : i32
      %dma_start3A_476 = tpu.memref_slice %arg13[%dma_start3A_474, %dma_start3A_475] : memref<50048x8xf32, #tpu.memory_space<vmem_shared>> -> memref<50048x8xf32, #tpu.memory_space<vmem_shared>>
      tpu.enqueue_indirect_dma source(%arg12 : memref<256x8xf32, #tpu.memory_space<vmem>>) target(%dma_start3A_476 : memref<50048x8xf32, #tpu.memory_space<vmem_shared>>) offsets(%dma_start3A_473 : memref<256xi32, #tpu.memory_space<vmem>>) semaphore(%arg21 : memref<!tpu.dma_semaphore, #tpu.memory_space<semaphore_mem>>) {add = true}
      %dma_wait3A_477 = arith.constant 0 : i32
      %dma_wait3A_478 = tpu.memref_slice %arg8[%add3A_470, %dma_wait3A_477] : memref<98x256xi32, #tpu.memory_space<vmem>> -> memref<1x256xi32, #tpu.memory_space<vmem>>
      %dma_wait3A_479 = tpu.memref_squeeze %dma_wait3A_478 : memref<1x256xi32, #tpu.memory_space<vmem>> -> memref<256xi32, #tpu.memory_space<vmem>>
      %dma_wait3A_480 = arith.constant 0 : i32
      %dma_wait3A_481 = arith.constant 0 : i32
      %dma_wait3A_482 = tpu.memref_slice %arg13[%dma_wait3A_480, %dma_wait3A_481] : memref<50048x8xf32, #tpu.memory_space<vmem_shared>> -> memref<50048x8xf32, #tpu.memory_space<vmem_shared>>
      tpu.wait_indirect_dma semaphore(%arg21 : memref<!tpu.dma_semaphore, #tpu.memory_space<semaphore_mem>>) src(%arg12 : memref<256x8xf32, #tpu.memory_space<vmem>>) dst(%dma_wait3A_482 : memref<50048x8xf32, #tpu.memory_space<vmem_shared>>)
      %add3A_483 = arith.constant 3 : i32
      %add3A_484 = arith.addi %mul3A_270, %add3A_483 : i32
      %add3A_485 = arith.constant 4 : i32
      %add3A_486 = arith.addi %add3A_484, %add3A_485 : i32
      %mul3A_487 = arith.constant 2 : i32
      %mul3A_488 = arith.muli %mul3A_487, %add3A_486 : i32
      %dma_start3A_489 = arith.constant 0 : i32
      %dma_start3A_490 = arith.constant 0 : i32
      %dma_start3A_491 = tpu.memref_slice %arg12[%dma_start3A_489, %dma_start3A_490] : memref<256x8xf32, #tpu.memory_space<vmem>> -> memref<128x8xf32, #tpu.memory_space<vmem>>
      %dma_start3A_492 = arith.constant 0 : i32
      %dma_start3A_493 = tpu.memref_slice %arg7[%mul3A_488, %dma_start3A_492] : memref<196x128xi32, #tpu.memory_space<vmem>> -> memref<1x128xi32, #tpu.memory_space<vmem>>
      %dma_start3A_494 = tpu.memref_squeeze %dma_start3A_493 : memref<1x128xi32, #tpu.memory_space<vmem>> -> memref<128xi32, #tpu.memory_space<vmem>>
      %dma_start3A_495 = arith.constant 0 : i32
      %dma_start3A_496 = arith.constant 0 : i32
      %dma_start3A_497 = tpu.memref_slice %arg2[%dma_start3A_495, %dma_start3A_496] : memref<50048x8xf32, #tpu.memory_space<hbm>> -> memref<50048x8xf32, #tpu.memory_space<hbm>>
      tpu.enqueue_indirect_dma source(%dma_start3A_497 : memref<50048x8xf32, #tpu.memory_space<hbm>>) target(%dma_start3A_491 : memref<128x8xf32, #tpu.memory_space<vmem>>) offsets(%dma_start3A_494 : memref<128xi32, #tpu.memory_space<vmem>>) semaphore(%arg17 : memref<!tpu.dma_semaphore, #tpu.memory_space<semaphore_mem>>)
      %mul3A_498 = arith.constant 2 : i32
      %mul3A_499 = arith.muli %mul3A_498, %add3A_486 : i32
      %add3A_500 = arith.constant 1 : i32
      %add3A_501 = arith.addi %mul3A_499, %add3A_500 : i32
      %dma_start3A_502 = arith.constant 128 : i32
      %dma_start3A_503 = arith.constant 0 : i32
      %dma_start3A_504 = tpu.memref_slice %arg12[%dma_start3A_502, %dma_start3A_503] : memref<256x8xf32, #tpu.memory_space<vmem>> -> memref<128x8xf32, #tpu.memory_space<vmem>>
      %dma_start3A_505 = arith.constant 0 : i32
      %dma_start3A_506 = tpu.memref_slice %arg7[%add3A_501, %dma_start3A_505] : memref<196x128xi32, #tpu.memory_space<vmem>> -> memref<1x128xi32, #tpu.memory_space<vmem>>
      %dma_start3A_507 = tpu.memref_squeeze %dma_start3A_506 : memref<1x128xi32, #tpu.memory_space<vmem>> -> memref<128xi32, #tpu.memory_space<vmem>>
      %dma_start3A_508 = arith.constant 0 : i32
      %dma_start3A_509 = arith.constant 0 : i32
      %dma_start3A_510 = tpu.memref_slice %arg2[%dma_start3A_508, %dma_start3A_509] : memref<50048x8xf32, #tpu.memory_space<hbm>> -> memref<50048x8xf32, #tpu.memory_space<hbm>>
      tpu.enqueue_indirect_dma source(%dma_start3A_510 : memref<50048x8xf32, #tpu.memory_space<hbm>>) target(%dma_start3A_504 : memref<128x8xf32, #tpu.memory_space<vmem>>) offsets(%dma_start3A_507 : memref<128xi32, #tpu.memory_space<vmem>>) semaphore(%arg17 : memref<!tpu.dma_semaphore, #tpu.memory_space<semaphore_mem>>)
    }
    %scan3A_98 = arith.constant 23 : i32
    %dma_wait3A = arith.constant 0 : i32
    %dma_wait3A_99 = arith.constant 0 : i32
    %dma_wait3A_100 = arith.constant 0 : i32
    %dma_wait3A_101 = tpu.memref_slice %arg9[%dma_wait3A_99, %dma_wait3A_100] : memref<256x8xf32, #tpu.memory_space<vmem>> -> memref<128x8xf32, #tpu.memory_space<vmem>>
    %dma_wait3A_102 = arith.constant 0 : i32
    %dma_wait3A_103 = tpu.memref_slice %arg7[%dma_wait3A, %dma_wait3A_102] : memref<196x128xi32, #tpu.memory_space<vmem>> -> memref<1x128xi32, #tpu.memory_space<vmem>>
    %dma_wait3A_104 = tpu.memref_squeeze %dma_wait3A_103 : memref<1x128xi32, #tpu.memory_space<vmem>> -> memref<128xi32, #tpu.memory_space<vmem>>
    %dma_wait3A_105 = arith.constant 0 : i32
    %dma_wait3A_106 = arith.constant 0 : i32
    %dma_wait3A_107 = tpu.memref_slice %arg2[%dma_wait3A_105, %dma_wait3A_106] : memref<50048x8xf32, #tpu.memory_space<hbm>> -> memref<50048x8xf32, #tpu.memory_space<hbm>>
    tpu.wait_indirect_dma semaphore(%arg14 : memref<!tpu.dma_semaphore, #tpu.memory_space<semaphore_mem>>) src(%dma_wait3A_107 : memref<50048x8xf32, #tpu.memory_space<hbm>>) dst(%dma_wait3A_101 : memref<128x8xf32, #tpu.memory_space<vmem>>)
    %dma_wait3A_108 = arith.constant 1 : i32
    %dma_wait3A_109 = arith.constant 128 : i32
    %dma_wait3A_110 = arith.constant 0 : i32
    %dma_wait3A_111 = tpu.memref_slice %arg9[%dma_wait3A_109, %dma_wait3A_110] : memref<256x8xf32, #tpu.memory_space<vmem>> -> memref<128x8xf32, #tpu.memory_space<vmem>>
    %dma_wait3A_112 = arith.constant 0 : i32
    %dma_wait3A_113 = tpu.memref_slice %arg7[%dma_wait3A_108, %dma_wait3A_112] : memref<196x128xi32, #tpu.memory_space<vmem>> -> memref<1x128xi32, #tpu.memory_space<vmem>>
    %dma_wait3A_114 = tpu.memref_squeeze %dma_wait3A_113 : memref<1x128xi32, #tpu.memory_space<vmem>> -> memref<128xi32, #tpu.memory_space<vmem>>
    %dma_wait3A_115 = arith.constant 0 : i32
    %dma_wait3A_116 = arith.constant 0 : i32
    %dma_wait3A_117 = tpu.memref_slice %arg2[%dma_wait3A_115, %dma_wait3A_116] : memref<50048x8xf32, #tpu.memory_space<hbm>> -> memref<50048x8xf32, #tpu.memory_space<hbm>>
    tpu.wait_indirect_dma semaphore(%arg14 : memref<!tpu.dma_semaphore, #tpu.memory_space<semaphore_mem>>) src(%dma_wait3A_117 : memref<50048x8xf32, #tpu.memory_space<hbm>>) dst(%dma_wait3A_111 : memref<128x8xf32, #tpu.memory_space<vmem>>)
    %run_scoped3A = arith.constant 92 : i32
    "tpu.region"() ({
      %run_scoped3A_268 = tpu.sem_alloc : memref<!tpu.dma_semaphore, #tpu.memory_space<semaphore_mem>>
      %dma_start3A_269 = arith.constant 0 : i32
      %dma_start3A_270 = tpu.memref_slice %arg8[%run_scoped3A, %dma_start3A_269] : memref<98x256xi32, #tpu.memory_space<vmem>> -> memref<1x256xi32, #tpu.memory_space<vmem>>
      %dma_start3A_271 = tpu.memref_squeeze %dma_start3A_270 : memref<1x256xi32, #tpu.memory_space<vmem>> -> memref<256xi32, #tpu.memory_space<vmem>>
      %dma_start3A_272 = arith.constant 0 : i32
      %dma_start3A_273 = arith.constant 0 : i32
      %dma_start3A_274 = tpu.memref_slice %arg13[%dma_start3A_272, %dma_start3A_273] : memref<50048x8xf32, #tpu.memory_space<vmem_shared>> -> memref<50048x8xf32, #tpu.memory_space<vmem_shared>>
      tpu.enqueue_indirect_dma source(%arg9 : memref<256x8xf32, #tpu.memory_space<vmem>>) target(%dma_start3A_274 : memref<50048x8xf32, #tpu.memory_space<vmem_shared>>) offsets(%dma_start3A_271 : memref<256xi32, #tpu.memory_space<vmem>>) semaphore(%run_scoped3A_268 : memref<!tpu.dma_semaphore, #tpu.memory_space<semaphore_mem>>) {add = true}
      %dma_wait3A_275 = arith.constant 0 : i32
      %dma_wait3A_276 = tpu.memref_slice %arg8[%run_scoped3A, %dma_wait3A_275] : memref<98x256xi32, #tpu.memory_space<vmem>> -> memref<1x256xi32, #tpu.memory_space<vmem>>
      %dma_wait3A_277 = tpu.memref_squeeze %dma_wait3A_276 : memref<1x256xi32, #tpu.memory_space<vmem>> -> memref<256xi32, #tpu.memory_space<vmem>>
      %dma_wait3A_278 = arith.constant 0 : i32
      %dma_wait3A_279 = arith.constant 0 : i32
      %dma_wait3A_280 = tpu.memref_slice %arg13[%dma_wait3A_278, %dma_wait3A_279] : memref<50048x8xf32, #tpu.memory_space<vmem_shared>> -> memref<50048x8xf32, #tpu.memory_space<vmem_shared>>
      tpu.wait_indirect_dma semaphore(%run_scoped3A_268 : memref<!tpu.dma_semaphore, #tpu.memory_space<semaphore_mem>>) src(%arg9 : memref<256x8xf32, #tpu.memory_space<vmem>>) dst(%dma_wait3A_280 : memref<50048x8xf32, #tpu.memory_space<vmem_shared>>)
      tpu.yield
    }) : () -> ()
    %dma_wait3A_118 = arith.constant 2 : i32
    %dma_wait3A_119 = arith.constant 0 : i32
    %dma_wait3A_120 = arith.constant 0 : i32
    %dma_wait3A_121 = tpu.memref_slice %arg10[%dma_wait3A_119, %dma_wait3A_120] : memref<256x8xf32, #tpu.memory_space<vmem>> -> memref<128x8xf32, #tpu.memory_space<vmem>>
    %dma_wait3A_122 = arith.constant 0 : i32
    %dma_wait3A_123 = tpu.memref_slice %arg7[%dma_wait3A_118, %dma_wait3A_122] : memref<196x128xi32, #tpu.memory_space<vmem>> -> memref<1x128xi32, #tpu.memory_space<vmem>>
    %dma_wait3A_124 = tpu.memref_squeeze %dma_wait3A_123 : memref<1x128xi32, #tpu.memory_space<vmem>> -> memref<128xi32, #tpu.memory_space<vmem>>
    %dma_wait3A_125 = arith.constant 0 : i32
    %dma_wait3A_126 = arith.constant 0 : i32
    %dma_wait3A_127 = tpu.memref_slice %arg2[%dma_wait3A_125, %dma_wait3A_126] : memref<50048x8xf32, #tpu.memory_space<hbm>> -> memref<50048x8xf32, #tpu.memory_space<hbm>>
    tpu.wait_indirect_dma semaphore(%arg15 : memref<!tpu.dma_semaphore, #tpu.memory_space<semaphore_mem>>) src(%dma_wait3A_127 : memref<50048x8xf32, #tpu.memory_space<hbm>>) dst(%dma_wait3A_121 : memref<128x8xf32, #tpu.memory_space<vmem>>)
    %dma_wait3A_128 = arith.constant 3 : i32
    %dma_wait3A_129 = arith.constant 128 : i32
    %dma_wait3A_130 = arith.constant 0 : i32
    %dma_wait3A_131 = tpu.memref_slice %arg10[%dma_wait3A_129, %dma_wait3A_130] : memref<256x8xf32, #tpu.memory_space<vmem>> -> memref<128x8xf32, #tpu.memory_space<vmem>>
    %dma_wait3A_132 = arith.constant 0 : i32
    %dma_wait3A_133 = tpu.memref_slice %arg7[%dma_wait3A_128, %dma_wait3A_132] : memref<196x128xi32, #tpu.memory_space<vmem>> -> memref<1x128xi32, #tpu.memory_space<vmem>>
    %dma_wait3A_134 = tpu.memref_squeeze %dma_wait3A_133 : memref<1x128xi32, #tpu.memory_space<vmem>> -> memref<128xi32, #tpu.memory_space<vmem>>
    %dma_wait3A_135 = arith.constant 0 : i32
    %dma_wait3A_136 = arith.constant 0 : i32
    %dma_wait3A_137 = tpu.memref_slice %arg2[%dma_wait3A_135, %dma_wait3A_136] : memref<50048x8xf32, #tpu.memory_space<hbm>> -> memref<50048x8xf32, #tpu.memory_space<hbm>>
    tpu.wait_indirect_dma semaphore(%arg15 : memref<!tpu.dma_semaphore, #tpu.memory_space<semaphore_mem>>) src(%dma_wait3A_137 : memref<50048x8xf32, #tpu.memory_space<hbm>>) dst(%dma_wait3A_131 : memref<128x8xf32, #tpu.memory_space<vmem>>)
    %run_scoped3A_138 = arith.constant 93 : i32
    "tpu.region"() ({
      %run_scoped3A_268 = tpu.sem_alloc : memref<!tpu.dma_semaphore, #tpu.memory_space<semaphore_mem>>
      %dma_start3A_269 = arith.constant 0 : i32
      %dma_start3A_270 = tpu.memref_slice %arg8[%run_scoped3A_138, %dma_start3A_269] : memref<98x256xi32, #tpu.memory_space<vmem>> -> memref<1x256xi32, #tpu.memory_space<vmem>>
      %dma_start3A_271 = tpu.memref_squeeze %dma_start3A_270 : memref<1x256xi32, #tpu.memory_space<vmem>> -> memref<256xi32, #tpu.memory_space<vmem>>
      %dma_start3A_272 = arith.constant 0 : i32
      %dma_start3A_273 = arith.constant 0 : i32
      %dma_start3A_274 = tpu.memref_slice %arg13[%dma_start3A_272, %dma_start3A_273] : memref<50048x8xf32, #tpu.memory_space<vmem_shared>> -> memref<50048x8xf32, #tpu.memory_space<vmem_shared>>
      tpu.enqueue_indirect_dma source(%arg10 : memref<256x8xf32, #tpu.memory_space<vmem>>) target(%dma_start3A_274 : memref<50048x8xf32, #tpu.memory_space<vmem_shared>>) offsets(%dma_start3A_271 : memref<256xi32, #tpu.memory_space<vmem>>) semaphore(%run_scoped3A_268 : memref<!tpu.dma_semaphore, #tpu.memory_space<semaphore_mem>>) {add = true}
      %dma_wait3A_275 = arith.constant 0 : i32
      %dma_wait3A_276 = tpu.memref_slice %arg8[%run_scoped3A_138, %dma_wait3A_275] : memref<98x256xi32, #tpu.memory_space<vmem>> -> memref<1x256xi32, #tpu.memory_space<vmem>>
      %dma_wait3A_277 = tpu.memref_squeeze %dma_wait3A_276 : memref<1x256xi32, #tpu.memory_space<vmem>> -> memref<256xi32, #tpu.memory_space<vmem>>
      %dma_wait3A_278 = arith.constant 0 : i32
      %dma_wait3A_279 = arith.constant 0 : i32
      %dma_wait3A_280 = tpu.memref_slice %arg13[%dma_wait3A_278, %dma_wait3A_279] : memref<50048x8xf32, #tpu.memory_space<vmem_shared>> -> memref<50048x8xf32, #tpu.memory_space<vmem_shared>>
      tpu.wait_indirect_dma semaphore(%run_scoped3A_268 : memref<!tpu.dma_semaphore, #tpu.memory_space<semaphore_mem>>) src(%arg10 : memref<256x8xf32, #tpu.memory_space<vmem>>) dst(%dma_wait3A_280 : memref<50048x8xf32, #tpu.memory_space<vmem_shared>>)
      tpu.yield
    }) : () -> ()
    %dma_wait3A_139 = arith.constant 4 : i32
    %dma_wait3A_140 = arith.constant 0 : i32
    %dma_wait3A_141 = arith.constant 0 : i32
    %dma_wait3A_142 = tpu.memref_slice %arg11[%dma_wait3A_140, %dma_wait3A_141] : memref<256x8xf32, #tpu.memory_space<vmem>> -> memref<128x8xf32, #tpu.memory_space<vmem>>
    %dma_wait3A_143 = arith.constant 0 : i32
    %dma_wait3A_144 = tpu.memref_slice %arg7[%dma_wait3A_139, %dma_wait3A_143] : memref<196x128xi32, #tpu.memory_space<vmem>> -> memref<1x128xi32, #tpu.memory_space<vmem>>
    %dma_wait3A_145 = tpu.memref_squeeze %dma_wait3A_144 : memref<1x128xi32, #tpu.memory_space<vmem>> -> memref<128xi32, #tpu.memory_space<vmem>>
    %dma_wait3A_146 = arith.constant 0 : i32
    %dma_wait3A_147 = arith.constant 0 : i32
    %dma_wait3A_148 = tpu.memref_slice %arg2[%dma_wait3A_146, %dma_wait3A_147] : memref<50048x8xf32, #tpu.memory_space<hbm>> -> memref<50048x8xf32, #tpu.memory_space<hbm>>
    tpu.wait_indirect_dma semaphore(%arg16 : memref<!tpu.dma_semaphore, #tpu.memory_space<semaphore_mem>>) src(%dma_wait3A_148 : memref<50048x8xf32, #tpu.memory_space<hbm>>) dst(%dma_wait3A_142 : memref<128x8xf32, #tpu.memory_space<vmem>>)
    %dma_wait3A_149 = arith.constant 5 : i32
    %dma_wait3A_150 = arith.constant 128 : i32
    %dma_wait3A_151 = arith.constant 0 : i32
    %dma_wait3A_152 = tpu.memref_slice %arg11[%dma_wait3A_150, %dma_wait3A_151] : memref<256x8xf32, #tpu.memory_space<vmem>> -> memref<128x8xf32, #tpu.memory_space<vmem>>
    %dma_wait3A_153 = arith.constant 0 : i32
    %dma_wait3A_154 = tpu.memref_slice %arg7[%dma_wait3A_149, %dma_wait3A_153] : memref<196x128xi32, #tpu.memory_space<vmem>> -> memref<1x128xi32, #tpu.memory_space<vmem>>
    %dma_wait3A_155 = tpu.memref_squeeze %dma_wait3A_154 : memref<1x128xi32, #tpu.memory_space<vmem>> -> memref<128xi32, #tpu.memory_space<vmem>>
    %dma_wait3A_156 = arith.constant 0 : i32
    %dma_wait3A_157 = arith.constant 0 : i32
    %dma_wait3A_158 = tpu.memref_slice %arg2[%dma_wait3A_156, %dma_wait3A_157] : memref<50048x8xf32, #tpu.memory_space<hbm>> -> memref<50048x8xf32, #tpu.memory_space<hbm>>
    tpu.wait_indirect_dma semaphore(%arg16 : memref<!tpu.dma_semaphore, #tpu.memory_space<semaphore_mem>>) src(%dma_wait3A_158 : memref<50048x8xf32, #tpu.memory_space<hbm>>) dst(%dma_wait3A_152 : memref<128x8xf32, #tpu.memory_space<vmem>>)
    %run_scoped3A_159 = arith.constant 94 : i32
    "tpu.region"() ({
      %run_scoped3A_268 = tpu.sem_alloc : memref<!tpu.dma_semaphore, #tpu.memory_space<semaphore_mem>>
      %dma_start3A_269 = arith.constant 0 : i32
      %dma_start3A_270 = tpu.memref_slice %arg8[%run_scoped3A_159, %dma_start3A_269] : memref<98x256xi32, #tpu.memory_space<vmem>> -> memref<1x256xi32, #tpu.memory_space<vmem>>
      %dma_start3A_271 = tpu.memref_squeeze %dma_start3A_270 : memref<1x256xi32, #tpu.memory_space<vmem>> -> memref<256xi32, #tpu.memory_space<vmem>>
      %dma_start3A_272 = arith.constant 0 : i32
      %dma_start3A_273 = arith.constant 0 : i32
      %dma_start3A_274 = tpu.memref_slice %arg13[%dma_start3A_272, %dma_start3A_273] : memref<50048x8xf32, #tpu.memory_space<vmem_shared>> -> memref<50048x8xf32, #tpu.memory_space<vmem_shared>>
      tpu.enqueue_indirect_dma source(%arg11 : memref<256x8xf32, #tpu.memory_space<vmem>>) target(%dma_start3A_274 : memref<50048x8xf32, #tpu.memory_space<vmem_shared>>) offsets(%dma_start3A_271 : memref<256xi32, #tpu.memory_space<vmem>>) semaphore(%run_scoped3A_268 : memref<!tpu.dma_semaphore, #tpu.memory_space<semaphore_mem>>) {add = true}
      %dma_wait3A_275 = arith.constant 0 : i32
      %dma_wait3A_276 = tpu.memref_slice %arg8[%run_scoped3A_159, %dma_wait3A_275] : memref<98x256xi32, #tpu.memory_space<vmem>> -> memref<1x256xi32, #tpu.memory_space<vmem>>
      %dma_wait3A_277 = tpu.memref_squeeze %dma_wait3A_276 : memref<1x256xi32, #tpu.memory_space<vmem>> -> memref<256xi32, #tpu.memory_space<vmem>>
      %dma_wait3A_278 = arith.constant 0 : i32
      %dma_wait3A_279 = arith.constant 0 : i32
      %dma_wait3A_280 = tpu.memref_slice %arg13[%dma_wait3A_278, %dma_wait3A_279] : memref<50048x8xf32, #tpu.memory_space<vmem_shared>> -> memref<50048x8xf32, #tpu.memory_space<vmem_shared>>
      tpu.wait_indirect_dma semaphore(%run_scoped3A_268 : memref<!tpu.dma_semaphore, #tpu.memory_space<semaphore_mem>>) src(%arg11 : memref<256x8xf32, #tpu.memory_space<vmem>>) dst(%dma_wait3A_280 : memref<50048x8xf32, #tpu.memory_space<vmem_shared>>)
      tpu.yield
    }) : () -> ()
    %dma_wait3A_160 = arith.constant 6 : i32
    %dma_wait3A_161 = arith.constant 0 : i32
    %dma_wait3A_162 = arith.constant 0 : i32
    %dma_wait3A_163 = tpu.memref_slice %arg12[%dma_wait3A_161, %dma_wait3A_162] : memref<256x8xf32, #tpu.memory_space<vmem>> -> memref<128x8xf32, #tpu.memory_space<vmem>>
    %dma_wait3A_164 = arith.constant 0 : i32
    %dma_wait3A_165 = tpu.memref_slice %arg7[%dma_wait3A_160, %dma_wait3A_164] : memref<196x128xi32, #tpu.memory_space<vmem>> -> memref<1x128xi32, #tpu.memory_space<vmem>>
    %dma_wait3A_166 = tpu.memref_squeeze %dma_wait3A_165 : memref<1x128xi32, #tpu.memory_space<vmem>> -> memref<128xi32, #tpu.memory_space<vmem>>
    %dma_wait3A_167 = arith.constant 0 : i32
    %dma_wait3A_168 = arith.constant 0 : i32
    %dma_wait3A_169 = tpu.memref_slice %arg2[%dma_wait3A_167, %dma_wait3A_168] : memref<50048x8xf32, #tpu.memory_space<hbm>> -> memref<50048x8xf32, #tpu.memory_space<hbm>>
    tpu.wait_indirect_dma semaphore(%arg17 : memref<!tpu.dma_semaphore, #tpu.memory_space<semaphore_mem>>) src(%dma_wait3A_169 : memref<50048x8xf32, #tpu.memory_space<hbm>>) dst(%dma_wait3A_163 : memref<128x8xf32, #tpu.memory_space<vmem>>)
    %dma_wait3A_170 = arith.constant 7 : i32
    %dma_wait3A_171 = arith.constant 128 : i32
    %dma_wait3A_172 = arith.constant 0 : i32
    %dma_wait3A_173 = tpu.memref_slice %arg12[%dma_wait3A_171, %dma_wait3A_172] : memref<256x8xf32, #tpu.memory_space<vmem>> -> memref<128x8xf32, #tpu.memory_space<vmem>>
    %dma_wait3A_174 = arith.constant 0 : i32
    %dma_wait3A_175 = tpu.memref_slice %arg7[%dma_wait3A_170, %dma_wait3A_174] : memref<196x128xi32, #tpu.memory_space<vmem>> -> memref<1x128xi32, #tpu.memory_space<vmem>>
    %dma_wait3A_176 = tpu.memref_squeeze %dma_wait3A_175 : memref<1x128xi32, #tpu.memory_space<vmem>> -> memref<128xi32, #tpu.memory_space<vmem>>
    %dma_wait3A_177 = arith.constant 0 : i32
    %dma_wait3A_178 = arith.constant 0 : i32
    %dma_wait3A_179 = tpu.memref_slice %arg2[%dma_wait3A_177, %dma_wait3A_178] : memref<50048x8xf32, #tpu.memory_space<hbm>> -> memref<50048x8xf32, #tpu.memory_space<hbm>>
    tpu.wait_indirect_dma semaphore(%arg17 : memref<!tpu.dma_semaphore, #tpu.memory_space<semaphore_mem>>) src(%dma_wait3A_179 : memref<50048x8xf32, #tpu.memory_space<hbm>>) dst(%dma_wait3A_173 : memref<128x8xf32, #tpu.memory_space<vmem>>)
    %run_scoped3A_180 = arith.constant 95 : i32
    "tpu.region"() ({
      %run_scoped3A_268 = tpu.sem_alloc : memref<!tpu.dma_semaphore, #tpu.memory_space<semaphore_mem>>
      %dma_start3A_269 = arith.constant 0 : i32
      %dma_start3A_270 = tpu.memref_slice %arg8[%run_scoped3A_180, %dma_start3A_269] : memref<98x256xi32, #tpu.memory_space<vmem>> -> memref<1x256xi32, #tpu.memory_space<vmem>>
      %dma_start3A_271 = tpu.memref_squeeze %dma_start3A_270 : memref<1x256xi32, #tpu.memory_space<vmem>> -> memref<256xi32, #tpu.memory_space<vmem>>
      %dma_start3A_272 = arith.constant 0 : i32
      %dma_start3A_273 = arith.constant 0 : i32
      %dma_start3A_274 = tpu.memref_slice %arg13[%dma_start3A_272, %dma_start3A_273] : memref<50048x8xf32, #tpu.memory_space<vmem_shared>> -> memref<50048x8xf32, #tpu.memory_space<vmem_shared>>
      tpu.enqueue_indirect_dma source(%arg12 : memref<256x8xf32, #tpu.memory_space<vmem>>) target(%dma_start3A_274 : memref<50048x8xf32, #tpu.memory_space<vmem_shared>>) offsets(%dma_start3A_271 : memref<256xi32, #tpu.memory_space<vmem>>) semaphore(%run_scoped3A_268 : memref<!tpu.dma_semaphore, #tpu.memory_space<semaphore_mem>>) {add = true}
      %dma_wait3A_275 = arith.constant 0 : i32
      %dma_wait3A_276 = tpu.memref_slice %arg8[%run_scoped3A_180, %dma_wait3A_275] : memref<98x256xi32, #tpu.memory_space<vmem>> -> memref<1x256xi32, #tpu.memory_space<vmem>>
      %dma_wait3A_277 = tpu.memref_squeeze %dma_wait3A_276 : memref<1x256xi32, #tpu.memory_space<vmem>> -> memref<256xi32, #tpu.memory_space<vmem>>
      %dma_wait3A_278 = arith.constant 0 : i32
      %dma_wait3A_279 = arith.constant 0 : i32
      %dma_wait3A_280 = tpu.memref_slice %arg13[%dma_wait3A_278, %dma_wait3A_279] : memref<50048x8xf32, #tpu.memory_space<vmem_shared>> -> memref<50048x8xf32, #tpu.memory_space<vmem_shared>>
      tpu.wait_indirect_dma semaphore(%run_scoped3A_268 : memref<!tpu.dma_semaphore, #tpu.memory_space<semaphore_mem>>) src(%arg12 : memref<256x8xf32, #tpu.memory_space<vmem>>) dst(%dma_wait3A_280 : memref<50048x8xf32, #tpu.memory_space<vmem_shared>>)
      tpu.yield
    }) : () -> ()
    %dma_start3A_181 = arith.constant 192 : i32
    %dma_start3A_182 = arith.constant 0 : i32
    %dma_start3A_183 = arith.constant 0 : i32
    %dma_start3A_184 = tpu.memref_slice %arg9[%dma_start3A_182, %dma_start3A_183] : memref<256x8xf32, #tpu.memory_space<vmem>> -> memref<128x8xf32, #tpu.memory_space<vmem>>
    %dma_start3A_185 = arith.constant 0 : i32
    %dma_start3A_186 = tpu.memref_slice %arg7[%dma_start3A_181, %dma_start3A_185] : memref<196x128xi32, #tpu.memory_space<vmem>> -> memref<1x128xi32, #tpu.memory_space<vmem>>
    %dma_start3A_187 = tpu.memref_squeeze %dma_start3A_186 : memref<1x128xi32, #tpu.memory_space<vmem>> -> memref<128xi32, #tpu.memory_space<vmem>>
    %dma_start3A_188 = arith.constant 0 : i32
    %dma_start3A_189 = arith.constant 0 : i32
    %dma_start3A_190 = tpu.memref_slice %arg2[%dma_start3A_188, %dma_start3A_189] : memref<50048x8xf32, #tpu.memory_space<hbm>> -> memref<50048x8xf32, #tpu.memory_space<hbm>>
    tpu.enqueue_indirect_dma source(%dma_start3A_190 : memref<50048x8xf32, #tpu.memory_space<hbm>>) target(%dma_start3A_184 : memref<128x8xf32, #tpu.memory_space<vmem>>) offsets(%dma_start3A_187 : memref<128xi32, #tpu.memory_space<vmem>>) semaphore(%arg14 : memref<!tpu.dma_semaphore, #tpu.memory_space<semaphore_mem>>)
    %dma_start3A_191 = arith.constant 193 : i32
    %dma_start3A_192 = arith.constant 128 : i32
    %dma_start3A_193 = arith.constant 0 : i32
    %dma_start3A_194 = tpu.memref_slice %arg9[%dma_start3A_192, %dma_start3A_193] : memref<256x8xf32, #tpu.memory_space<vmem>> -> memref<128x8xf32, #tpu.memory_space<vmem>>
    %dma_start3A_195 = arith.constant 0 : i32
    %dma_start3A_196 = tpu.memref_slice %arg7[%dma_start3A_191, %dma_start3A_195] : memref<196x128xi32, #tpu.memory_space<vmem>> -> memref<1x128xi32, #tpu.memory_space<vmem>>
    %dma_start3A_197 = tpu.memref_squeeze %dma_start3A_196 : memref<1x128xi32, #tpu.memory_space<vmem>> -> memref<128xi32, #tpu.memory_space<vmem>>
    %dma_start3A_198 = arith.constant 0 : i32
    %dma_start3A_199 = arith.constant 0 : i32
    %dma_start3A_200 = tpu.memref_slice %arg2[%dma_start3A_198, %dma_start3A_199] : memref<50048x8xf32, #tpu.memory_space<hbm>> -> memref<50048x8xf32, #tpu.memory_space<hbm>>
    tpu.enqueue_indirect_dma source(%dma_start3A_200 : memref<50048x8xf32, #tpu.memory_space<hbm>>) target(%dma_start3A_194 : memref<128x8xf32, #tpu.memory_space<vmem>>) offsets(%dma_start3A_197 : memref<128xi32, #tpu.memory_space<vmem>>) semaphore(%arg14 : memref<!tpu.dma_semaphore, #tpu.memory_space<semaphore_mem>>)
    %dma_wait3A_201 = arith.constant 192 : i32
    %dma_wait3A_202 = arith.constant 0 : i32
    %dma_wait3A_203 = arith.constant 0 : i32
    %dma_wait3A_204 = tpu.memref_slice %arg9[%dma_wait3A_202, %dma_wait3A_203] : memref<256x8xf32, #tpu.memory_space<vmem>> -> memref<128x8xf32, #tpu.memory_space<vmem>>
    %dma_wait3A_205 = arith.constant 0 : i32
    %dma_wait3A_206 = tpu.memref_slice %arg7[%dma_wait3A_201, %dma_wait3A_205] : memref<196x128xi32, #tpu.memory_space<vmem>> -> memref<1x128xi32, #tpu.memory_space<vmem>>
    %dma_wait3A_207 = tpu.memref_squeeze %dma_wait3A_206 : memref<1x128xi32, #tpu.memory_space<vmem>> -> memref<128xi32, #tpu.memory_space<vmem>>
    %dma_wait3A_208 = arith.constant 0 : i32
    %dma_wait3A_209 = arith.constant 0 : i32
    %dma_wait3A_210 = tpu.memref_slice %arg2[%dma_wait3A_208, %dma_wait3A_209] : memref<50048x8xf32, #tpu.memory_space<hbm>> -> memref<50048x8xf32, #tpu.memory_space<hbm>>
    tpu.wait_indirect_dma semaphore(%arg14 : memref<!tpu.dma_semaphore, #tpu.memory_space<semaphore_mem>>) src(%dma_wait3A_210 : memref<50048x8xf32, #tpu.memory_space<hbm>>) dst(%dma_wait3A_204 : memref<128x8xf32, #tpu.memory_space<vmem>>)
    %dma_wait3A_211 = arith.constant 193 : i32
    %dma_wait3A_212 = arith.constant 128 : i32
    %dma_wait3A_213 = arith.constant 0 : i32
    %dma_wait3A_214 = tpu.memref_slice %arg9[%dma_wait3A_212, %dma_wait3A_213] : memref<256x8xf32, #tpu.memory_space<vmem>> -> memref<128x8xf32, #tpu.memory_space<vmem>>
    %dma_wait3A_215 = arith.constant 0 : i32
    %dma_wait3A_216 = tpu.memref_slice %arg7[%dma_wait3A_211, %dma_wait3A_215] : memref<196x128xi32, #tpu.memory_space<vmem>> -> memref<1x128xi32, #tpu.memory_space<vmem>>
    %dma_wait3A_217 = tpu.memref_squeeze %dma_wait3A_216 : memref<1x128xi32, #tpu.memory_space<vmem>> -> memref<128xi32, #tpu.memory_space<vmem>>
    %dma_wait3A_218 = arith.constant 0 : i32
    %dma_wait3A_219 = arith.constant 0 : i32
    %dma_wait3A_220 = tpu.memref_slice %arg2[%dma_wait3A_218, %dma_wait3A_219] : memref<50048x8xf32, #tpu.memory_space<hbm>> -> memref<50048x8xf32, #tpu.memory_space<hbm>>
    tpu.wait_indirect_dma semaphore(%arg14 : memref<!tpu.dma_semaphore, #tpu.memory_space<semaphore_mem>>) src(%dma_wait3A_220 : memref<50048x8xf32, #tpu.memory_space<hbm>>) dst(%dma_wait3A_214 : memref<128x8xf32, #tpu.memory_space<vmem>>)
    %run_scoped3A_221 = arith.constant 96 : i32
    "tpu.region"() ({
      %run_scoped3A_268 = tpu.sem_alloc : memref<!tpu.dma_semaphore, #tpu.memory_space<semaphore_mem>>
      %dma_start3A_269 = arith.constant 0 : i32
      %dma_start3A_270 = tpu.memref_slice %arg8[%run_scoped3A_221, %dma_start3A_269] : memref<98x256xi32, #tpu.memory_space<vmem>> -> memref<1x256xi32, #tpu.memory_space<vmem>>
      %dma_start3A_271 = tpu.memref_squeeze %dma_start3A_270 : memref<1x256xi32, #tpu.memory_space<vmem>> -> memref<256xi32, #tpu.memory_space<vmem>>
      %dma_start3A_272 = arith.constant 0 : i32
      %dma_start3A_273 = arith.constant 0 : i32
      %dma_start3A_274 = tpu.memref_slice %arg13[%dma_start3A_272, %dma_start3A_273] : memref<50048x8xf32, #tpu.memory_space<vmem_shared>> -> memref<50048x8xf32, #tpu.memory_space<vmem_shared>>
      tpu.enqueue_indirect_dma source(%arg9 : memref<256x8xf32, #tpu.memory_space<vmem>>) target(%dma_start3A_274 : memref<50048x8xf32, #tpu.memory_space<vmem_shared>>) offsets(%dma_start3A_271 : memref<256xi32, #tpu.memory_space<vmem>>) semaphore(%run_scoped3A_268 : memref<!tpu.dma_semaphore, #tpu.memory_space<semaphore_mem>>) {add = true}
      %dma_wait3A_275 = arith.constant 0 : i32
      %dma_wait3A_276 = tpu.memref_slice %arg8[%run_scoped3A_221, %dma_wait3A_275] : memref<98x256xi32, #tpu.memory_space<vmem>> -> memref<1x256xi32, #tpu.memory_space<vmem>>
      %dma_wait3A_277 = tpu.memref_squeeze %dma_wait3A_276 : memref<1x256xi32, #tpu.memory_space<vmem>> -> memref<256xi32, #tpu.memory_space<vmem>>
      %dma_wait3A_278 = arith.constant 0 : i32
      %dma_wait3A_279 = arith.constant 0 : i32
      %dma_wait3A_280 = tpu.memref_slice %arg13[%dma_wait3A_278, %dma_wait3A_279] : memref<50048x8xf32, #tpu.memory_space<vmem_shared>> -> memref<50048x8xf32, #tpu.memory_space<vmem_shared>>
      tpu.wait_indirect_dma semaphore(%run_scoped3A_268 : memref<!tpu.dma_semaphore, #tpu.memory_space<semaphore_mem>>) src(%arg9 : memref<256x8xf32, #tpu.memory_space<vmem>>) dst(%dma_wait3A_280 : memref<50048x8xf32, #tpu.memory_space<vmem_shared>>)
      tpu.yield
    }) : () -> ()
    %dma_start3A_222 = arith.constant 194 : i32
    %dma_start3A_223 = arith.constant 0 : i32
    %dma_start3A_224 = arith.constant 0 : i32
    %dma_start3A_225 = tpu.memref_slice %arg10[%dma_start3A_223, %dma_start3A_224] : memref<256x8xf32, #tpu.memory_space<vmem>> -> memref<128x8xf32, #tpu.memory_space<vmem>>
    %dma_start3A_226 = arith.constant 0 : i32
    %dma_start3A_227 = tpu.memref_slice %arg7[%dma_start3A_222, %dma_start3A_226] : memref<196x128xi32, #tpu.memory_space<vmem>> -> memref<1x128xi32, #tpu.memory_space<vmem>>
    %dma_start3A_228 = tpu.memref_squeeze %dma_start3A_227 : memref<1x128xi32, #tpu.memory_space<vmem>> -> memref<128xi32, #tpu.memory_space<vmem>>
    %dma_start3A_229 = arith.constant 0 : i32
    %dma_start3A_230 = arith.constant 0 : i32
    %dma_start3A_231 = tpu.memref_slice %arg2[%dma_start3A_229, %dma_start3A_230] : memref<50048x8xf32, #tpu.memory_space<hbm>> -> memref<50048x8xf32, #tpu.memory_space<hbm>>
    tpu.enqueue_indirect_dma source(%dma_start3A_231 : memref<50048x8xf32, #tpu.memory_space<hbm>>) target(%dma_start3A_225 : memref<128x8xf32, #tpu.memory_space<vmem>>) offsets(%dma_start3A_228 : memref<128xi32, #tpu.memory_space<vmem>>) semaphore(%arg15 : memref<!tpu.dma_semaphore, #tpu.memory_space<semaphore_mem>>)
    %dma_start3A_232 = arith.constant 195 : i32
    %dma_start3A_233 = arith.constant 128 : i32
    %dma_start3A_234 = arith.constant 0 : i32
    %dma_start3A_235 = tpu.memref_slice %arg10[%dma_start3A_233, %dma_start3A_234] : memref<256x8xf32, #tpu.memory_space<vmem>> -> memref<128x8xf32, #tpu.memory_space<vmem>>
    %dma_start3A_236 = arith.constant 0 : i32
    %dma_start3A_237 = tpu.memref_slice %arg7[%dma_start3A_232, %dma_start3A_236] : memref<196x128xi32, #tpu.memory_space<vmem>> -> memref<1x128xi32, #tpu.memory_space<vmem>>
    %dma_start3A_238 = tpu.memref_squeeze %dma_start3A_237 : memref<1x128xi32, #tpu.memory_space<vmem>> -> memref<128xi32, #tpu.memory_space<vmem>>
    %dma_start3A_239 = arith.constant 0 : i32
    %dma_start3A_240 = arith.constant 0 : i32
    %dma_start3A_241 = tpu.memref_slice %arg2[%dma_start3A_239, %dma_start3A_240] : memref<50048x8xf32, #tpu.memory_space<hbm>> -> memref<50048x8xf32, #tpu.memory_space<hbm>>
    tpu.enqueue_indirect_dma source(%dma_start3A_241 : memref<50048x8xf32, #tpu.memory_space<hbm>>) target(%dma_start3A_235 : memref<128x8xf32, #tpu.memory_space<vmem>>) offsets(%dma_start3A_238 : memref<128xi32, #tpu.memory_space<vmem>>) semaphore(%arg15 : memref<!tpu.dma_semaphore, #tpu.memory_space<semaphore_mem>>)
    %dma_wait3A_242 = arith.constant 194 : i32
    %dma_wait3A_243 = arith.constant 0 : i32
    %dma_wait3A_244 = arith.constant 0 : i32
    %dma_wait3A_245 = tpu.memref_slice %arg10[%dma_wait3A_243, %dma_wait3A_244] : memref<256x8xf32, #tpu.memory_space<vmem>> -> memref<128x8xf32, #tpu.memory_space<vmem>>
    %dma_wait3A_246 = arith.constant 0 : i32
    %dma_wait3A_247 = tpu.memref_slice %arg7[%dma_wait3A_242, %dma_wait3A_246] : memref<196x128xi32, #tpu.memory_space<vmem>> -> memref<1x128xi32, #tpu.memory_space<vmem>>
    %dma_wait3A_248 = tpu.memref_squeeze %dma_wait3A_247 : memref<1x128xi32, #tpu.memory_space<vmem>> -> memref<128xi32, #tpu.memory_space<vmem>>
    %dma_wait3A_249 = arith.constant 0 : i32
    %dma_wait3A_250 = arith.constant 0 : i32
    %dma_wait3A_251 = tpu.memref_slice %arg2[%dma_wait3A_249, %dma_wait3A_250] : memref<50048x8xf32, #tpu.memory_space<hbm>> -> memref<50048x8xf32, #tpu.memory_space<hbm>>
    tpu.wait_indirect_dma semaphore(%arg15 : memref<!tpu.dma_semaphore, #tpu.memory_space<semaphore_mem>>) src(%dma_wait3A_251 : memref<50048x8xf32, #tpu.memory_space<hbm>>) dst(%dma_wait3A_245 : memref<128x8xf32, #tpu.memory_space<vmem>>)
    %dma_wait3A_252 = arith.constant 195 : i32
    %dma_wait3A_253 = arith.constant 128 : i32
    %dma_wait3A_254 = arith.constant 0 : i32
    %dma_wait3A_255 = tpu.memref_slice %arg10[%dma_wait3A_253, %dma_wait3A_254] : memref<256x8xf32, #tpu.memory_space<vmem>> -> memref<128x8xf32, #tpu.memory_space<vmem>>
    %dma_wait3A_256 = arith.constant 0 : i32
    %dma_wait3A_257 = tpu.memref_slice %arg7[%dma_wait3A_252, %dma_wait3A_256] : memref<196x128xi32, #tpu.memory_space<vmem>> -> memref<1x128xi32, #tpu.memory_space<vmem>>
    %dma_wait3A_258 = tpu.memref_squeeze %dma_wait3A_257 : memref<1x128xi32, #tpu.memory_space<vmem>> -> memref<128xi32, #tpu.memory_space<vmem>>
    %dma_wait3A_259 = arith.constant 0 : i32
    %dma_wait3A_260 = arith.constant 0 : i32
    %dma_wait3A_261 = tpu.memref_slice %arg2[%dma_wait3A_259, %dma_wait3A_260] : memref<50048x8xf32, #tpu.memory_space<hbm>> -> memref<50048x8xf32, #tpu.memory_space<hbm>>
    tpu.wait_indirect_dma semaphore(%arg15 : memref<!tpu.dma_semaphore, #tpu.memory_space<semaphore_mem>>) src(%dma_wait3A_261 : memref<50048x8xf32, #tpu.memory_space<hbm>>) dst(%dma_wait3A_255 : memref<128x8xf32, #tpu.memory_space<vmem>>)
    %run_scoped3A_262 = arith.constant 97 : i32
    "tpu.region"() ({
      %run_scoped3A_268 = tpu.sem_alloc : memref<!tpu.dma_semaphore, #tpu.memory_space<semaphore_mem>>
      %dma_start3A_269 = arith.constant 0 : i32
      %dma_start3A_270 = tpu.memref_slice %arg8[%run_scoped3A_262, %dma_start3A_269] : memref<98x256xi32, #tpu.memory_space<vmem>> -> memref<1x256xi32, #tpu.memory_space<vmem>>
      %dma_start3A_271 = tpu.memref_squeeze %dma_start3A_270 : memref<1x256xi32, #tpu.memory_space<vmem>> -> memref<256xi32, #tpu.memory_space<vmem>>
      %dma_start3A_272 = arith.constant 0 : i32
      %dma_start3A_273 = arith.constant 0 : i32
      %dma_start3A_274 = tpu.memref_slice %arg13[%dma_start3A_272, %dma_start3A_273] : memref<50048x8xf32, #tpu.memory_space<vmem_shared>> -> memref<50048x8xf32, #tpu.memory_space<vmem_shared>>
      tpu.enqueue_indirect_dma source(%arg10 : memref<256x8xf32, #tpu.memory_space<vmem>>) target(%dma_start3A_274 : memref<50048x8xf32, #tpu.memory_space<vmem_shared>>) offsets(%dma_start3A_271 : memref<256xi32, #tpu.memory_space<vmem>>) semaphore(%run_scoped3A_268 : memref<!tpu.dma_semaphore, #tpu.memory_space<semaphore_mem>>) {add = true}
      %dma_wait3A_275 = arith.constant 0 : i32
      %dma_wait3A_276 = tpu.memref_slice %arg8[%run_scoped3A_262, %dma_wait3A_275] : memref<98x256xi32, #tpu.memory_space<vmem>> -> memref<1x256xi32, #tpu.memory_space<vmem>>
      %dma_wait3A_277 = tpu.memref_squeeze %dma_wait3A_276 : memref<1x256xi32, #tpu.memory_space<vmem>> -> memref<256xi32, #tpu.memory_space<vmem>>
      %dma_wait3A_278 = arith.constant 0 : i32
      %dma_wait3A_279 = arith.constant 0 : i32
      %dma_wait3A_280 = tpu.memref_slice %arg13[%dma_wait3A_278, %dma_wait3A_279] : memref<50048x8xf32, #tpu.memory_space<vmem_shared>> -> memref<50048x8xf32, #tpu.memory_space<vmem_shared>>
      tpu.wait_indirect_dma semaphore(%run_scoped3A_268 : memref<!tpu.dma_semaphore, #tpu.memory_space<semaphore_mem>>) src(%arg10 : memref<256x8xf32, #tpu.memory_space<vmem>>) dst(%dma_wait3A_280 : memref<50048x8xf32, #tpu.memory_space<vmem_shared>>)
      tpu.yield
    }) : () -> ()
    %barrier3A_263 = arith.constant 0 : index
    tpu.barrier barrier_id(%barrier3A_263)
    %mul3A_264 = arith.constant 3128 : i32
    %mul3A_265 = arith.muli %arg1, %mul3A_264 : i32
    %mul3A_266 = arith.constant 3128 : i32
    %mul3A_267 = arith.muli %arg1, %mul3A_266 : i32
    "tpu.region"() ({
      %run_scoped3A_268 = tpu.sem_alloc : memref<!tpu.dma_semaphore, #tpu.memory_space<semaphore_mem>>
      %dma_start3A_269 = arith.constant 0 : i32
      %dma_start3A_270 = tpu.memref_slice %arg6[%arg0, %mul3A_267, %dma_start3A_269] : memref<2x50048x8xf32, #tpu.memory_space<hbm>> -> memref<1x3128x8xf32, #tpu.memory_space<hbm>>
      %dma_start3A_271 = tpu.memref_squeeze %dma_start3A_270 : memref<1x3128x8xf32, #tpu.memory_space<hbm>> -> memref<3128x8xf32, #tpu.memory_space<hbm>>
      %dma_start3A_272 = arith.constant 0 : i32
      %dma_start3A_273 = tpu.memref_slice %arg13[%mul3A_265, %dma_start3A_272] : memref<50048x8xf32, #tpu.memory_space<vmem_shared>> -> memref<3128x8xf32, #tpu.memory_space<vmem_shared>>
      tpu.enqueue_dma source(%dma_start3A_273 : memref<3128x8xf32, #tpu.memory_space<vmem_shared>>) target(%dma_start3A_271 : memref<3128x8xf32, #tpu.memory_space<hbm>>) target_semaphore(%run_scoped3A_268 : memref<!tpu.dma_semaphore, #tpu.memory_space<semaphore_mem>>)
      %dma_wait3A_274 = arith.constant 0 : i32
      %dma_wait3A_275 = tpu.memref_slice %arg6[%arg0, %mul3A_267, %dma_wait3A_274] : memref<2x50048x8xf32, #tpu.memory_space<hbm>> -> memref<1x3128x8xf32, #tpu.memory_space<hbm>>
      %dma_wait3A_276 = tpu.memref_squeeze %dma_wait3A_275 : memref<1x3128x8xf32, #tpu.memory_space<hbm>> -> memref<3128x8xf32, #tpu.memory_space<hbm>>
      %dma_wait3A_277 = arith.constant 0 : i32
      %dma_wait3A_278 = tpu.memref_slice %arg13[%mul3A_265, %dma_wait3A_277] : memref<50048x8xf32, #tpu.memory_space<vmem_shared>> -> memref<3128x8xf32, #tpu.memory_space<vmem_shared>>
      tpu.wait_dma2 semaphore(%run_scoped3A_268 : memref<!tpu.dma_semaphore, #tpu.memory_space<semaphore_mem>>) src(%dma_wait3A_278 : memref<3128x8xf32, #tpu.memory_space<vmem_shared>>) dst(%dma_wait3A_276 : memref<3128x8xf32, #tpu.memory_space<hbm>>)
      tpu.yield
    }) : () -> ()
    return
  }
}

#map = affine_map<(d0, d1) -> (0, 0)>
#map1 = affine_map<(d0, d1) -> (0, 0, 0)>
module attributes {stable_mosaic.version = 14 : i64} {
  func.func @body(%arg0: i32, %arg1: i32, %arg2: memref<3136x256xi32, #tpu.memory_space<hbm>>, %arg3: memref<3128x32xf32, #tpu.memory_space<hbm>>, %arg4: memref<256x32xf32, #tpu.memory_space<hbm>>, %arg5: memref<2x50048x32xf32, #tpu.memory_space<hbm>>, %arg6: memref<14x256xi32, #tpu.memory_space<vmem>>, %arg7: memref<256x32xf32, #tpu.memory_space<vmem>>, %arg8: memref<50048x32xf32, #tpu.memory_space<vmem_shared>>, %arg9: memref<!tpu.dma_semaphore, #tpu.memory_space<semaphore_mem>>, %arg10: memref<!tpu.dma_semaphore, #tpu.memory_space<semaphore_mem>>, %arg11: memref<!tpu.dma_semaphore, #tpu.memory_space<semaphore_mem>>, %arg12: memref<!tpu.dma_semaphore, #tpu.memory_space<semaphore_mem>>) attributes {dimension_semantics = [#tpu.dimension_semantics<core_parallel>, #tpu.dimension_semantics<subcore_parallel>], iteration_bounds = array<i64: 2, 16>, scalar_prefetch = 0 : i64, scratch_operands = 7 : i64, tpu.core_type = #tpu.core_type<sc_vector_subcore>, window_params = [{transform_indices = #map}, {transform_indices = #map}, {transform_indices = #map}, {transform_indices = #map1}]} {
    %mul3A = arith.constant 16 : i32
    %mul3A_0 = arith.muli %arg0, %mul3A : i32
    %add3A = arith.addi %mul3A_0, %arg1 : i32
    %mul3A_1 = arith.constant 3128 : i32
    %mul3A_2 = arith.muli %arg1, %mul3A_1 : i32
    "tpu.region"() ({
      %run_scoped3A = tpu.sem_alloc : memref<!tpu.dma_semaphore, #tpu.memory_space<semaphore_mem>>
      %dma_start3A = arith.constant 0 : i32
      %dma_start3A_13 = tpu.memref_slice %arg8[%mul3A_2, %dma_start3A] : memref<50048x32xf32, #tpu.memory_space<vmem_shared>> -> memref<3128x32xf32, #tpu.memory_space<vmem_shared>>
      tpu.enqueue_dma source(%arg3 : memref<3128x32xf32, #tpu.memory_space<hbm>>) target(%dma_start3A_13 : memref<3128x32xf32, #tpu.memory_space<vmem_shared>>) target_semaphore(%run_scoped3A : memref<!tpu.dma_semaphore, #tpu.memory_space<semaphore_mem>>)
      %dma_wait3A = arith.constant 0 : i32
      %dma_wait3A_14 = tpu.memref_slice %arg8[%mul3A_2, %dma_wait3A] : memref<50048x32xf32, #tpu.memory_space<vmem_shared>> -> memref<3128x32xf32, #tpu.memory_space<vmem_shared>>
      tpu.wait_dma2 semaphore(%run_scoped3A : memref<!tpu.dma_semaphore, #tpu.memory_space<semaphore_mem>>) src(%arg3 : memref<3128x32xf32, #tpu.memory_space<hbm>>) dst(%dma_wait3A_14 : memref<3128x32xf32, #tpu.memory_space<vmem_shared>>)
      tpu.yield
    }) : () -> ()
    "tpu.region"() ({
      %run_scoped3A = tpu.sem_alloc : memref<!tpu.dma_semaphore, #tpu.memory_space<semaphore_mem>>
      tpu.enqueue_dma source(%arg4 : memref<256x32xf32, #tpu.memory_space<hbm>>) target(%arg7 : memref<256x32xf32, #tpu.memory_space<vmem>>) target_semaphore(%run_scoped3A : memref<!tpu.dma_semaphore, #tpu.memory_space<semaphore_mem>>)
      tpu.wait_dma2 semaphore(%run_scoped3A : memref<!tpu.dma_semaphore, #tpu.memory_space<semaphore_mem>>) src(%arg4 : memref<256x32xf32, #tpu.memory_space<hbm>>) dst(%arg7 : memref<256x32xf32, #tpu.memory_space<vmem>>)
      tpu.yield
    }) : () -> ()
    %barrier3A = arith.constant 0 : index
    tpu.barrier barrier_id(%barrier3A)
    %scan3A = arith.constant 0 : i32
    %scan3A_3 = arith.constant 0 : i32
    %scan3A_4 = arith.constant 7 : i32
    %scan3A_5 = arith.addi %scan3A_3, %scan3A_4 : i32
    %scan3A_6 = arith.constant 1 : i32
    scf.for %scan3A_13 = %scan3A_3 to %scan3A_5 step %scan3A_6  : i32 {
      %mul3A_14 = arith.constant 98 : i32
      %mul3A_15 = arith.muli %add3A, %mul3A_14 : i32
      %mul3A_16 = arith.constant 14 : i32
      %mul3A_17 = arith.muli %scan3A_13, %mul3A_16 : i32
      %add3A_18 = arith.addi %mul3A_15, %mul3A_17 : i32
      "tpu.region"() ({
        %run_scoped3A_84 = tpu.sem_alloc : memref<!tpu.dma_semaphore, #tpu.memory_space<semaphore_mem>>
        %dma_start3A_85 = arith.constant 0 : i32
        %dma_start3A_86 = tpu.memref_slice %arg2[%add3A_18, %dma_start3A_85] : memref<3136x256xi32, #tpu.memory_space<hbm>> -> memref<14x256xi32, #tpu.memory_space<hbm>>
        %dma_start3A_87 = arith.constant 0 : i32
        %dma_start3A_88 = tpu.memref_slice %arg2[%add3A_18, %dma_start3A_87] : memref<3136x256xi32, #tpu.memory_space<hbm>> -> memref<14x256xi32, #tpu.memory_space<hbm>>
        tpu.enqueue_dma source(%dma_start3A_88 : memref<14x256xi32, #tpu.memory_space<hbm>>) target(%arg6 : memref<14x256xi32, #tpu.memory_space<vmem>>) target_semaphore(%run_scoped3A_84 : memref<!tpu.dma_semaphore, #tpu.memory_space<semaphore_mem>>)
        %dma_wait3A_89 = arith.constant 0 : i32
        %dma_wait3A_90 = tpu.memref_slice %arg2[%add3A_18, %dma_wait3A_89] : memref<3136x256xi32, #tpu.memory_space<hbm>> -> memref<14x256xi32, #tpu.memory_space<hbm>>
        %dma_wait3A_91 = arith.constant 0 : i32
        %dma_wait3A_92 = tpu.memref_slice %arg2[%add3A_18, %dma_wait3A_91] : memref<3136x256xi32, #tpu.memory_space<hbm>> -> memref<14x256xi32, #tpu.memory_space<hbm>>
        tpu.wait_dma2 semaphore(%run_scoped3A_84 : memref<!tpu.dma_semaphore, #tpu.memory_space<semaphore_mem>>) src(%dma_wait3A_92 : memref<14x256xi32, #tpu.memory_space<hbm>>) dst(%arg6 : memref<14x256xi32, #tpu.memory_space<vmem>>)
        tpu.yield
      }) : () -> ()
      %dma_start3A = arith.constant 0 : i32
      %dma_start3A_19 = arith.constant 0 : i32
      %dma_start3A_20 = tpu.memref_slice %arg6[%dma_start3A, %dma_start3A_19] : memref<14x256xi32, #tpu.memory_space<vmem>> -> memref<1x256xi32, #tpu.memory_space<vmem>>
      %dma_start3A_21 = tpu.memref_squeeze %dma_start3A_20 : memref<1x256xi32, #tpu.memory_space<vmem>> -> memref<256xi32, #tpu.memory_space<vmem>>
      %dma_start3A_22 = arith.constant 0 : i32
      %dma_start3A_23 = arith.constant 0 : i32
      %dma_start3A_24 = tpu.memref_slice %arg8[%dma_start3A_22, %dma_start3A_23] : memref<50048x32xf32, #tpu.memory_space<vmem_shared>> -> memref<50048x32xf32, #tpu.memory_space<vmem_shared>>
      tpu.enqueue_indirect_dma source(%arg7 : memref<256x32xf32, #tpu.memory_space<vmem>>) target(%dma_start3A_24 : memref<50048x32xf32, #tpu.memory_space<vmem_shared>>) offsets(%dma_start3A_21 : memref<256xi32, #tpu.memory_space<vmem>>) semaphore(%arg9 : memref<!tpu.dma_semaphore, #tpu.memory_space<semaphore_mem>>) {add = true}
      %dma_start3A_25 = arith.constant 1 : i32
      %dma_start3A_26 = arith.constant 0 : i32
      %dma_start3A_27 = tpu.memref_slice %arg6[%dma_start3A_25, %dma_start3A_26] : memref<14x256xi32, #tpu.memory_space<vmem>> -> memref<1x256xi32, #tpu.memory_space<vmem>>
      %dma_start3A_28 = tpu.memref_squeeze %dma_start3A_27 : memref<1x256xi32, #tpu.memory_space<vmem>> -> memref<256xi32, #tpu.memory_space<vmem>>
      %dma_start3A_29 = arith.constant 0 : i32
      %dma_start3A_30 = arith.constant 0 : i32
      %dma_start3A_31 = tpu.memref_slice %arg8[%dma_start3A_29, %dma_start3A_30] : memref<50048x32xf32, #tpu.memory_space<vmem_shared>> -> memref<50048x32xf32, #tpu.memory_space<vmem_shared>>
      tpu.enqueue_indirect_dma source(%arg7 : memref<256x32xf32, #tpu.memory_space<vmem>>) target(%dma_start3A_31 : memref<50048x32xf32, #tpu.memory_space<vmem_shared>>) offsets(%dma_start3A_28 : memref<256xi32, #tpu.memory_space<vmem>>) semaphore(%arg10 : memref<!tpu.dma_semaphore, #tpu.memory_space<semaphore_mem>>) {add = true}
      %dma_start3A_32 = arith.constant 2 : i32
      %dma_start3A_33 = arith.constant 0 : i32
      %dma_start3A_34 = tpu.memref_slice %arg6[%dma_start3A_32, %dma_start3A_33] : memref<14x256xi32, #tpu.memory_space<vmem>> -> memref<1x256xi32, #tpu.memory_space<vmem>>
      %dma_start3A_35 = tpu.memref_squeeze %dma_start3A_34 : memref<1x256xi32, #tpu.memory_space<vmem>> -> memref<256xi32, #tpu.memory_space<vmem>>
      %dma_start3A_36 = arith.constant 0 : i32
      %dma_start3A_37 = arith.constant 0 : i32
      %dma_start3A_38 = tpu.memref_slice %arg8[%dma_start3A_36, %dma_start3A_37] : memref<50048x32xf32, #tpu.memory_space<vmem_shared>> -> memref<50048x32xf32, #tpu.memory_space<vmem_shared>>
      tpu.enqueue_indirect_dma source(%arg7 : memref<256x32xf32, #tpu.memory_space<vmem>>) target(%dma_start3A_38 : memref<50048x32xf32, #tpu.memory_space<vmem_shared>>) offsets(%dma_start3A_35 : memref<256xi32, #tpu.memory_space<vmem>>) semaphore(%arg11 : memref<!tpu.dma_semaphore, #tpu.memory_space<semaphore_mem>>) {add = true}
      %dma_start3A_39 = arith.constant 3 : i32
      %dma_start3A_40 = arith.constant 0 : i32
      %dma_start3A_41 = tpu.memref_slice %arg6[%dma_start3A_39, %dma_start3A_40] : memref<14x256xi32, #tpu.memory_space<vmem>> -> memref<1x256xi32, #tpu.memory_space<vmem>>
      %dma_start3A_42 = tpu.memref_squeeze %dma_start3A_41 : memref<1x256xi32, #tpu.memory_space<vmem>> -> memref<256xi32, #tpu.memory_space<vmem>>
      %dma_start3A_43 = arith.constant 0 : i32
      %dma_start3A_44 = arith.constant 0 : i32
      %dma_start3A_45 = tpu.memref_slice %arg8[%dma_start3A_43, %dma_start3A_44] : memref<50048x32xf32, #tpu.memory_space<vmem_shared>> -> memref<50048x32xf32, #tpu.memory_space<vmem_shared>>
      tpu.enqueue_indirect_dma source(%arg7 : memref<256x32xf32, #tpu.memory_space<vmem>>) target(%dma_start3A_45 : memref<50048x32xf32, #tpu.memory_space<vmem_shared>>) offsets(%dma_start3A_42 : memref<256xi32, #tpu.memory_space<vmem>>) semaphore(%arg12 : memref<!tpu.dma_semaphore, #tpu.memory_space<semaphore_mem>>) {add = true}
      %scan3A_46 = arith.constant 0 : i32
      %scan3A_47 = arith.constant 0 : i32
      %scan3A_48 = arith.constant 1 : i32
      %scan3A_49 = arith.constant 2 : i32
      %scan3A_50 = arith.constant 3 : i32
      %scan3A_51 = arith.constant 0 : i32
      %scan3A_52 = arith.constant 2 : i32
      %scan3A_53 = arith.addi %scan3A_51, %scan3A_52 : i32
      %scan3A_54 = arith.constant 1 : i32
      scf.for %scan3A_84 = %scan3A_51 to %scan3A_53 step %scan3A_54  : i32 {
        %mul3A_85 = arith.constant 4 : i32
        %mul3A_86 = arith.muli %mul3A_85, %scan3A_84 : i32
        %dma_wait3A_87 = arith.constant 0 : i32
        %dma_wait3A_88 = tpu.memref_slice %arg6[%scan3A_47, %dma_wait3A_87] : memref<14x256xi32, #tpu.memory_space<vmem>> -> memref<1x256xi32, #tpu.memory_space<vmem>>
        %dma_wait3A_89 = tpu.memref_squeeze %dma_wait3A_88 : memref<1x256xi32, #tpu.memory_space<vmem>> -> memref<256xi32, #tpu.memory_space<vmem>>
        %dma_wait3A_90 = arith.constant 0 : i32
        %dma_wait3A_91 = arith.constant 0 : i32
        %dma_wait3A_92 = tpu.memref_slice %arg8[%dma_wait3A_90, %dma_wait3A_91] : memref<50048x32xf32, #tpu.memory_space<vmem_shared>> -> memref<50048x32xf32, #tpu.memory_space<vmem_shared>>
        tpu.wait_indirect_dma semaphore(%arg9 : memref<!tpu.dma_semaphore, #tpu.memory_space<semaphore_mem>>) src(%arg7 : memref<256x32xf32, #tpu.memory_space<vmem>>) dst(%dma_wait3A_92 : memref<50048x32xf32, #tpu.memory_space<vmem_shared>>)
        %add3A_93 = arith.constant 0 : i32
        %add3A_94 = arith.addi %mul3A_86, %add3A_93 : i32
        %add3A_95 = arith.constant 4 : i32
        %add3A_96 = arith.addi %add3A_94, %add3A_95 : i32
        %dma_start3A_97 = arith.constant 0 : i32
        %dma_start3A_98 = tpu.memref_slice %arg6[%add3A_96, %dma_start3A_97] : memref<14x256xi32, #tpu.memory_space<vmem>> -> memref<1x256xi32, #tpu.memory_space<vmem>>
        %dma_start3A_99 = tpu.memref_squeeze %dma_start3A_98 : memref<1x256xi32, #tpu.memory_space<vmem>> -> memref<256xi32, #tpu.memory_space<vmem>>
        %dma_start3A_100 = arith.constant 0 : i32
        %dma_start3A_101 = arith.constant 0 : i32
        %dma_start3A_102 = tpu.memref_slice %arg8[%dma_start3A_100, %dma_start3A_101] : memref<50048x32xf32, #tpu.memory_space<vmem_shared>> -> memref<50048x32xf32, #tpu.memory_space<vmem_shared>>
        tpu.enqueue_indirect_dma source(%arg7 : memref<256x32xf32, #tpu.memory_space<vmem>>) target(%dma_start3A_102 : memref<50048x32xf32, #tpu.memory_space<vmem_shared>>) offsets(%dma_start3A_99 : memref<256xi32, #tpu.memory_space<vmem>>) semaphore(%arg9 : memref<!tpu.dma_semaphore, #tpu.memory_space<semaphore_mem>>) {add = true}
        %dma_wait3A_103 = arith.constant 0 : i32
        %dma_wait3A_104 = tpu.memref_slice %arg6[%scan3A_48, %dma_wait3A_103] : memref<14x256xi32, #tpu.memory_space<vmem>> -> memref<1x256xi32, #tpu.memory_space<vmem>>
        %dma_wait3A_105 = tpu.memref_squeeze %dma_wait3A_104 : memref<1x256xi32, #tpu.memory_space<vmem>> -> memref<256xi32, #tpu.memory_space<vmem>>
        %dma_wait3A_106 = arith.constant 0 : i32
        %dma_wait3A_107 = arith.constant 0 : i32
        %dma_wait3A_108 = tpu.memref_slice %arg8[%dma_wait3A_106, %dma_wait3A_107] : memref<50048x32xf32, #tpu.memory_space<vmem_shared>> -> memref<50048x32xf32, #tpu.memory_space<vmem_shared>>
        tpu.wait_indirect_dma semaphore(%arg10 : memref<!tpu.dma_semaphore, #tpu.memory_space<semaphore_mem>>) src(%arg7 : memref<256x32xf32, #tpu.memory_space<vmem>>) dst(%dma_wait3A_108 : memref<50048x32xf32, #tpu.memory_space<vmem_shared>>)
        %add3A_109 = arith.constant 1 : i32
        %add3A_110 = arith.addi %mul3A_86, %add3A_109 : i32
        %add3A_111 = arith.constant 4 : i32
        %add3A_112 = arith.addi %add3A_110, %add3A_111 : i32
        %dma_start3A_113 = arith.constant 0 : i32
        %dma_start3A_114 = tpu.memref_slice %arg6[%add3A_112, %dma_start3A_113] : memref<14x256xi32, #tpu.memory_space<vmem>> -> memref<1x256xi32, #tpu.memory_space<vmem>>
        %dma_start3A_115 = tpu.memref_squeeze %dma_start3A_114 : memref<1x256xi32, #tpu.memory_space<vmem>> -> memref<256xi32, #tpu.memory_space<vmem>>
        %dma_start3A_116 = arith.constant 0 : i32
        %dma_start3A_117 = arith.constant 0 : i32
        %dma_start3A_118 = tpu.memref_slice %arg8[%dma_start3A_116, %dma_start3A_117] : memref<50048x32xf32, #tpu.memory_space<vmem_shared>> -> memref<50048x32xf32, #tpu.memory_space<vmem_shared>>
        tpu.enqueue_indirect_dma source(%arg7 : memref<256x32xf32, #tpu.memory_space<vmem>>) target(%dma_start3A_118 : memref<50048x32xf32, #tpu.memory_space<vmem_shared>>) offsets(%dma_start3A_115 : memref<256xi32, #tpu.memory_space<vmem>>) semaphore(%arg10 : memref<!tpu.dma_semaphore, #tpu.memory_space<semaphore_mem>>) {add = true}
        %dma_wait3A_119 = arith.constant 0 : i32
        %dma_wait3A_120 = tpu.memref_slice %arg6[%scan3A_49, %dma_wait3A_119] : memref<14x256xi32, #tpu.memory_space<vmem>> -> memref<1x256xi32, #tpu.memory_space<vmem>>
        %dma_wait3A_121 = tpu.memref_squeeze %dma_wait3A_120 : memref<1x256xi32, #tpu.memory_space<vmem>> -> memref<256xi32, #tpu.memory_space<vmem>>
        %dma_wait3A_122 = arith.constant 0 : i32
        %dma_wait3A_123 = arith.constant 0 : i32
        %dma_wait3A_124 = tpu.memref_slice %arg8[%dma_wait3A_122, %dma_wait3A_123] : memref<50048x32xf32, #tpu.memory_space<vmem_shared>> -> memref<50048x32xf32, #tpu.memory_space<vmem_shared>>
        tpu.wait_indirect_dma semaphore(%arg11 : memref<!tpu.dma_semaphore, #tpu.memory_space<semaphore_mem>>) src(%arg7 : memref<256x32xf32, #tpu.memory_space<vmem>>) dst(%dma_wait3A_124 : memref<50048x32xf32, #tpu.memory_space<vmem_shared>>)
        %add3A_125 = arith.constant 2 : i32
        %add3A_126 = arith.addi %mul3A_86, %add3A_125 : i32
        %add3A_127 = arith.constant 4 : i32
        %add3A_128 = arith.addi %add3A_126, %add3A_127 : i32
        %dma_start3A_129 = arith.constant 0 : i32
        %dma_start3A_130 = tpu.memref_slice %arg6[%add3A_128, %dma_start3A_129] : memref<14x256xi32, #tpu.memory_space<vmem>> -> memref<1x256xi32, #tpu.memory_space<vmem>>
        %dma_start3A_131 = tpu.memref_squeeze %dma_start3A_130 : memref<1x256xi32, #tpu.memory_space<vmem>> -> memref<256xi32, #tpu.memory_space<vmem>>
        %dma_start3A_132 = arith.constant 0 : i32
        %dma_start3A_133 = arith.constant 0 : i32
        %dma_start3A_134 = tpu.memref_slice %arg8[%dma_start3A_132, %dma_start3A_133] : memref<50048x32xf32, #tpu.memory_space<vmem_shared>> -> memref<50048x32xf32, #tpu.memory_space<vmem_shared>>
        tpu.enqueue_indirect_dma source(%arg7 : memref<256x32xf32, #tpu.memory_space<vmem>>) target(%dma_start3A_134 : memref<50048x32xf32, #tpu.memory_space<vmem_shared>>) offsets(%dma_start3A_131 : memref<256xi32, #tpu.memory_space<vmem>>) semaphore(%arg11 : memref<!tpu.dma_semaphore, #tpu.memory_space<semaphore_mem>>) {add = true}
        %dma_wait3A_135 = arith.constant 0 : i32
        %dma_wait3A_136 = tpu.memref_slice %arg6[%scan3A_50, %dma_wait3A_135] : memref<14x256xi32, #tpu.memory_space<vmem>> -> memref<1x256xi32, #tpu.memory_space<vmem>>
        %dma_wait3A_137 = tpu.memref_squeeze %dma_wait3A_136 : memref<1x256xi32, #tpu.memory_space<vmem>> -> memref<256xi32, #tpu.memory_space<vmem>>
        %dma_wait3A_138 = arith.constant 0 : i32
        %dma_wait3A_139 = arith.constant 0 : i32
        %dma_wait3A_140 = tpu.memref_slice %arg8[%dma_wait3A_138, %dma_wait3A_139] : memref<50048x32xf32, #tpu.memory_space<vmem_shared>> -> memref<50048x32xf32, #tpu.memory_space<vmem_shared>>
        tpu.wait_indirect_dma semaphore(%arg12 : memref<!tpu.dma_semaphore, #tpu.memory_space<semaphore_mem>>) src(%arg7 : memref<256x32xf32, #tpu.memory_space<vmem>>) dst(%dma_wait3A_140 : memref<50048x32xf32, #tpu.memory_space<vmem_shared>>)
        %add3A_141 = arith.constant 3 : i32
        %add3A_142 = arith.addi %mul3A_86, %add3A_141 : i32
        %add3A_143 = arith.constant 4 : i32
        %add3A_144 = arith.addi %add3A_142, %add3A_143 : i32
        %dma_start3A_145 = arith.constant 0 : i32
        %dma_start3A_146 = tpu.memref_slice %arg6[%add3A_144, %dma_start3A_145] : memref<14x256xi32, #tpu.memory_space<vmem>> -> memref<1x256xi32, #tpu.memory_space<vmem>>
        %dma_start3A_147 = tpu.memref_squeeze %dma_start3A_146 : memref<1x256xi32, #tpu.memory_space<vmem>> -> memref<256xi32, #tpu.memory_space<vmem>>
        %dma_start3A_148 = arith.constant 0 : i32
        %dma_start3A_149 = arith.constant 0 : i32
        %dma_start3A_150 = tpu.memref_slice %arg8[%dma_start3A_148, %dma_start3A_149] : memref<50048x32xf32, #tpu.memory_space<vmem_shared>> -> memref<50048x32xf32, #tpu.memory_space<vmem_shared>>
        tpu.enqueue_indirect_dma source(%arg7 : memref<256x32xf32, #tpu.memory_space<vmem>>) target(%dma_start3A_150 : memref<50048x32xf32, #tpu.memory_space<vmem_shared>>) offsets(%dma_start3A_147 : memref<256xi32, #tpu.memory_space<vmem>>) semaphore(%arg12 : memref<!tpu.dma_semaphore, #tpu.memory_space<semaphore_mem>>) {add = true}
      }
      %scan3A_55 = arith.constant 2 : i32
      %dma_wait3A = arith.constant 0 : i32
      %dma_wait3A_56 = arith.constant 0 : i32
      %dma_wait3A_57 = tpu.memref_slice %arg6[%dma_wait3A, %dma_wait3A_56] : memref<14x256xi32, #tpu.memory_space<vmem>> -> memref<1x256xi32, #tpu.memory_space<vmem>>
      %dma_wait3A_58 = tpu.memref_squeeze %dma_wait3A_57 : memref<1x256xi32, #tpu.memory_space<vmem>> -> memref<256xi32, #tpu.memory_space<vmem>>
      %dma_wait3A_59 = arith.constant 0 : i32
      %dma_wait3A_60 = arith.constant 0 : i32
      %dma_wait3A_61 = tpu.memref_slice %arg8[%dma_wait3A_59, %dma_wait3A_60] : memref<50048x32xf32, #tpu.memory_space<vmem_shared>> -> memref<50048x32xf32, #tpu.memory_space<vmem_shared>>
      tpu.wait_indirect_dma semaphore(%arg9 : memref<!tpu.dma_semaphore, #tpu.memory_space<semaphore_mem>>) src(%arg7 : memref<256x32xf32, #tpu.memory_space<vmem>>) dst(%dma_wait3A_61 : memref<50048x32xf32, #tpu.memory_space<vmem_shared>>)
      %dma_wait3A_62 = arith.constant 1 : i32
      %dma_wait3A_63 = arith.constant 0 : i32
      %dma_wait3A_64 = tpu.memref_slice %arg6[%dma_wait3A_62, %dma_wait3A_63] : memref<14x256xi32, #tpu.memory_space<vmem>> -> memref<1x256xi32, #tpu.memory_space<vmem>>
      %dma_wait3A_65 = tpu.memref_squeeze %dma_wait3A_64 : memref<1x256xi32, #tpu.memory_space<vmem>> -> memref<256xi32, #tpu.memory_space<vmem>>
      %dma_wait3A_66 = arith.constant 0 : i32
      %dma_wait3A_67 = arith.constant 0 : i32
      %dma_wait3A_68 = tpu.memref_slice %arg8[%dma_wait3A_66, %dma_wait3A_67] : memref<50048x32xf32, #tpu.memory_space<vmem_shared>> -> memref<50048x32xf32, #tpu.memory_space<vmem_shared>>
      tpu.wait_indirect_dma semaphore(%arg10 : memref<!tpu.dma_semaphore, #tpu.memory_space<semaphore_mem>>) src(%arg7 : memref<256x32xf32, #tpu.memory_space<vmem>>) dst(%dma_wait3A_68 : memref<50048x32xf32, #tpu.memory_space<vmem_shared>>)
      %dma_wait3A_69 = arith.constant 2 : i32
      %dma_wait3A_70 = arith.constant 0 : i32
      %dma_wait3A_71 = tpu.memref_slice %arg6[%dma_wait3A_69, %dma_wait3A_70] : memref<14x256xi32, #tpu.memory_space<vmem>> -> memref<1x256xi32, #tpu.memory_space<vmem>>
      %dma_wait3A_72 = tpu.memref_squeeze %dma_wait3A_71 : memref<1x256xi32, #tpu.memory_space<vmem>> -> memref<256xi32, #tpu.memory_space<vmem>>
      %dma_wait3A_73 = arith.constant 0 : i32
      %dma_wait3A_74 = arith.constant 0 : i32
      %dma_wait3A_75 = tpu.memref_slice %arg8[%dma_wait3A_73, %dma_wait3A_74] : memref<50048x32xf32, #tpu.memory_space<vmem_shared>> -> memref<50048x32xf32, #tpu.memory_space<vmem_shared>>
      tpu.wait_indirect_dma semaphore(%arg11 : memref<!tpu.dma_semaphore, #tpu.memory_space<semaphore_mem>>) src(%arg7 : memref<256x32xf32, #tpu.memory_space<vmem>>) dst(%dma_wait3A_75 : memref<50048x32xf32, #tpu.memory_space<vmem_shared>>)
      %dma_wait3A_76 = arith.constant 3 : i32
      %dma_wait3A_77 = arith.constant 0 : i32
      %dma_wait3A_78 = tpu.memref_slice %arg6[%dma_wait3A_76, %dma_wait3A_77] : memref<14x256xi32, #tpu.memory_space<vmem>> -> memref<1x256xi32, #tpu.memory_space<vmem>>
      %dma_wait3A_79 = tpu.memref_squeeze %dma_wait3A_78 : memref<1x256xi32, #tpu.memory_space<vmem>> -> memref<256xi32, #tpu.memory_space<vmem>>
      %dma_wait3A_80 = arith.constant 0 : i32
      %dma_wait3A_81 = arith.constant 0 : i32
      %dma_wait3A_82 = tpu.memref_slice %arg8[%dma_wait3A_80, %dma_wait3A_81] : memref<50048x32xf32, #tpu.memory_space<vmem_shared>> -> memref<50048x32xf32, #tpu.memory_space<vmem_shared>>
      tpu.wait_indirect_dma semaphore(%arg12 : memref<!tpu.dma_semaphore, #tpu.memory_space<semaphore_mem>>) src(%arg7 : memref<256x32xf32, #tpu.memory_space<vmem>>) dst(%dma_wait3A_82 : memref<50048x32xf32, #tpu.memory_space<vmem_shared>>)
      %run_scoped3A = arith.constant 12 : i32
      "tpu.region"() ({
        %run_scoped3A_84 = tpu.sem_alloc : memref<!tpu.dma_semaphore, #tpu.memory_space<semaphore_mem>>
        %dma_start3A_85 = arith.constant 0 : i32
        %dma_start3A_86 = tpu.memref_slice %arg6[%run_scoped3A, %dma_start3A_85] : memref<14x256xi32, #tpu.memory_space<vmem>> -> memref<1x256xi32, #tpu.memory_space<vmem>>
        %dma_start3A_87 = tpu.memref_squeeze %dma_start3A_86 : memref<1x256xi32, #tpu.memory_space<vmem>> -> memref<256xi32, #tpu.memory_space<vmem>>
        %dma_start3A_88 = arith.constant 0 : i32
        %dma_start3A_89 = arith.constant 0 : i32
        %dma_start3A_90 = tpu.memref_slice %arg8[%dma_start3A_88, %dma_start3A_89] : memref<50048x32xf32, #tpu.memory_space<vmem_shared>> -> memref<50048x32xf32, #tpu.memory_space<vmem_shared>>
        tpu.enqueue_indirect_dma source(%arg7 : memref<256x32xf32, #tpu.memory_space<vmem>>) target(%dma_start3A_90 : memref<50048x32xf32, #tpu.memory_space<vmem_shared>>) offsets(%dma_start3A_87 : memref<256xi32, #tpu.memory_space<vmem>>) semaphore(%run_scoped3A_84 : memref<!tpu.dma_semaphore, #tpu.memory_space<semaphore_mem>>) {add = true}
        %dma_wait3A_91 = arith.constant 0 : i32
        %dma_wait3A_92 = tpu.memref_slice %arg6[%run_scoped3A, %dma_wait3A_91] : memref<14x256xi32, #tpu.memory_space<vmem>> -> memref<1x256xi32, #tpu.memory_space<vmem>>
        %dma_wait3A_93 = tpu.memref_squeeze %dma_wait3A_92 : memref<1x256xi32, #tpu.memory_space<vmem>> -> memref<256xi32, #tpu.memory_space<vmem>>
        %dma_wait3A_94 = arith.constant 0 : i32
        %dma_wait3A_95 = arith.constant 0 : i32
        %dma_wait3A_96 = tpu.memref_slice %arg8[%dma_wait3A_94, %dma_wait3A_95] : memref<50048x32xf32, #tpu.memory_space<vmem_shared>> -> memref<50048x32xf32, #tpu.memory_space<vmem_shared>>
        tpu.wait_indirect_dma semaphore(%run_scoped3A_84 : memref<!tpu.dma_semaphore, #tpu.memory_space<semaphore_mem>>) src(%arg7 : memref<256x32xf32, #tpu.memory_space<vmem>>) dst(%dma_wait3A_96 : memref<50048x32xf32, #tpu.memory_space<vmem_shared>>)
        tpu.yield
      }) : () -> ()
      %run_scoped3A_83 = arith.constant 13 : i32
      "tpu.region"() ({
        %run_scoped3A_84 = tpu.sem_alloc : memref<!tpu.dma_semaphore, #tpu.memory_space<semaphore_mem>>
        %dma_start3A_85 = arith.constant 0 : i32
        %dma_start3A_86 = tpu.memref_slice %arg6[%run_scoped3A_83, %dma_start3A_85] : memref<14x256xi32, #tpu.memory_space<vmem>> -> memref<1x256xi32, #tpu.memory_space<vmem>>
        %dma_start3A_87 = tpu.memref_squeeze %dma_start3A_86 : memref<1x256xi32, #tpu.memory_space<vmem>> -> memref<256xi32, #tpu.memory_space<vmem>>
        %dma_start3A_88 = arith.constant 0 : i32
        %dma_start3A_89 = arith.constant 0 : i32
        %dma_start3A_90 = tpu.memref_slice %arg8[%dma_start3A_88, %dma_start3A_89] : memref<50048x32xf32, #tpu.memory_space<vmem_shared>> -> memref<50048x32xf32, #tpu.memory_space<vmem_shared>>
        tpu.enqueue_indirect_dma source(%arg7 : memref<256x32xf32, #tpu.memory_space<vmem>>) target(%dma_start3A_90 : memref<50048x32xf32, #tpu.memory_space<vmem_shared>>) offsets(%dma_start3A_87 : memref<256xi32, #tpu.memory_space<vmem>>) semaphore(%run_scoped3A_84 : memref<!tpu.dma_semaphore, #tpu.memory_space<semaphore_mem>>) {add = true}
        %dma_wait3A_91 = arith.constant 0 : i32
        %dma_wait3A_92 = tpu.memref_slice %arg6[%run_scoped3A_83, %dma_wait3A_91] : memref<14x256xi32, #tpu.memory_space<vmem>> -> memref<1x256xi32, #tpu.memory_space<vmem>>
        %dma_wait3A_93 = tpu.memref_squeeze %dma_wait3A_92 : memref<1x256xi32, #tpu.memory_space<vmem>> -> memref<256xi32, #tpu.memory_space<vmem>>
        %dma_wait3A_94 = arith.constant 0 : i32
        %dma_wait3A_95 = arith.constant 0 : i32
        %dma_wait3A_96 = tpu.memref_slice %arg8[%dma_wait3A_94, %dma_wait3A_95] : memref<50048x32xf32, #tpu.memory_space<vmem_shared>> -> memref<50048x32xf32, #tpu.memory_space<vmem_shared>>
        tpu.wait_indirect_dma semaphore(%run_scoped3A_84 : memref<!tpu.dma_semaphore, #tpu.memory_space<semaphore_mem>>) src(%arg7 : memref<256x32xf32, #tpu.memory_space<vmem>>) dst(%dma_wait3A_96 : memref<50048x32xf32, #tpu.memory_space<vmem_shared>>)
        tpu.yield
      }) : () -> ()
    }
    %scan3A_7 = arith.constant 7 : i32
    %barrier3A_8 = arith.constant 0 : index
    tpu.barrier barrier_id(%barrier3A_8)
    %mul3A_9 = arith.constant 3128 : i32
    %mul3A_10 = arith.muli %arg1, %mul3A_9 : i32
    %mul3A_11 = arith.constant 3128 : i32
    %mul3A_12 = arith.muli %arg1, %mul3A_11 : i32
    "tpu.region"() ({
      %run_scoped3A = tpu.sem_alloc : memref<!tpu.dma_semaphore, #tpu.memory_space<semaphore_mem>>
      %dma_start3A = arith.constant 0 : i32
      %dma_start3A_13 = tpu.memref_slice %arg5[%arg0, %mul3A_12, %dma_start3A] : memref<2x50048x32xf32, #tpu.memory_space<hbm>> -> memref<1x3128x32xf32, #tpu.memory_space<hbm>>
      %dma_start3A_14 = tpu.memref_squeeze %dma_start3A_13 : memref<1x3128x32xf32, #tpu.memory_space<hbm>> -> memref<3128x32xf32, #tpu.memory_space<hbm>>
      %dma_start3A_15 = arith.constant 0 : i32
      %dma_start3A_16 = tpu.memref_slice %arg8[%mul3A_10, %dma_start3A_15] : memref<50048x32xf32, #tpu.memory_space<vmem_shared>> -> memref<3128x32xf32, #tpu.memory_space<vmem_shared>>
      tpu.enqueue_dma source(%dma_start3A_16 : memref<3128x32xf32, #tpu.memory_space<vmem_shared>>) target(%dma_start3A_14 : memref<3128x32xf32, #tpu.memory_space<hbm>>) target_semaphore(%run_scoped3A : memref<!tpu.dma_semaphore, #tpu.memory_space<semaphore_mem>>)
      %dma_wait3A = arith.constant 0 : i32
      %dma_wait3A_17 = tpu.memref_slice %arg5[%arg0, %mul3A_12, %dma_wait3A] : memref<2x50048x32xf32, #tpu.memory_space<hbm>> -> memref<1x3128x32xf32, #tpu.memory_space<hbm>>
      %dma_wait3A_18 = tpu.memref_squeeze %dma_wait3A_17 : memref<1x3128x32xf32, #tpu.memory_space<hbm>> -> memref<3128x32xf32, #tpu.memory_space<hbm>>
      %dma_wait3A_19 = arith.constant 0 : i32
      %dma_wait3A_20 = tpu.memref_slice %arg8[%mul3A_10, %dma_wait3A_19] : memref<50048x32xf32, #tpu.memory_space<vmem_shared>> -> memref<3128x32xf32, #tpu.memory_space<vmem_shared>>
      tpu.wait_dma2 semaphore(%run_scoped3A : memref<!tpu.dma_semaphore, #tpu.memory_space<semaphore_mem>>) src(%dma_wait3A_20 : memref<3128x32xf32, #tpu.memory_space<vmem_shared>>) dst(%dma_wait3A_18 : memref<3128x32xf32, #tpu.memory_space<hbm>>)
      tpu.yield
    }) : () -> ()
    return
  }
}

#map = affine_map<(d0, d1) -> (0, 0)>
#map1 = affine_map<(d0, d1) -> (0, 0, 0)>
module attributes {stable_mosaic.version = 14 : i64} {
  func.func @body(%arg0: i32, %arg1: i32, %arg2: memref<50048x32xf32, #tpu.memory_space<hbm>>, %arg3: memref<6272x128xi32, #tpu.memory_space<hbm>>, %arg4: memref<3136x256xi32, #tpu.memory_space<hbm>>, %arg5: memref<3128x32xf32, #tpu.memory_space<hbm>>, %arg6: memref<2x50048x32xf32, #tpu.memory_space<hbm>>, %arg7: memref<28x128xi32, #tpu.memory_space<vmem>>, %arg8: memref<14x256xi32, #tpu.memory_space<vmem>>, %arg9: memref<256x32xf32, #tpu.memory_space<vmem>>, %arg10: memref<256x32xf32, #tpu.memory_space<vmem>>, %arg11: memref<50048x32xf32, #tpu.memory_space<vmem_shared>>, %arg12: memref<!tpu.dma_semaphore, #tpu.memory_space<semaphore_mem>>, %arg13: memref<!tpu.dma_semaphore, #tpu.memory_space<semaphore_mem>>, %arg14: memref<!tpu.dma_semaphore, #tpu.memory_space<semaphore_mem>>, %arg15: memref<!tpu.dma_semaphore, #tpu.memory_space<semaphore_mem>>) attributes {dimension_semantics = [#tpu.dimension_semantics<core_parallel>, #tpu.dimension_semantics<subcore_parallel>], iteration_bounds = array<i64: 2, 16>, scalar_prefetch = 0 : i64, scratch_operands = 9 : i64, tpu.core_type = #tpu.core_type<sc_vector_subcore>, window_params = [{transform_indices = #map}, {transform_indices = #map}, {transform_indices = #map}, {transform_indices = #map}, {transform_indices = #map1}]} {
    %mul3A = arith.constant 16 : i32
    %mul3A_0 = arith.muli %arg0, %mul3A : i32
    %add3A = arith.addi %mul3A_0, %arg1 : i32
    %mul3A_1 = arith.constant 3128 : i32
    %mul3A_2 = arith.muli %arg1, %mul3A_1 : i32
    "tpu.region"() ({
      %run_scoped3A = tpu.sem_alloc : memref<!tpu.dma_semaphore, #tpu.memory_space<semaphore_mem>>
      %dma_start3A = arith.constant 0 : i32
      %dma_start3A_13 = tpu.memref_slice %arg11[%mul3A_2, %dma_start3A] : memref<50048x32xf32, #tpu.memory_space<vmem_shared>> -> memref<3128x32xf32, #tpu.memory_space<vmem_shared>>
      tpu.enqueue_dma source(%arg5 : memref<3128x32xf32, #tpu.memory_space<hbm>>) target(%dma_start3A_13 : memref<3128x32xf32, #tpu.memory_space<vmem_shared>>) target_semaphore(%run_scoped3A : memref<!tpu.dma_semaphore, #tpu.memory_space<semaphore_mem>>)
      %dma_wait3A = arith.constant 0 : i32
      %dma_wait3A_14 = tpu.memref_slice %arg11[%mul3A_2, %dma_wait3A] : memref<50048x32xf32, #tpu.memory_space<vmem_shared>> -> memref<3128x32xf32, #tpu.memory_space<vmem_shared>>
      tpu.wait_dma2 semaphore(%run_scoped3A : memref<!tpu.dma_semaphore, #tpu.memory_space<semaphore_mem>>) src(%arg5 : memref<3128x32xf32, #tpu.memory_space<hbm>>) dst(%dma_wait3A_14 : memref<3128x32xf32, #tpu.memory_space<vmem_shared>>)
      tpu.yield
    }) : () -> ()
    %barrier3A = arith.constant 0 : index
    tpu.barrier barrier_id(%barrier3A)
    %scan3A = arith.constant 0 : i32
    %scan3A_3 = arith.constant 0 : i32
    %scan3A_4 = arith.constant 7 : i32
    %scan3A_5 = arith.addi %scan3A_3, %scan3A_4 : i32
    %scan3A_6 = arith.constant 1 : i32
    scf.for %scan3A_13 = %scan3A_3 to %scan3A_5 step %scan3A_6  : i32 {
      %mul3A_14 = arith.constant 196 : i32
      %mul3A_15 = arith.muli %add3A, %mul3A_14 : i32
      %mul3A_16 = arith.constant 28 : i32
      %mul3A_17 = arith.muli %scan3A_13, %mul3A_16 : i32
      %add3A_18 = arith.addi %mul3A_15, %mul3A_17 : i32
      "tpu.region"() ({
        %run_scoped3A = tpu.sem_alloc : memref<!tpu.dma_semaphore, #tpu.memory_space<semaphore_mem>>
        %dma_start3A_140 = arith.constant 0 : i32
        %dma_start3A_141 = tpu.memref_slice %arg3[%add3A_18, %dma_start3A_140] : memref<6272x128xi32, #tpu.memory_space<hbm>> -> memref<28x128xi32, #tpu.memory_space<hbm>>
        %dma_start3A_142 = arith.constant 0 : i32
        %dma_start3A_143 = tpu.memref_slice %arg3[%add3A_18, %dma_start3A_142] : memref<6272x128xi32, #tpu.memory_space<hbm>> -> memref<28x128xi32, #tpu.memory_space<hbm>>
        tpu.enqueue_dma source(%dma_start3A_143 : memref<28x128xi32, #tpu.memory_space<hbm>>) target(%arg7 : memref<28x128xi32, #tpu.memory_space<vmem>>) target_semaphore(%run_scoped3A : memref<!tpu.dma_semaphore, #tpu.memory_space<semaphore_mem>>)
        %dma_wait3A_144 = arith.constant 0 : i32
        %dma_wait3A_145 = tpu.memref_slice %arg3[%add3A_18, %dma_wait3A_144] : memref<6272x128xi32, #tpu.memory_space<hbm>> -> memref<28x128xi32, #tpu.memory_space<hbm>>
        %dma_wait3A_146 = arith.constant 0 : i32
        %dma_wait3A_147 = tpu.memref_slice %arg3[%add3A_18, %dma_wait3A_146] : memref<6272x128xi32, #tpu.memory_space<hbm>> -> memref<28x128xi32, #tpu.memory_space<hbm>>
        tpu.wait_dma2 semaphore(%run_scoped3A : memref<!tpu.dma_semaphore, #tpu.memory_space<semaphore_mem>>) src(%dma_wait3A_147 : memref<28x128xi32, #tpu.memory_space<hbm>>) dst(%arg7 : memref<28x128xi32, #tpu.memory_space<vmem>>)
        tpu.yield
      }) : () -> ()
      %mul3A_19 = arith.constant 98 : i32
      %mul3A_20 = arith.muli %add3A, %mul3A_19 : i32
      %mul3A_21 = arith.constant 14 : i32
      %mul3A_22 = arith.muli %scan3A_13, %mul3A_21 : i32
      %add3A_23 = arith.addi %mul3A_20, %mul3A_22 : i32
      "tpu.region"() ({
        %run_scoped3A = tpu.sem_alloc : memref<!tpu.dma_semaphore, #tpu.memory_space<semaphore_mem>>
        %dma_start3A_140 = arith.constant 0 : i32
        %dma_start3A_141 = tpu.memref_slice %arg4[%add3A_23, %dma_start3A_140] : memref<3136x256xi32, #tpu.memory_space<hbm>> -> memref<14x256xi32, #tpu.memory_space<hbm>>
        %dma_start3A_142 = arith.constant 0 : i32
        %dma_start3A_143 = tpu.memref_slice %arg4[%add3A_23, %dma_start3A_142] : memref<3136x256xi32, #tpu.memory_space<hbm>> -> memref<14x256xi32, #tpu.memory_space<hbm>>
        tpu.enqueue_dma source(%dma_start3A_143 : memref<14x256xi32, #tpu.memory_space<hbm>>) target(%arg8 : memref<14x256xi32, #tpu.memory_space<vmem>>) target_semaphore(%run_scoped3A : memref<!tpu.dma_semaphore, #tpu.memory_space<semaphore_mem>>)
        %dma_wait3A_144 = arith.constant 0 : i32
        %dma_wait3A_145 = tpu.memref_slice %arg4[%add3A_23, %dma_wait3A_144] : memref<3136x256xi32, #tpu.memory_space<hbm>> -> memref<14x256xi32, #tpu.memory_space<hbm>>
        %dma_wait3A_146 = arith.constant 0 : i32
        %dma_wait3A_147 = tpu.memref_slice %arg4[%add3A_23, %dma_wait3A_146] : memref<3136x256xi32, #tpu.memory_space<hbm>> -> memref<14x256xi32, #tpu.memory_space<hbm>>
        tpu.wait_dma2 semaphore(%run_scoped3A : memref<!tpu.dma_semaphore, #tpu.memory_space<semaphore_mem>>) src(%dma_wait3A_147 : memref<14x256xi32, #tpu.memory_space<hbm>>) dst(%arg8 : memref<14x256xi32, #tpu.memory_space<vmem>>)
        tpu.yield
      }) : () -> ()
      %dma_start3A = arith.constant 0 : i32
      %dma_start3A_24 = arith.constant 0 : i32
      %dma_start3A_25 = arith.constant 0 : i32
      %dma_start3A_26 = tpu.memref_slice %arg9[%dma_start3A_24, %dma_start3A_25] : memref<256x32xf32, #tpu.memory_space<vmem>> -> memref<128x32xf32, #tpu.memory_space<vmem>>
      %dma_start3A_27 = arith.constant 0 : i32
      %dma_start3A_28 = tpu.memref_slice %arg7[%dma_start3A, %dma_start3A_27] : memref<28x128xi32, #tpu.memory_space<vmem>> -> memref<1x128xi32, #tpu.memory_space<vmem>>
      %dma_start3A_29 = tpu.memref_squeeze %dma_start3A_28 : memref<1x128xi32, #tpu.memory_space<vmem>> -> memref<128xi32, #tpu.memory_space<vmem>>
      %dma_start3A_30 = arith.constant 0 : i32
      %dma_start3A_31 = arith.constant 0 : i32
      %dma_start3A_32 = tpu.memref_slice %arg2[%dma_start3A_30, %dma_start3A_31] : memref<50048x32xf32, #tpu.memory_space<hbm>> -> memref<50048x32xf32, #tpu.memory_space<hbm>>
      tpu.enqueue_indirect_dma source(%dma_start3A_32 : memref<50048x32xf32, #tpu.memory_space<hbm>>) target(%dma_start3A_26 : memref<128x32xf32, #tpu.memory_space<vmem>>) offsets(%dma_start3A_29 : memref<128xi32, #tpu.memory_space<vmem>>) semaphore(%arg12 : memref<!tpu.dma_semaphore, #tpu.memory_space<semaphore_mem>>)
      %dma_start3A_33 = arith.constant 1 : i32
      %dma_start3A_34 = arith.constant 128 : i32
      %dma_start3A_35 = arith.constant 0 : i32
      %dma_start3A_36 = tpu.memref_slice %arg9[%dma_start3A_34, %dma_start3A_35] : memref<256x32xf32, #tpu.memory_space<vmem>> -> memref<128x32xf32, #tpu.memory_space<vmem>>
      %dma_start3A_37 = arith.constant 0 : i32
      %dma_start3A_38 = tpu.memref_slice %arg7[%dma_start3A_33, %dma_start3A_37] : memref<28x128xi32, #tpu.memory_space<vmem>> -> memref<1x128xi32, #tpu.memory_space<vmem>>
      %dma_start3A_39 = tpu.memref_squeeze %dma_start3A_38 : memref<1x128xi32, #tpu.memory_space<vmem>> -> memref<128xi32, #tpu.memory_space<vmem>>
      %dma_start3A_40 = arith.constant 0 : i32
      %dma_start3A_41 = arith.constant 0 : i32
      %dma_start3A_42 = tpu.memref_slice %arg2[%dma_start3A_40, %dma_start3A_41] : memref<50048x32xf32, #tpu.memory_space<hbm>> -> memref<50048x32xf32, #tpu.memory_space<hbm>>
      tpu.enqueue_indirect_dma source(%dma_start3A_42 : memref<50048x32xf32, #tpu.memory_space<hbm>>) target(%dma_start3A_36 : memref<128x32xf32, #tpu.memory_space<vmem>>) offsets(%dma_start3A_39 : memref<128xi32, #tpu.memory_space<vmem>>) semaphore(%arg12 : memref<!tpu.dma_semaphore, #tpu.memory_space<semaphore_mem>>)
      %dma_start3A_43 = arith.constant 2 : i32
      %dma_start3A_44 = arith.constant 0 : i32
      %dma_start3A_45 = arith.constant 0 : i32
      %dma_start3A_46 = tpu.memref_slice %arg10[%dma_start3A_44, %dma_start3A_45] : memref<256x32xf32, #tpu.memory_space<vmem>> -> memref<128x32xf32, #tpu.memory_space<vmem>>
      %dma_start3A_47 = arith.constant 0 : i32
      %dma_start3A_48 = tpu.memref_slice %arg7[%dma_start3A_43, %dma_start3A_47] : memref<28x128xi32, #tpu.memory_space<vmem>> -> memref<1x128xi32, #tpu.memory_space<vmem>>
      %dma_start3A_49 = tpu.memref_squeeze %dma_start3A_48 : memref<1x128xi32, #tpu.memory_space<vmem>> -> memref<128xi32, #tpu.memory_space<vmem>>
      %dma_start3A_50 = arith.constant 0 : i32
      %dma_start3A_51 = arith.constant 0 : i32
      %dma_start3A_52 = tpu.memref_slice %arg2[%dma_start3A_50, %dma_start3A_51] : memref<50048x32xf32, #tpu.memory_space<hbm>> -> memref<50048x32xf32, #tpu.memory_space<hbm>>
      tpu.enqueue_indirect_dma source(%dma_start3A_52 : memref<50048x32xf32, #tpu.memory_space<hbm>>) target(%dma_start3A_46 : memref<128x32xf32, #tpu.memory_space<vmem>>) offsets(%dma_start3A_49 : memref<128xi32, #tpu.memory_space<vmem>>) semaphore(%arg13 : memref<!tpu.dma_semaphore, #tpu.memory_space<semaphore_mem>>)
      %dma_start3A_53 = arith.constant 3 : i32
      %dma_start3A_54 = arith.constant 128 : i32
      %dma_start3A_55 = arith.constant 0 : i32
      %dma_start3A_56 = tpu.memref_slice %arg10[%dma_start3A_54, %dma_start3A_55] : memref<256x32xf32, #tpu.memory_space<vmem>> -> memref<128x32xf32, #tpu.memory_space<vmem>>
      %dma_start3A_57 = arith.constant 0 : i32
      %dma_start3A_58 = tpu.memref_slice %arg7[%dma_start3A_53, %dma_start3A_57] : memref<28x128xi32, #tpu.memory_space<vmem>> -> memref<1x128xi32, #tpu.memory_space<vmem>>
      %dma_start3A_59 = tpu.memref_squeeze %dma_start3A_58 : memref<1x128xi32, #tpu.memory_space<vmem>> -> memref<128xi32, #tpu.memory_space<vmem>>
      %dma_start3A_60 = arith.constant 0 : i32
      %dma_start3A_61 = arith.constant 0 : i32
      %dma_start3A_62 = tpu.memref_slice %arg2[%dma_start3A_60, %dma_start3A_61] : memref<50048x32xf32, #tpu.memory_space<hbm>> -> memref<50048x32xf32, #tpu.memory_space<hbm>>
      tpu.enqueue_indirect_dma source(%dma_start3A_62 : memref<50048x32xf32, #tpu.memory_space<hbm>>) target(%dma_start3A_56 : memref<128x32xf32, #tpu.memory_space<vmem>>) offsets(%dma_start3A_59 : memref<128xi32, #tpu.memory_space<vmem>>) semaphore(%arg13 : memref<!tpu.dma_semaphore, #tpu.memory_space<semaphore_mem>>)
      %scan3A_63 = arith.constant 0 : i32
      %scan3A_64 = arith.constant 0 : i32
      %scan3A_65 = arith.constant 1 : i32
      %scan3A_66 = arith.constant 2 : i32
      %scan3A_67 = arith.constant 3 : i32
      %scan3A_68 = arith.constant 0 : i32
      %scan3A_69 = arith.constant 6 : i32
      %scan3A_70 = arith.addi %scan3A_68, %scan3A_69 : i32
      %scan3A_71 = arith.constant 1 : i32
      scf.for %scan3A_140 = %scan3A_68 to %scan3A_70 step %scan3A_71  : i32 {
        %mul3A_141 = arith.constant 2 : i32
        %mul3A_142 = arith.muli %mul3A_141, %scan3A_140 : i32
        %dma_wait3A_143 = arith.constant 0 : i32
        %dma_wait3A_144 = arith.constant 0 : i32
        %dma_wait3A_145 = tpu.memref_slice %arg9[%dma_wait3A_143, %dma_wait3A_144] : memref<256x32xf32, #tpu.memory_space<vmem>> -> memref<128x32xf32, #tpu.memory_space<vmem>>
        %dma_wait3A_146 = arith.constant 0 : i32
        %dma_wait3A_147 = tpu.memref_slice %arg7[%scan3A_64, %dma_wait3A_146] : memref<28x128xi32, #tpu.memory_space<vmem>> -> memref<1x128xi32, #tpu.memory_space<vmem>>
        %dma_wait3A_148 = tpu.memref_squeeze %dma_wait3A_147 : memref<1x128xi32, #tpu.memory_space<vmem>> -> memref<128xi32, #tpu.memory_space<vmem>>
        %dma_wait3A_149 = arith.constant 0 : i32
        %dma_wait3A_150 = arith.constant 0 : i32
        %dma_wait3A_151 = tpu.memref_slice %arg2[%dma_wait3A_149, %dma_wait3A_150] : memref<50048x32xf32, #tpu.memory_space<hbm>> -> memref<50048x32xf32, #tpu.memory_space<hbm>>
        tpu.wait_indirect_dma semaphore(%arg12 : memref<!tpu.dma_semaphore, #tpu.memory_space<semaphore_mem>>) src(%dma_wait3A_151 : memref<50048x32xf32, #tpu.memory_space<hbm>>) dst(%dma_wait3A_145 : memref<128x32xf32, #tpu.memory_space<vmem>>)
        %dma_wait3A_152 = arith.constant 128 : i32
        %dma_wait3A_153 = arith.constant 0 : i32
        %dma_wait3A_154 = tpu.memref_slice %arg9[%dma_wait3A_152, %dma_wait3A_153] : memref<256x32xf32, #tpu.memory_space<vmem>> -> memref<128x32xf32, #tpu.memory_space<vmem>>
        %dma_wait3A_155 = arith.constant 0 : i32
        %dma_wait3A_156 = tpu.memref_slice %arg7[%scan3A_65, %dma_wait3A_155] : memref<28x128xi32, #tpu.memory_space<vmem>> -> memref<1x128xi32, #tpu.memory_space<vmem>>
        %dma_wait3A_157 = tpu.memref_squeeze %dma_wait3A_156 : memref<1x128xi32, #tpu.memory_space<vmem>> -> memref<128xi32, #tpu.memory_space<vmem>>
        %dma_wait3A_158 = arith.constant 0 : i32
        %dma_wait3A_159 = arith.constant 0 : i32
        %dma_wait3A_160 = tpu.memref_slice %arg2[%dma_wait3A_158, %dma_wait3A_159] : memref<50048x32xf32, #tpu.memory_space<hbm>> -> memref<50048x32xf32, #tpu.memory_space<hbm>>
        tpu.wait_indirect_dma semaphore(%arg12 : memref<!tpu.dma_semaphore, #tpu.memory_space<semaphore_mem>>) src(%dma_wait3A_160 : memref<50048x32xf32, #tpu.memory_space<hbm>>) dst(%dma_wait3A_154 : memref<128x32xf32, #tpu.memory_space<vmem>>)
        %dma_start3A_161 = arith.constant 0 : i32
        %dma_start3A_162 = tpu.memref_slice %arg8[%mul3A_142, %dma_start3A_161] : memref<14x256xi32, #tpu.memory_space<vmem>> -> memref<1x256xi32, #tpu.memory_space<vmem>>
        %dma_start3A_163 = tpu.memref_squeeze %dma_start3A_162 : memref<1x256xi32, #tpu.memory_space<vmem>> -> memref<256xi32, #tpu.memory_space<vmem>>
        %dma_start3A_164 = arith.constant 0 : i32
        %dma_start3A_165 = arith.constant 0 : i32
        %dma_start3A_166 = tpu.memref_slice %arg11[%dma_start3A_164, %dma_start3A_165] : memref<50048x32xf32, #tpu.memory_space<vmem_shared>> -> memref<50048x32xf32, #tpu.memory_space<vmem_shared>>
        tpu.enqueue_indirect_dma source(%arg9 : memref<256x32xf32, #tpu.memory_space<vmem>>) target(%dma_start3A_166 : memref<50048x32xf32, #tpu.memory_space<vmem_shared>>) offsets(%dma_start3A_163 : memref<256xi32, #tpu.memory_space<vmem>>) semaphore(%arg14 : memref<!tpu.dma_semaphore, #tpu.memory_space<semaphore_mem>>) {add = true}
        %dma_wait3A_167 = arith.constant 0 : i32
        %dma_wait3A_168 = arith.constant 0 : i32
        %dma_wait3A_169 = tpu.memref_slice %arg10[%dma_wait3A_167, %dma_wait3A_168] : memref<256x32xf32, #tpu.memory_space<vmem>> -> memref<128x32xf32, #tpu.memory_space<vmem>>
        %dma_wait3A_170 = arith.constant 0 : i32
        %dma_wait3A_171 = tpu.memref_slice %arg7[%scan3A_66, %dma_wait3A_170] : memref<28x128xi32, #tpu.memory_space<vmem>> -> memref<1x128xi32, #tpu.memory_space<vmem>>
        %dma_wait3A_172 = tpu.memref_squeeze %dma_wait3A_171 : memref<1x128xi32, #tpu.memory_space<vmem>> -> memref<128xi32, #tpu.memory_space<vmem>>
        %dma_wait3A_173 = arith.constant 0 : i32
        %dma_wait3A_174 = arith.constant 0 : i32
        %dma_wait3A_175 = tpu.memref_slice %arg2[%dma_wait3A_173, %dma_wait3A_174] : memref<50048x32xf32, #tpu.memory_space<hbm>> -> memref<50048x32xf32, #tpu.memory_space<hbm>>
        tpu.wait_indirect_dma semaphore(%arg13 : memref<!tpu.dma_semaphore, #tpu.memory_space<semaphore_mem>>) src(%dma_wait3A_175 : memref<50048x32xf32, #tpu.memory_space<hbm>>) dst(%dma_wait3A_169 : memref<128x32xf32, #tpu.memory_space<vmem>>)
        %dma_wait3A_176 = arith.constant 128 : i32
        %dma_wait3A_177 = arith.constant 0 : i32
        %dma_wait3A_178 = tpu.memref_slice %arg10[%dma_wait3A_176, %dma_wait3A_177] : memref<256x32xf32, #tpu.memory_space<vmem>> -> memref<128x32xf32, #tpu.memory_space<vmem>>
        %dma_wait3A_179 = arith.constant 0 : i32
        %dma_wait3A_180 = tpu.memref_slice %arg7[%scan3A_67, %dma_wait3A_179] : memref<28x128xi32, #tpu.memory_space<vmem>> -> memref<1x128xi32, #tpu.memory_space<vmem>>
        %dma_wait3A_181 = tpu.memref_squeeze %dma_wait3A_180 : memref<1x128xi32, #tpu.memory_space<vmem>> -> memref<128xi32, #tpu.memory_space<vmem>>
        %dma_wait3A_182 = arith.constant 0 : i32
        %dma_wait3A_183 = arith.constant 0 : i32
        %dma_wait3A_184 = tpu.memref_slice %arg2[%dma_wait3A_182, %dma_wait3A_183] : memref<50048x32xf32, #tpu.memory_space<hbm>> -> memref<50048x32xf32, #tpu.memory_space<hbm>>
        tpu.wait_indirect_dma semaphore(%arg13 : memref<!tpu.dma_semaphore, #tpu.memory_space<semaphore_mem>>) src(%dma_wait3A_184 : memref<50048x32xf32, #tpu.memory_space<hbm>>) dst(%dma_wait3A_178 : memref<128x32xf32, #tpu.memory_space<vmem>>)
        %add3A_185 = arith.constant 1 : i32
        %add3A_186 = arith.addi %mul3A_142, %add3A_185 : i32
        %dma_start3A_187 = arith.constant 0 : i32
        %dma_start3A_188 = tpu.memref_slice %arg8[%add3A_186, %dma_start3A_187] : memref<14x256xi32, #tpu.memory_space<vmem>> -> memref<1x256xi32, #tpu.memory_space<vmem>>
        %dma_start3A_189 = tpu.memref_squeeze %dma_start3A_188 : memref<1x256xi32, #tpu.memory_space<vmem>> -> memref<256xi32, #tpu.memory_space<vmem>>
        %dma_start3A_190 = arith.constant 0 : i32
        %dma_start3A_191 = arith.constant 0 : i32
        %dma_start3A_192 = tpu.memref_slice %arg11[%dma_start3A_190, %dma_start3A_191] : memref<50048x32xf32, #tpu.memory_space<vmem_shared>> -> memref<50048x32xf32, #tpu.memory_space<vmem_shared>>
        tpu.enqueue_indirect_dma source(%arg10 : memref<256x32xf32, #tpu.memory_space<vmem>>) target(%dma_start3A_192 : memref<50048x32xf32, #tpu.memory_space<vmem_shared>>) offsets(%dma_start3A_189 : memref<256xi32, #tpu.memory_space<vmem>>) semaphore(%arg15 : memref<!tpu.dma_semaphore, #tpu.memory_space<semaphore_mem>>) {add = true}
        %dma_wait3A_193 = arith.constant 0 : i32
        %dma_wait3A_194 = tpu.memref_slice %arg8[%mul3A_142, %dma_wait3A_193] : memref<14x256xi32, #tpu.memory_space<vmem>> -> memref<1x256xi32, #tpu.memory_space<vmem>>
        %dma_wait3A_195 = tpu.memref_squeeze %dma_wait3A_194 : memref<1x256xi32, #tpu.memory_space<vmem>> -> memref<256xi32, #tpu.memory_space<vmem>>
        %dma_wait3A_196 = arith.constant 0 : i32
        %dma_wait3A_197 = arith.constant 0 : i32
        %dma_wait3A_198 = tpu.memref_slice %arg11[%dma_wait3A_196, %dma_wait3A_197] : memref<50048x32xf32, #tpu.memory_space<vmem_shared>> -> memref<50048x32xf32, #tpu.memory_space<vmem_shared>>
        tpu.wait_indirect_dma semaphore(%arg14 : memref<!tpu.dma_semaphore, #tpu.memory_space<semaphore_mem>>) src(%arg9 : memref<256x32xf32, #tpu.memory_space<vmem>>) dst(%dma_wait3A_198 : memref<50048x32xf32, #tpu.memory_space<vmem_shared>>)
        %add3A_199 = arith.constant 2 : i32
        %add3A_200 = arith.addi %mul3A_142, %add3A_199 : i32
        %mul3A_201 = arith.constant 2 : i32
        %mul3A_202 = arith.muli %mul3A_201, %add3A_200 : i32
        %dma_start3A_203 = arith.constant 0 : i32
        %dma_start3A_204 = arith.constant 0 : i32
        %dma_start3A_205 = tpu.memref_slice %arg9[%dma_start3A_203, %dma_start3A_204] : memref<256x32xf32, #tpu.memory_space<vmem>> -> memref<128x32xf32, #tpu.memory_space<vmem>>
        %dma_start3A_206 = arith.constant 0 : i32
        %dma_start3A_207 = tpu.memref_slice %arg7[%mul3A_202, %dma_start3A_206] : memref<28x128xi32, #tpu.memory_space<vmem>> -> memref<1x128xi32, #tpu.memory_space<vmem>>
        %dma_start3A_208 = tpu.memref_squeeze %dma_start3A_207 : memref<1x128xi32, #tpu.memory_space<vmem>> -> memref<128xi32, #tpu.memory_space<vmem>>
        %dma_start3A_209 = arith.constant 0 : i32
        %dma_start3A_210 = arith.constant 0 : i32
        %dma_start3A_211 = tpu.memref_slice %arg2[%dma_start3A_209, %dma_start3A_210] : memref<50048x32xf32, #tpu.memory_space<hbm>> -> memref<50048x32xf32, #tpu.memory_space<hbm>>
        tpu.enqueue_indirect_dma source(%dma_start3A_211 : memref<50048x32xf32, #tpu.memory_space<hbm>>) target(%dma_start3A_205 : memref<128x32xf32, #tpu.memory_space<vmem>>) offsets(%dma_start3A_208 : memref<128xi32, #tpu.memory_space<vmem>>) semaphore(%arg12 : memref<!tpu.dma_semaphore, #tpu.memory_space<semaphore_mem>>)
        %mul3A_212 = arith.constant 2 : i32
        %mul3A_213 = arith.muli %mul3A_212, %add3A_200 : i32
        %add3A_214 = arith.constant 1 : i32
        %add3A_215 = arith.addi %mul3A_213, %add3A_214 : i32
        %dma_start3A_216 = arith.constant 128 : i32
        %dma_start3A_217 = arith.constant 0 : i32
        %dma_start3A_218 = tpu.memref_slice %arg9[%dma_start3A_216, %dma_start3A_217] : memref<256x32xf32, #tpu.memory_space<vmem>> -> memref<128x32xf32, #tpu.memory_space<vmem>>
        %dma_start3A_219 = arith.constant 0 : i32
        %dma_start3A_220 = tpu.memref_slice %arg7[%add3A_215, %dma_start3A_219] : memref<28x128xi32, #tpu.memory_space<vmem>> -> memref<1x128xi32, #tpu.memory_space<vmem>>
        %dma_start3A_221 = tpu.memref_squeeze %dma_start3A_220 : memref<1x128xi32, #tpu.memory_space<vmem>> -> memref<128xi32, #tpu.memory_space<vmem>>
        %dma_start3A_222 = arith.constant 0 : i32
        %dma_start3A_223 = arith.constant 0 : i32
        %dma_start3A_224 = tpu.memref_slice %arg2[%dma_start3A_222, %dma_start3A_223] : memref<50048x32xf32, #tpu.memory_space<hbm>> -> memref<50048x32xf32, #tpu.memory_space<hbm>>
        tpu.enqueue_indirect_dma source(%dma_start3A_224 : memref<50048x32xf32, #tpu.memory_space<hbm>>) target(%dma_start3A_218 : memref<128x32xf32, #tpu.memory_space<vmem>>) offsets(%dma_start3A_221 : memref<128xi32, #tpu.memory_space<vmem>>) semaphore(%arg12 : memref<!tpu.dma_semaphore, #tpu.memory_space<semaphore_mem>>)
        %dma_wait3A_225 = arith.constant 0 : i32
        %dma_wait3A_226 = tpu.memref_slice %arg8[%add3A_186, %dma_wait3A_225] : memref<14x256xi32, #tpu.memory_space<vmem>> -> memref<1x256xi32, #tpu.memory_space<vmem>>
        %dma_wait3A_227 = tpu.memref_squeeze %dma_wait3A_226 : memref<1x256xi32, #tpu.memory_space<vmem>> -> memref<256xi32, #tpu.memory_space<vmem>>
        %dma_wait3A_228 = arith.constant 0 : i32
        %dma_wait3A_229 = arith.constant 0 : i32
        %dma_wait3A_230 = tpu.memref_slice %arg11[%dma_wait3A_228, %dma_wait3A_229] : memref<50048x32xf32, #tpu.memory_space<vmem_shared>> -> memref<50048x32xf32, #tpu.memory_space<vmem_shared>>
        tpu.wait_indirect_dma semaphore(%arg15 : memref<!tpu.dma_semaphore, #tpu.memory_space<semaphore_mem>>) src(%arg10 : memref<256x32xf32, #tpu.memory_space<vmem>>) dst(%dma_wait3A_230 : memref<50048x32xf32, #tpu.memory_space<vmem_shared>>)
        %add3A_231 = arith.constant 3 : i32
        %add3A_232 = arith.addi %mul3A_142, %add3A_231 : i32
        %mul3A_233 = arith.constant 2 : i32
        %mul3A_234 = arith.muli %mul3A_233, %add3A_232 : i32
        %dma_start3A_235 = arith.constant 0 : i32
        %dma_start3A_236 = arith.constant 0 : i32
        %dma_start3A_237 = tpu.memref_slice %arg10[%dma_start3A_235, %dma_start3A_236] : memref<256x32xf32, #tpu.memory_space<vmem>> -> memref<128x32xf32, #tpu.memory_space<vmem>>
        %dma_start3A_238 = arith.constant 0 : i32
        %dma_start3A_239 = tpu.memref_slice %arg7[%mul3A_234, %dma_start3A_238] : memref<28x128xi32, #tpu.memory_space<vmem>> -> memref<1x128xi32, #tpu.memory_space<vmem>>
        %dma_start3A_240 = tpu.memref_squeeze %dma_start3A_239 : memref<1x128xi32, #tpu.memory_space<vmem>> -> memref<128xi32, #tpu.memory_space<vmem>>
        %dma_start3A_241 = arith.constant 0 : i32
        %dma_start3A_242 = arith.constant 0 : i32
        %dma_start3A_243 = tpu.memref_slice %arg2[%dma_start3A_241, %dma_start3A_242] : memref<50048x32xf32, #tpu.memory_space<hbm>> -> memref<50048x32xf32, #tpu.memory_space<hbm>>
        tpu.enqueue_indirect_dma source(%dma_start3A_243 : memref<50048x32xf32, #tpu.memory_space<hbm>>) target(%dma_start3A_237 : memref<128x32xf32, #tpu.memory_space<vmem>>) offsets(%dma_start3A_240 : memref<128xi32, #tpu.memory_space<vmem>>) semaphore(%arg13 : memref<!tpu.dma_semaphore, #tpu.memory_space<semaphore_mem>>)
        %mul3A_244 = arith.constant 2 : i32
        %mul3A_245 = arith.muli %mul3A_244, %add3A_232 : i32
        %add3A_246 = arith.constant 1 : i32
        %add3A_247 = arith.addi %mul3A_245, %add3A_246 : i32
        %dma_start3A_248 = arith.constant 128 : i32
        %dma_start3A_249 = arith.constant 0 : i32
        %dma_start3A_250 = tpu.memref_slice %arg10[%dma_start3A_248, %dma_start3A_249] : memref<256x32xf32, #tpu.memory_space<vmem>> -> memref<128x32xf32, #tpu.memory_space<vmem>>
        %dma_start3A_251 = arith.constant 0 : i32
        %dma_start3A_252 = tpu.memref_slice %arg7[%add3A_247, %dma_start3A_251] : memref<28x128xi32, #tpu.memory_space<vmem>> -> memref<1x128xi32, #tpu.memory_space<vmem>>
        %dma_start3A_253 = tpu.memref_squeeze %dma_start3A_252 : memref<1x128xi32, #tpu.memory_space<vmem>> -> memref<128xi32, #tpu.memory_space<vmem>>
        %dma_start3A_254 = arith.constant 0 : i32
        %dma_start3A_255 = arith.constant 0 : i32
        %dma_start3A_256 = tpu.memref_slice %arg2[%dma_start3A_254, %dma_start3A_255] : memref<50048x32xf32, #tpu.memory_space<hbm>> -> memref<50048x32xf32, #tpu.memory_space<hbm>>
        tpu.enqueue_indirect_dma source(%dma_start3A_256 : memref<50048x32xf32, #tpu.memory_space<hbm>>) target(%dma_start3A_250 : memref<128x32xf32, #tpu.memory_space<vmem>>) offsets(%dma_start3A_253 : memref<128xi32, #tpu.memory_space<vmem>>) semaphore(%arg13 : memref<!tpu.dma_semaphore, #tpu.memory_space<semaphore_mem>>)
      }
      %scan3A_72 = arith.constant 6 : i32
      %dma_wait3A = arith.constant 0 : i32
      %dma_wait3A_73 = arith.constant 0 : i32
      %dma_wait3A_74 = arith.constant 0 : i32
      %dma_wait3A_75 = tpu.memref_slice %arg9[%dma_wait3A_73, %dma_wait3A_74] : memref<256x32xf32, #tpu.memory_space<vmem>> -> memref<128x32xf32, #tpu.memory_space<vmem>>
      %dma_wait3A_76 = arith.constant 0 : i32
      %dma_wait3A_77 = tpu.memref_slice %arg7[%dma_wait3A, %dma_wait3A_76] : memref<28x128xi32, #tpu.memory_space<vmem>> -> memref<1x128xi32, #tpu.memory_space<vmem>>
      %dma_wait3A_78 = tpu.memref_squeeze %dma_wait3A_77 : memref<1x128xi32, #tpu.memory_space<vmem>> -> memref<128xi32, #tpu.memory_space<vmem>>
      %dma_wait3A_79 = arith.constant 0 : i32
      %dma_wait3A_80 = arith.constant 0 : i32
      %dma_wait3A_81 = tpu.memref_slice %arg2[%dma_wait3A_79, %dma_wait3A_80] : memref<50048x32xf32, #tpu.memory_space<hbm>> -> memref<50048x32xf32, #tpu.memory_space<hbm>>
      tpu.wait_indirect_dma semaphore(%arg12 : memref<!tpu.dma_semaphore, #tpu.memory_space<semaphore_mem>>) src(%dma_wait3A_81 : memref<50048x32xf32, #tpu.memory_space<hbm>>) dst(%dma_wait3A_75 : memref<128x32xf32, #tpu.memory_space<vmem>>)
      %dma_wait3A_82 = arith.constant 1 : i32
      %dma_wait3A_83 = arith.constant 128 : i32
      %dma_wait3A_84 = arith.constant 0 : i32
      %dma_wait3A_85 = tpu.memref_slice %arg9[%dma_wait3A_83, %dma_wait3A_84] : memref<256x32xf32, #tpu.memory_space<vmem>> -> memref<128x32xf32, #tpu.memory_space<vmem>>
      %dma_wait3A_86 = arith.constant 0 : i32
      %dma_wait3A_87 = tpu.memref_slice %arg7[%dma_wait3A_82, %dma_wait3A_86] : memref<28x128xi32, #tpu.memory_space<vmem>> -> memref<1x128xi32, #tpu.memory_space<vmem>>
      %dma_wait3A_88 = tpu.memref_squeeze %dma_wait3A_87 : memref<1x128xi32, #tpu.memory_space<vmem>> -> memref<128xi32, #tpu.memory_space<vmem>>
      %dma_wait3A_89 = arith.constant 0 : i32
      %dma_wait3A_90 = arith.constant 0 : i32
      %dma_wait3A_91 = tpu.memref_slice %arg2[%dma_wait3A_89, %dma_wait3A_90] : memref<50048x32xf32, #tpu.memory_space<hbm>> -> memref<50048x32xf32, #tpu.memory_space<hbm>>
      tpu.wait_indirect_dma semaphore(%arg12 : memref<!tpu.dma_semaphore, #tpu.memory_space<semaphore_mem>>) src(%dma_wait3A_91 : memref<50048x32xf32, #tpu.memory_space<hbm>>) dst(%dma_wait3A_85 : memref<128x32xf32, #tpu.memory_space<vmem>>)
      %dma_start3A_92 = arith.constant 12 : i32
      %dma_start3A_93 = arith.constant 0 : i32
      %dma_start3A_94 = tpu.memref_slice %arg8[%dma_start3A_92, %dma_start3A_93] : memref<14x256xi32, #tpu.memory_space<vmem>> -> memref<1x256xi32, #tpu.memory_space<vmem>>
      %dma_start3A_95 = tpu.memref_squeeze %dma_start3A_94 : memref<1x256xi32, #tpu.memory_space<vmem>> -> memref<256xi32, #tpu.memory_space<vmem>>
      %dma_start3A_96 = arith.constant 0 : i32
      %dma_start3A_97 = arith.constant 0 : i32
      %dma_start3A_98 = tpu.memref_slice %arg11[%dma_start3A_96, %dma_start3A_97] : memref<50048x32xf32, #tpu.memory_space<vmem_shared>> -> memref<50048x32xf32, #tpu.memory_space<vmem_shared>>
      tpu.enqueue_indirect_dma source(%arg9 : memref<256x32xf32, #tpu.memory_space<vmem>>) target(%dma_start3A_98 : memref<50048x32xf32, #tpu.memory_space<vmem_shared>>) offsets(%dma_start3A_95 : memref<256xi32, #tpu.memory_space<vmem>>) semaphore(%arg14 : memref<!tpu.dma_semaphore, #tpu.memory_space<semaphore_mem>>) {add = true}
      %dma_wait3A_99 = arith.constant 2 : i32
      %dma_wait3A_100 = arith.constant 0 : i32
      %dma_wait3A_101 = arith.constant 0 : i32
      %dma_wait3A_102 = tpu.memref_slice %arg10[%dma_wait3A_100, %dma_wait3A_101] : memref<256x32xf32, #tpu.memory_space<vmem>> -> memref<128x32xf32, #tpu.memory_space<vmem>>
      %dma_wait3A_103 = arith.constant 0 : i32
      %dma_wait3A_104 = tpu.memref_slice %arg7[%dma_wait3A_99, %dma_wait3A_103] : memref<28x128xi32, #tpu.memory_space<vmem>> -> memref<1x128xi32, #tpu.memory_space<vmem>>
      %dma_wait3A_105 = tpu.memref_squeeze %dma_wait3A_104 : memref<1x128xi32, #tpu.memory_space<vmem>> -> memref<128xi32, #tpu.memory_space<vmem>>
      %dma_wait3A_106 = arith.constant 0 : i32
      %dma_wait3A_107 = arith.constant 0 : i32
      %dma_wait3A_108 = tpu.memref_slice %arg2[%dma_wait3A_106, %dma_wait3A_107] : memref<50048x32xf32, #tpu.memory_space<hbm>> -> memref<50048x32xf32, #tpu.memory_space<hbm>>
      tpu.wait_indirect_dma semaphore(%arg13 : memref<!tpu.dma_semaphore, #tpu.memory_space<semaphore_mem>>) src(%dma_wait3A_108 : memref<50048x32xf32, #tpu.memory_space<hbm>>) dst(%dma_wait3A_102 : memref<128x32xf32, #tpu.memory_space<vmem>>)
      %dma_wait3A_109 = arith.constant 3 : i32
      %dma_wait3A_110 = arith.constant 128 : i32
      %dma_wait3A_111 = arith.constant 0 : i32
      %dma_wait3A_112 = tpu.memref_slice %arg10[%dma_wait3A_110, %dma_wait3A_111] : memref<256x32xf32, #tpu.memory_space<vmem>> -> memref<128x32xf32, #tpu.memory_space<vmem>>
      %dma_wait3A_113 = arith.constant 0 : i32
      %dma_wait3A_114 = tpu.memref_slice %arg7[%dma_wait3A_109, %dma_wait3A_113] : memref<28x128xi32, #tpu.memory_space<vmem>> -> memref<1x128xi32, #tpu.memory_space<vmem>>
      %dma_wait3A_115 = tpu.memref_squeeze %dma_wait3A_114 : memref<1x128xi32, #tpu.memory_space<vmem>> -> memref<128xi32, #tpu.memory_space<vmem>>
      %dma_wait3A_116 = arith.constant 0 : i32
      %dma_wait3A_117 = arith.constant 0 : i32
      %dma_wait3A_118 = tpu.memref_slice %arg2[%dma_wait3A_116, %dma_wait3A_117] : memref<50048x32xf32, #tpu.memory_space<hbm>> -> memref<50048x32xf32, #tpu.memory_space<hbm>>
      tpu.wait_indirect_dma semaphore(%arg13 : memref<!tpu.dma_semaphore, #tpu.memory_space<semaphore_mem>>) src(%dma_wait3A_118 : memref<50048x32xf32, #tpu.memory_space<hbm>>) dst(%dma_wait3A_112 : memref<128x32xf32, #tpu.memory_space<vmem>>)
      %dma_start3A_119 = arith.constant 13 : i32
      %dma_start3A_120 = arith.constant 0 : i32
      %dma_start3A_121 = tpu.memref_slice %arg8[%dma_start3A_119, %dma_start3A_120] : memref<14x256xi32, #tpu.memory_space<vmem>> -> memref<1x256xi32, #tpu.memory_space<vmem>>
      %dma_start3A_122 = tpu.memref_squeeze %dma_start3A_121 : memref<1x256xi32, #tpu.memory_space<vmem>> -> memref<256xi32, #tpu.memory_space<vmem>>
      %dma_start3A_123 = arith.constant 0 : i32
      %dma_start3A_124 = arith.constant 0 : i32
      %dma_start3A_125 = tpu.memref_slice %arg11[%dma_start3A_123, %dma_start3A_124] : memref<50048x32xf32, #tpu.memory_space<vmem_shared>> -> memref<50048x32xf32, #tpu.memory_space<vmem_shared>>
      tpu.enqueue_indirect_dma source(%arg10 : memref<256x32xf32, #tpu.memory_space<vmem>>) target(%dma_start3A_125 : memref<50048x32xf32, #tpu.memory_space<vmem_shared>>) offsets(%dma_start3A_122 : memref<256xi32, #tpu.memory_space<vmem>>) semaphore(%arg15 : memref<!tpu.dma_semaphore, #tpu.memory_space<semaphore_mem>>) {add = true}
      %dma_wait3A_126 = arith.constant 12 : i32
      %dma_wait3A_127 = arith.constant 0 : i32
      %dma_wait3A_128 = tpu.memref_slice %arg8[%dma_wait3A_126, %dma_wait3A_127] : memref<14x256xi32, #tpu.memory_space<vmem>> -> memref<1x256xi32, #tpu.memory_space<vmem>>
      %dma_wait3A_129 = tpu.memref_squeeze %dma_wait3A_128 : memref<1x256xi32, #tpu.memory_space<vmem>> -> memref<256xi32, #tpu.memory_space<vmem>>
      %dma_wait3A_130 = arith.constant 0 : i32
      %dma_wait3A_131 = arith.constant 0 : i32
      %dma_wait3A_132 = tpu.memref_slice %arg11[%dma_wait3A_130, %dma_wait3A_131] : memref<50048x32xf32, #tpu.memory_space<vmem_shared>> -> memref<50048x32xf32, #tpu.memory_space<vmem_shared>>
      tpu.wait_indirect_dma semaphore(%arg14 : memref<!tpu.dma_semaphore, #tpu.memory_space<semaphore_mem>>) src(%arg9 : memref<256x32xf32, #tpu.memory_space<vmem>>) dst(%dma_wait3A_132 : memref<50048x32xf32, #tpu.memory_space<vmem_shared>>)
      %dma_wait3A_133 = arith.constant 13 : i32
      %dma_wait3A_134 = arith.constant 0 : i32
      %dma_wait3A_135 = tpu.memref_slice %arg8[%dma_wait3A_133, %dma_wait3A_134] : memref<14x256xi32, #tpu.memory_space<vmem>> -> memref<1x256xi32, #tpu.memory_space<vmem>>
      %dma_wait3A_136 = tpu.memref_squeeze %dma_wait3A_135 : memref<1x256xi32, #tpu.memory_space<vmem>> -> memref<256xi32, #tpu.memory_space<vmem>>
      %dma_wait3A_137 = arith.constant 0 : i32
      %dma_wait3A_138 = arith.constant 0 : i32
      %dma_wait3A_139 = tpu.memref_slice %arg11[%dma_wait3A_137, %dma_wait3A_138] : memref<50048x32xf32, #tpu.memory_space<vmem_shared>> -> memref<50048x32xf32, #tpu.memory_space<vmem_shared>>
      tpu.wait_indirect_dma semaphore(%arg15 : memref<!tpu.dma_semaphore, #tpu.memory_space<semaphore_mem>>) src(%arg10 : memref<256x32xf32, #tpu.memory_space<vmem>>) dst(%dma_wait3A_139 : memref<50048x32xf32, #tpu.memory_space<vmem_shared>>)
    }
    %scan3A_7 = arith.constant 7 : i32
    %barrier3A_8 = arith.constant 0 : index
    tpu.barrier barrier_id(%barrier3A_8)
    %mul3A_9 = arith.constant 3128 : i32
    %mul3A_10 = arith.muli %arg1, %mul3A_9 : i32
    %mul3A_11 = arith.constant 3128 : i32
    %mul3A_12 = arith.muli %arg1, %mul3A_11 : i32
    "tpu.region"() ({
      %run_scoped3A = tpu.sem_alloc : memref<!tpu.dma_semaphore, #tpu.memory_space<semaphore_mem>>
      %dma_start3A = arith.constant 0 : i32
      %dma_start3A_13 = tpu.memref_slice %arg6[%arg0, %mul3A_12, %dma_start3A] : memref<2x50048x32xf32, #tpu.memory_space<hbm>> -> memref<1x3128x32xf32, #tpu.memory_space<hbm>>
      %dma_start3A_14 = tpu.memref_squeeze %dma_start3A_13 : memref<1x3128x32xf32, #tpu.memory_space<hbm>> -> memref<3128x32xf32, #tpu.memory_space<hbm>>
      %dma_start3A_15 = arith.constant 0 : i32
      %dma_start3A_16 = tpu.memref_slice %arg11[%mul3A_10, %dma_start3A_15] : memref<50048x32xf32, #tpu.memory_space<vmem_shared>> -> memref<3128x32xf32, #tpu.memory_space<vmem_shared>>
      tpu.enqueue_dma source(%dma_start3A_16 : memref<3128x32xf32, #tpu.memory_space<vmem_shared>>) target(%dma_start3A_14 : memref<3128x32xf32, #tpu.memory_space<hbm>>) target_semaphore(%run_scoped3A : memref<!tpu.dma_semaphore, #tpu.memory_space<semaphore_mem>>)
      %dma_wait3A = arith.constant 0 : i32
      %dma_wait3A_17 = tpu.memref_slice %arg6[%arg0, %mul3A_12, %dma_wait3A] : memref<2x50048x32xf32, #tpu.memory_space<hbm>> -> memref<1x3128x32xf32, #tpu.memory_space<hbm>>
      %dma_wait3A_18 = tpu.memref_squeeze %dma_wait3A_17 : memref<1x3128x32xf32, #tpu.memory_space<hbm>> -> memref<3128x32xf32, #tpu.memory_space<hbm>>
      %dma_wait3A_19 = arith.constant 0 : i32
      %dma_wait3A_20 = tpu.memref_slice %arg11[%mul3A_10, %dma_wait3A_19] : memref<50048x32xf32, #tpu.memory_space<vmem_shared>> -> memref<3128x32xf32, #tpu.memory_space<vmem_shared>>
      tpu.wait_dma2 semaphore(%run_scoped3A : memref<!tpu.dma_semaphore, #tpu.memory_space<semaphore_mem>>) src(%dma_wait3A_20 : memref<3128x32xf32, #tpu.memory_space<vmem_shared>>) dst(%dma_wait3A_18 : memref<3128x32xf32, #tpu.memory_space<hbm>>)
      tpu.yield
    }) : () -> ()
    return
  }
}

module attributes {stable_mosaic.version = 14 : i64} {
  func.func @_tc1_body(%arg0: i32, %arg1: memref<544x244xf32, #tpu.memory_space<vmem>>, %arg2: memref<244x128xf32, #tpu.memory_space<vmem>>, %arg3: memref<2x544x128xf32, #tpu.memory_space<vmem>>, %arg4: memref<544x128xf32, #tpu.memory_space<vmem>>) attributes {dimension_semantics = [#tpu.dimension_semantics<arbitrary>], iteration_bounds = array<i64: 23>, scalar_prefetch = 0 : i64, scratch_operands = 0 : i64, tpu.core_type = #tpu.core_type<tc>, window_params = [{transform_indices = @transform_0, window_bounds = array<i64: 544, 244>}, {pipeline_mode = #tpu.pipeline_mode<synchronous>, transform_indices = @transform_1, window_bounds = array<i64: 244, 128>}, {transform_indices = @transform_2, window_bounds = array<i64: 2, 544, 128>}, {transform_indices = @transform_3, window_bounds = array<i64: 544, 128>}]} {
    %get3A = arith.constant 0 : index
    %get3A_0 = arith.constant 0 : index
    %get3A_1 = arith.constant 0 : index
    %get3A_2 = vector.load %arg3[%get3A, %get3A_0, %get3A_1] : memref<2x544x128xf32, #tpu.memory_space<vmem>>, vector<1x544x128xf32>
    %get3A_3 = vector.shape_cast %get3A_2 : vector<1x544x128xf32> to vector<544x128xf32>
    %add3A = arith.constant 1.000000e+00 : f32
    %add3A_4 = vector.broadcast %add3A : f32 to vector<544x128xf32>
    %add3A_5 = arith.addf %add3A_4, %get3A_3 : vector<544x128xf32>
    %get3A_6 = arith.constant 1 : index
    %get3A_7 = arith.constant 0 : index
    %get3A_8 = arith.constant 0 : index
    %get3A_9 = vector.load %arg3[%get3A_6, %get3A_7, %get3A_8] : memref<2x544x128xf32, #tpu.memory_space<vmem>>, vector<1x544x128xf32>
    %get3A_10 = vector.shape_cast %get3A_9 : vector<1x544x128xf32> to vector<544x128xf32>
    %add3A_11 = arith.addf %add3A_5, %get3A_10 : vector<544x128xf32>
    %rsqrt3A = math.rsqrt %add3A_11 : vector<544x128xf32>
    %get3A_12 = arith.constant 0 : index
    %get3A_13 = arith.constant 0 : index
    %get3A_14 = vector.load %arg1[%get3A_12, %get3A_13] : memref<544x244xf32, #tpu.memory_space<vmem>>, vector<544x244xf32>
    %get3A_15 = arith.constant 0 : index
    %get3A_16 = arith.constant 0 : index
    %get3A_17 = vector.load %arg2[%get3A_15, %get3A_16] : memref<244x128xf32, #tpu.memory_space<vmem>>, vector<244x128xf32>
    %dot_general3A = arith.constant dense<0.000000e+00> : vector<544x128xf32>
    %dot_general3A_18 = tpu.matmul %get3A_14, %get3A_17, %dot_general3A {dimension_numbers = #tpu.dot_dimension_numbers<[1], [0], [0], [1], [0, 0, 1, 1], [], []>, transpose_lhs_hint = false} : vector<544x244xf32>, vector<244x128xf32>, vector<544x128xf32> -> vector<544x128xf32>
    %mul3A = arith.mulf %rsqrt3A, %dot_general3A_18 : vector<544x128xf32>
    %swap3A = arith.constant 0 : index
    %swap3A_19 = arith.constant 0 : index
    %swap3A_20 = vector.load %arg4[%swap3A, %swap3A_19] : memref<544x128xf32, #tpu.memory_space<vmem>>, vector<544x128xf32>
    tpu.vector_store %arg4[%swap3A, %swap3A_19], %mul3A {strides = array<i32>} : memref<544x128xf32, #tpu.memory_space<vmem>>, vector<544x128xf32>,
    return
  }
  func.func @transform_0(%arg0: i32) -> (i32, i32) {
    %c0_i32 = arith.constant 0 : i32
    %c0_i32_0 = arith.constant 0 : i32
    return %arg0, %c0_i32 : i32, i32
  }
  func.func @transform_1(%arg0: i32) -> (i32, i32) {
    %c0_i32 = arith.constant 0 : i32
    %c0_i32_0 = arith.constant 0 : i32
    %c0_i32_1 = arith.constant 0 : i32
    return %c0_i32, %c0_i32_0 : i32, i32
  }
  func.func @transform_2(%arg0: i32) -> (i32, i32, i32) {
    %c0_i32 = arith.constant 0 : i32
    %c0_i32_0 = arith.constant 0 : i32
    %c0_i32_1 = arith.constant 0 : i32
    return %c0_i32, %arg0, %c0_i32_0 : i32, i32, i32
  }
  func.func @transform_3(%arg0: i32) -> (i32, i32) {
    %c0_i32 = arith.constant 0 : i32
    %c0_i32_0 = arith.constant 0 : i32
    return %arg0, %c0_i32 : i32, i32
  }
}

module attributes {stable_mosaic.version = 14 : i64} {
  func.func @_tc2_body(%arg0: i32, %arg1: memref<2x544x128xf32, #tpu.memory_space<vmem>>, %arg2: memref<2x544x128xf32, #tpu.memory_space<vmem>>, %arg3: memref<544x128xf32, #tpu.memory_space<vmem>>, %arg4: memref<1x128xf32, #tpu.memory_space<vmem>>, %arg5: memref<128x32xf32, #tpu.memory_space<vmem>>, %arg6: memref<544x32xf32, #tpu.memory_space<vmem>>) attributes {dimension_semantics = [#tpu.dimension_semantics<arbitrary>], iteration_bounds = array<i64: 23>, scalar_prefetch = 0 : i64, scratch_operands = 0 : i64, tpu.core_type = #tpu.core_type<tc>, window_params = [{transform_indices = @transform_0, window_bounds = array<i64: 2, 544, 128>}, {transform_indices = @transform_1, window_bounds = array<i64: 2, 544, 128>}, {transform_indices = @transform_2, window_bounds = array<i64: 544, 128>}, {pipeline_mode = #tpu.pipeline_mode<synchronous>, transform_indices = @transform_3, window_bounds = array<i64: 1, 128>}, {pipeline_mode = #tpu.pipeline_mode<synchronous>, transform_indices = @transform_4, window_bounds = array<i64: 128, 32>}, {transform_indices = @transform_5, window_bounds = array<i64: 544, 32>}]} {
    %get3A = arith.constant 0 : index
    %get3A_0 = arith.constant 0 : index
    %get3A_1 = arith.constant 0 : index
    %get3A_2 = vector.load %arg1[%get3A, %get3A_0, %get3A_1] : memref<2x544x128xf32, #tpu.memory_space<vmem>>, vector<1x544x128xf32>
    %get3A_3 = vector.shape_cast %get3A_2 : vector<1x544x128xf32> to vector<544x128xf32>
    %add3A = arith.constant 1.000000e+00 : f32
    %add3A_4 = vector.broadcast %add3A : f32 to vector<544x128xf32>
    %add3A_5 = arith.addf %add3A_4, %get3A_3 : vector<544x128xf32>
    %get3A_6 = arith.constant 1 : index
    %get3A_7 = arith.constant 0 : index
    %get3A_8 = arith.constant 0 : index
    %get3A_9 = vector.load %arg1[%get3A_6, %get3A_7, %get3A_8] : memref<2x544x128xf32, #tpu.memory_space<vmem>>, vector<1x544x128xf32>
    %get3A_10 = vector.shape_cast %get3A_9 : vector<1x544x128xf32> to vector<544x128xf32>
    %add3A_11 = arith.addf %add3A_5, %get3A_10 : vector<544x128xf32>
    %rsqrt3A = math.rsqrt %add3A_11 : vector<544x128xf32>
    %get3A_12 = arith.constant 0 : index
    %get3A_13 = arith.constant 0 : index
    %get3A_14 = arith.constant 0 : index
    %get3A_15 = vector.load %arg2[%get3A_12, %get3A_13, %get3A_14] : memref<2x544x128xf32, #tpu.memory_space<vmem>>, vector<1x544x128xf32>
    %get3A_16 = vector.shape_cast %get3A_15 : vector<1x544x128xf32> to vector<544x128xf32>
    %get3A_17 = arith.constant 1 : index
    %get3A_18 = arith.constant 0 : index
    %get3A_19 = arith.constant 0 : index
    %get3A_20 = vector.load %arg2[%get3A_17, %get3A_18, %get3A_19] : memref<2x544x128xf32, #tpu.memory_space<vmem>>, vector<1x544x128xf32>
    %get3A_21 = vector.shape_cast %get3A_20 : vector<1x544x128xf32> to vector<544x128xf32>
    %add3A_22 = arith.addf %get3A_16, %get3A_21 : vector<544x128xf32>
    %get3A_23 = arith.constant 0 : index
    %get3A_24 = arith.constant 0 : index
    %get3A_25 = vector.load %arg3[%get3A_23, %get3A_24] : memref<544x128xf32, #tpu.memory_space<vmem>>, vector<544x128xf32>
    %add3A_26 = arith.addf %add3A_22, %get3A_25 : vector<544x128xf32>
    %mul3A = arith.mulf %rsqrt3A, %add3A_26 : vector<544x128xf32>
    %get3A_27 = arith.constant 0 : index
    %get3A_28 = arith.constant 0 : index
    %get3A_29 = vector.load %arg4[%get3A_27, %get3A_28] : memref<1x128xf32, #tpu.memory_space<vmem>>, vector<1x128xf32>
    %add3A_30 = vector.broadcast %get3A_29 : vector<1x128xf32> to vector<544x128xf32>
    %add3A_31 = arith.addf %mul3A, %add3A_30 : vector<544x128xf32>
    %max3A = arith.constant 0.000000e+00 : f32
    %max3A_32 = vector.broadcast %max3A : f32 to vector<544x128xf32>
    %max3A_33 = arith.maximumf %add3A_31, %max3A_32 : vector<544x128xf32>
    %mul3A_34 = arith.mulf %rsqrt3A, %max3A_33 : vector<544x128xf32>
    %get3A_35 = arith.constant 0 : index
    %get3A_36 = arith.constant 0 : index
    %get3A_37 = vector.load %arg5[%get3A_35, %get3A_36] : memref<128x32xf32, #tpu.memory_space<vmem>>, vector<128x32xf32>
    %dot_general3A = arith.constant dense<0.000000e+00> : vector<544x32xf32>
    %dot_general3A_38 = tpu.matmul %mul3A_34, %get3A_37, %dot_general3A {dimension_numbers = #tpu.dot_dimension_numbers<[1], [0], [0], [1], [0, 0, 1, 1], [], []>, transpose_lhs_hint = false} : vector<544x128xf32>, vector<128x32xf32>, vector<544x32xf32> -> vector<544x32xf32>
    %swap3A = arith.constant 0 : index
    %swap3A_39 = arith.constant 0 : index
    %swap3A_40 = vector.load %arg6[%swap3A, %swap3A_39] : memref<544x32xf32, #tpu.memory_space<vmem>>, vector<544x32xf32>
    tpu.vector_store %arg6[%swap3A, %swap3A_39], %dot_general3A_38 {strides = array<i32>} : memref<544x32xf32, #tpu.memory_space<vmem>>, vector<544x32xf32>,
    return
  }
  func.func @transform_0(%arg0: i32) -> (i32, i32, i32) {
    %c0_i32 = arith.constant 0 : i32
    %c0_i32_0 = arith.constant 0 : i32
    %c0_i32_1 = arith.constant 0 : i32
    return %c0_i32, %arg0, %c0_i32_0 : i32, i32, i32
  }
  func.func @transform_1(%arg0: i32) -> (i32, i32, i32) {
    %c0_i32 = arith.constant 0 : i32
    %c0_i32_0 = arith.constant 0 : i32
    %c0_i32_1 = arith.constant 0 : i32
    return %c0_i32, %arg0, %c0_i32_0 : i32, i32, i32
  }
  func.func @transform_2(%arg0: i32) -> (i32, i32) {
    %c0_i32 = arith.constant 0 : i32
    %c0_i32_0 = arith.constant 0 : i32
    return %arg0, %c0_i32 : i32, i32
  }
  func.func @transform_3(%arg0: i32) -> (i32, i32) {
    %c0_i32 = arith.constant 0 : i32
    %c0_i32_0 = arith.constant 0 : i32
    %c0_i32_1 = arith.constant 0 : i32
    return %c0_i32, %c0_i32_0 : i32, i32
  }
  func.func @transform_4(%arg0: i32) -> (i32, i32) {
    %c0_i32 = arith.constant 0 : i32
    %c0_i32_0 = arith.constant 0 : i32
    %c0_i32_1 = arith.constant 0 : i32
    return %c0_i32, %c0_i32_0 : i32, i32
  }
  func.func @transform_5(%arg0: i32) -> (i32, i32) {
    %c0_i32 = arith.constant 0 : i32
    %c0_i32_0 = arith.constant 0 : i32
    return %arg0, %c0_i32 : i32, i32
  }
}

module attributes {stable_mosaic.version = 14 : i64} {
  func.func @_tc3_body(%arg0: i32, %arg1: memref<2x544x128xf32, #tpu.memory_space<vmem>>, %arg2: memref<2x544x32xf32, #tpu.memory_space<vmem>>, %arg3: memref<544x32xf32, #tpu.memory_space<vmem>>, %arg4: memref<1x128xf32, #tpu.memory_space<vmem>>, %arg5: memref<128x8xf32, #tpu.memory_space<vmem>>, %arg6: memref<32x128xf32, #tpu.memory_space<vmem>>, %arg7: memref<544x8xf32, #tpu.memory_space<vmem>>) attributes {dimension_semantics = [#tpu.dimension_semantics<arbitrary>], iteration_bounds = array<i64: 23>, scalar_prefetch = 0 : i64, scratch_operands = 0 : i64, tpu.core_type = #tpu.core_type<tc>, window_params = [{transform_indices = @transform_0, window_bounds = array<i64: 2, 544, 128>}, {transform_indices = @transform_1, window_bounds = array<i64: 2, 544, 32>}, {transform_indices = @transform_2, window_bounds = array<i64: 544, 32>}, {pipeline_mode = #tpu.pipeline_mode<synchronous>, transform_indices = @transform_3, window_bounds = array<i64: 1, 128>}, {pipeline_mode = #tpu.pipeline_mode<synchronous>, transform_indices = @transform_4, window_bounds = array<i64: 128, 8>}, {pipeline_mode = #tpu.pipeline_mode<synchronous>, transform_indices = @transform_5, window_bounds = array<i64: 32, 128>}, {transform_indices = @transform_6, window_bounds = array<i64: 544, 8>}]} {
    %get3A = arith.constant 0 : index
    %get3A_0 = arith.constant 0 : index
    %get3A_1 = arith.constant 0 : index
    %get3A_2 = vector.load %arg1[%get3A, %get3A_0, %get3A_1] : memref<2x544x128xf32, #tpu.memory_space<vmem>>, vector<1x544x128xf32>
    %get3A_3 = vector.shape_cast %get3A_2 : vector<1x544x128xf32> to vector<544x128xf32>
    %add3A = arith.constant 1.000000e+00 : f32
    %add3A_4 = vector.broadcast %add3A : f32 to vector<544x128xf32>
    %add3A_5 = arith.addf %add3A_4, %get3A_3 : vector<544x128xf32>
    %get3A_6 = arith.constant 1 : index
    %get3A_7 = arith.constant 0 : index
    %get3A_8 = arith.constant 0 : index
    %get3A_9 = vector.load %arg1[%get3A_6, %get3A_7, %get3A_8] : memref<2x544x128xf32, #tpu.memory_space<vmem>>, vector<1x544x128xf32>
    %get3A_10 = vector.shape_cast %get3A_9 : vector<1x544x128xf32> to vector<544x128xf32>
    %add3A_11 = arith.addf %add3A_5, %get3A_10 : vector<544x128xf32>
    %rsqrt3A = math.rsqrt %add3A_11 : vector<544x128xf32>
    %get3A_12 = arith.constant 0 : index
    %get3A_13 = arith.constant 0 : index
    %get3A_14 = arith.constant 0 : index
    %get3A_15 = vector.load %arg2[%get3A_12, %get3A_13, %get3A_14] : memref<2x544x32xf32, #tpu.memory_space<vmem>>, vector<1x544x32xf32>
    %get3A_16 = vector.shape_cast %get3A_15 : vector<1x544x32xf32> to vector<544x32xf32>
    %get3A_17 = arith.constant 1 : index
    %get3A_18 = arith.constant 0 : index
    %get3A_19 = arith.constant 0 : index
    %get3A_20 = vector.load %arg2[%get3A_17, %get3A_18, %get3A_19] : memref<2x544x32xf32, #tpu.memory_space<vmem>>, vector<1x544x32xf32>
    %get3A_21 = vector.shape_cast %get3A_20 : vector<1x544x32xf32> to vector<544x32xf32>
    %add3A_22 = arith.addf %get3A_16, %get3A_21 : vector<544x32xf32>
    %get3A_23 = arith.constant 0 : index
    %get3A_24 = arith.constant 0 : index
    %get3A_25 = vector.load %arg3[%get3A_23, %get3A_24] : memref<544x32xf32, #tpu.memory_space<vmem>>, vector<544x32xf32>
    %add3A_26 = arith.addf %add3A_22, %get3A_25 : vector<544x32xf32>
    %get3A_27 = arith.constant 0 : index
    %get3A_28 = arith.constant 0 : index
    %get3A_29 = vector.load %arg6[%get3A_27, %get3A_28] : memref<32x128xf32, #tpu.memory_space<vmem>>, vector<32x128xf32>
    %dot_general3A = arith.constant dense<0.000000e+00> : vector<544x128xf32>
    %dot_general3A_30 = tpu.matmul %add3A_26, %get3A_29, %dot_general3A {dimension_numbers = #tpu.dot_dimension_numbers<[1], [0], [0], [1], [0, 0, 1, 1], [], []>, transpose_lhs_hint = false} : vector<544x32xf32>, vector<32x128xf32>, vector<544x128xf32> -> vector<544x128xf32>
    %mul3A = arith.mulf %rsqrt3A, %dot_general3A_30 : vector<544x128xf32>
    %get3A_31 = arith.constant 0 : index
    %get3A_32 = arith.constant 0 : index
    %get3A_33 = vector.load %arg4[%get3A_31, %get3A_32] : memref<1x128xf32, #tpu.memory_space<vmem>>, vector<1x128xf32>
    %add3A_34 = vector.broadcast %get3A_33 : vector<1x128xf32> to vector<544x128xf32>
    %add3A_35 = arith.addf %mul3A, %add3A_34 : vector<544x128xf32>
    %iota3A = tpu.iota {dimensions = array<i32: 1>} : vector<544x128xi32>
    %jit3A = arith.constant 32 : i32
    %eq3A = arith.constant 0 : i32
    %eq3A_36 = arith.cmpi eq, %jit3A, %eq3A : i32
    %jit3A_37 = arith.constant 1 : i32
    %select_n3A = arith.select %eq3A_36, %jit3A_37, %jit3A : i32
    %rem3A = vector.broadcast %select_n3A : i32 to vector<544x128xi32>
    %rem3A_38 = arith.remsi %iota3A, %rem3A : vector<544x128xi32>
    %ne3A = arith.constant 0 : i32
    %ne3A_39 = vector.broadcast %ne3A : i32 to vector<544x128xi32>
    %ne3A_40 = arith.cmpi ne, %rem3A_38, %ne3A_39 : vector<544x128xi32>
    %lt3A = arith.constant 0 : i32
    %lt3A_41 = vector.broadcast %lt3A : i32 to vector<544x128xi32>
    %lt3A_42 = arith.cmpi slt, %rem3A_38, %lt3A_41 : vector<544x128xi32>
    %lt3A_43 = arith.constant 0 : i32
    %lt3A_44 = arith.cmpi slt, %select_n3A, %lt3A_43 : i32
    %ne3A_45 = vector.broadcast %lt3A_44 : i1 to vector<544x128xi1>
    %ne3A_46 = vector.broadcast %ne3A_45 : vector<544x128xi1> to vector<544x128xi1>
    %ne3A_47 = arith.xori %lt3A_42, %ne3A_46 : vector<544x128xi1>
    %and3A = arith.andi %ne3A_47, %ne3A_40 : vector<544x128xi1>
    %add3A_48 = vector.broadcast %select_n3A : i32 to vector<544x128xi32>
    %add3A_49 = arith.addi %rem3A_38, %add3A_48 : vector<544x128xi32>
    %select_n3A_50 = arith.select %and3A, %add3A_49, %rem3A_38 : vector<544x128xi1>, vector<544x128xi32>
    %eq3A_51 = arith.constant 0 : i32
    %eq3A_52 = vector.broadcast %eq3A_51 : i32 to vector<544x128xi32>
    %eq3A_53 = arith.cmpi eq, %select_n3A_50, %eq3A_52 : vector<544x128xi32>
    %slice3A = vector.extract_strided_slice %add3A_35 {offsets = [0, 1], sizes = [544, 127], strides = [1, 1]} : vector<544x128xf32> to vector<544x127xf32>
    %slice3A_54 = vector.extract_strided_slice %add3A_35 {offsets = [0, 0], sizes = [544, 1], strides = [1, 1]} : vector<544x128xf32> to vector<544x1xf32>
    %concatenate3A = tpu.concatenate %slice3A, %slice3A_54 in 1 : vector<544x127xf32>, vector<544x1xf32> -> vector<544x128xf32>
    %slice3A_55 = vector.extract_strided_slice %add3A_35 {offsets = [0, 127], sizes = [544, 1], strides = [1, 1]} : vector<544x128xf32> to vector<544x1xf32>
    %slice3A_56 = vector.extract_strided_slice %add3A_35 {offsets = [0, 0], sizes = [544, 127], strides = [1, 1]} : vector<544x128xf32> to vector<544x127xf32>
    %concatenate3A_57 = tpu.concatenate %slice3A_55, %slice3A_56 in 1 : vector<544x1xf32>, vector<544x127xf32> -> vector<544x128xf32>
    %select_n3A_58 = arith.select %eq3A_53, %concatenate3A, %concatenate3A_57 : vector<544x128xi1>, vector<544x128xf32>
    %max3A = arith.maximumf %add3A_35, %select_n3A_58 : vector<544x128xf32>
    %sub3A = arith.subf %add3A_35, %max3A : vector<544x128xf32>
    %sub3A_59 = arith.subf %add3A_35, %max3A : vector<544x128xf32>
    %exp3A = math.exp %sub3A_59 : vector<544x128xf32>
    %sub3A_60 = arith.subf %select_n3A_58, %max3A : vector<544x128xf32>
    %exp3A_61 = math.exp %sub3A_60 : vector<544x128xf32>
    %add3A_62 = arith.addf %exp3A, %exp3A_61 : vector<544x128xf32>
    %log3A = math.log %add3A_62 : vector<544x128xf32>
    %sub3A_63 = arith.subf %sub3A, %log3A : vector<544x128xf32>
    %get3A_64 = arith.constant 0 : index
    %get3A_65 = arith.constant 0 : index
    %get3A_66 = vector.load %arg5[%get3A_64, %get3A_65] : memref<128x8xf32, #tpu.memory_space<vmem>>, vector<128x8xf32>
    %dot_general3A_67 = arith.constant dense<0.000000e+00> : vector<544x8xf32>
    %dot_general3A_68 = tpu.matmul %sub3A_63, %get3A_66, %dot_general3A_67 {dimension_numbers = #tpu.dot_dimension_numbers<[1], [0], [0], [1], [0, 0, 1, 1], [], []>, transpose_lhs_hint = false} : vector<544x128xf32>, vector<128x8xf32>, vector<544x8xf32> -> vector<544x8xf32>
    %swap3A = arith.constant 0 : index
    %swap3A_69 = arith.constant 0 : index
    %swap3A_70 = vector.load %arg7[%swap3A, %swap3A_69] : memref<544x8xf32, #tpu.memory_space<vmem>>, vector<544x8xf32>
    tpu.vector_store %arg7[%swap3A, %swap3A_69], %dot_general3A_68 {strides = array<i32>} : memref<544x8xf32, #tpu.memory_space<vmem>>, vector<544x8xf32>,
    return
  }
  func.func @transform_0(%arg0: i32) -> (i32, i32, i32) {
    %c0_i32 = arith.constant 0 : i32
    %c0_i32_0 = arith.constant 0 : i32
    %c0_i32_1 = arith.constant 0 : i32
    return %c0_i32, %arg0, %c0_i32_0 : i32, i32, i32
  }
  func.func @transform_1(%arg0: i32) -> (i32, i32, i32) {
    %c0_i32 = arith.constant 0 : i32
    %c0_i32_0 = arith.constant 0 : i32
    %c0_i32_1 = arith.constant 0 : i32
    return %c0_i32, %arg0, %c0_i32_0 : i32, i32, i32
  }
  func.func @transform_2(%arg0: i32) -> (i32, i32) {
    %c0_i32 = arith.constant 0 : i32
    %c0_i32_0 = arith.constant 0 : i32
    return %arg0, %c0_i32 : i32, i32
  }
  func.func @transform_3(%arg0: i32) -> (i32, i32) {
    %c0_i32 = arith.constant 0 : i32
    %c0_i32_0 = arith.constant 0 : i32
    %c0_i32_1 = arith.constant 0 : i32
    return %c0_i32, %c0_i32_0 : i32, i32
  }
  func.func @transform_4(%arg0: i32) -> (i32, i32) {
    %c0_i32 = arith.constant 0 : i32
    %c0_i32_0 = arith.constant 0 : i32
    %c0_i32_1 = arith.constant 0 : i32
    return %c0_i32, %c0_i32_0 : i32, i32
  }
  func.func @transform_5(%arg0: i32) -> (i32, i32) {
    %c0_i32 = arith.constant 0 : i32
    %c0_i32_0 = arith.constant 0 : i32
    %c0_i32_1 = arith.constant 0 : i32
    return %c0_i32, %c0_i32_0 : i32, i32
  }
  func.func @transform_6(%arg0: i32) -> (i32, i32) {
    %c0_i32 = arith.constant 0 : i32
    %c0_i32_0 = arith.constant 0 : i32
    return %arg0, %c0_i32 : i32, i32
  }
}

</mosaic_0001>

<sc_bundles>
// kernel: kernel.11.cloned.1.call-start
scs
__scs_entry_jumppad:
0x0: {  	(pc) =	sbr.rel $0x88, $3  }
0x1: {  	(tag) =	ssettag $0x0;
	lr =	simm.s32 $0x1  }
0x2: {  	[smem:$0x3F9B] =	sst lr;
	_ =	strace $0xD0000000  }
0x3: {  	_ = 	snop  }
0x4: {  	_ = 	snop  }
0x5: {  	_ = 	snop  }
0x6: {  	_ = 	snop  }
0x7: {  	_ = 	snop  }
__scs_overlays_trampoline_lowered:
0x8: {  	[smem:$0x3FAA] =	sst s0  }
0x9: {  	[smem:$0x3FAB] =	sst s1  }
0xa: {  	[smem:$0x3FAC] =	sst s2  }
0xb: {  	[smem:$0x3FAD] =	sst s3  }
0xc: {  	[smem:$0x3FAE] =	sst s4  }
0xd: {  	[smem:$0x3FAF] =	sst s5  }
0xe: {  	[smem:$0x3FB0] =	sst s6  }
0xf: {  	[smem:$0x3FB1] =	sst s7  }
0x10: {  	[smem:$0x3FB2] =	sst s8  }
0x11: {  	[smem:$0x3FB3] =	sst s9;
	s0 =	simm.s32 @!p0 $0x0  }
0x12: {  	s1 =	sld [smem:$0x3F99];
	s0 =	simm.s32 @p0 $0x1  }
0x13: {  	[smem:$0x3FB4] =	sst s0;
	s0 =	simm.s32 @!p1 $0x0  }
0x14: {  	s2 =	sld [smem:$0x3F98];
	s0 =	simm.s32 @p1 $0x1  }
0x15: {  	[smem:$0x3FB5] =	sst s0;
	s0 =	simm.s32 @!p2 $0x0  }
0x16: {  	s3 =	sld [smem:$0x3FDB];
	s0 =	simm.s32 @p2 $0x1  }
0x17: {  	s4 =	simm.s32 $0x1BF5;
	[smem:$0x3FB7] =	sst s0  }
0x18: {  	s0 =	sld [smem:$0x3F9A];
	_ =	swait.ge [sflag:s4], $0x0  }
0x19: {  	s7 =	sld [smem:$0x3F9B]  }
0x1a: {  	s8 =	sadd.s32 $0xFFFFE003, lr  }
0x1b: {  	s9 =	sadd.s32 $0xFFFFFEF7, lr;
	s5 =	simm.s32 $0xFFFFFFFF;
	p2 =	slt.u32 s8, $0xFFFFF086  }
0x1c: {  	p1 =	slt.u32 s9, $0xF7A;
	s5 =	simm.s32 @!p2 $0x0  }
0x1d: {  	s5 =	simm.s32 @p1 $0x1;
	p0 =	seq.s32 s7, s2  }
0x1e: {  	s7 =	smul.u32 @!p0 $0xF7A, s2;
	p2 =	seq.s32 @!p0 s5, $0x0  }
0x1f: {  	s9 =	smul.u32 $0xF7A, s1;
	s8 =	simm.s32 @!p0 $0x1BF5;
	p2 =	por !p2, p0  }
0x20: {  	[sflag:s8] =	ssyncset.s32 @!p0 $0xFFFFF086;
	s6 =	sadd.s32 @!p0 s3, s7;
	s7 =	simm.s32 @!p0 $0x108  }
0x21: {  	s3 =	sadd.s32 s3, s9;
	s6 =	sadd.s32 @!p0 $0x88, s6;
	s7 =	simm.s32 @p2 $0x1082  }
0x22: {  	[simem:s7], [sflag:s8] =	dma.local @!p0 [hbm:s6], $0xF7A  }
0x23: {  	s9 =	sor.u32 $0xD0000000, s2;
	s6 =	simm.s32 $0x108;
	_ =	swait.ge @!p0 [sflag:s8], $0x0  }
0x24: {  	s3 =	sadd.s32 $0x88, s3;
	s6 =	simm.s32 @!p1 $0x1082;
	[sflag:s4] =	ssyncset.s32 $0xFFFFF086  }
0x25: {  	[simem:s6], [sflag:s4] =	dma.local [hbm:s3], $0xF7A  }
0x26: {  	[smem:$0x3F9B] =	sst s1;
	(tag) =	ssettag s2;
	_ =	strace s9  }
0x27: {  	s1 =	sld [smem:$0x3FAB]  }
0x28: {  	s2 =	sld [smem:$0x3FAC]  }
0x29: {  	s4 =	sld [smem:$0x3FAE]  }
0x2a: {  	p0 =	seq.s32 s5, $0x0;
	s5 =	sld [smem:$0x3FAF]  }
0x2b: {  	s6 =	sld [smem:$0x3FB0]  }
0x2c: {  	s7 =	sld [smem:$0x3FB1]  }
0x2d: {  	s3 =	simm.s32 $0x108;
	s8 =	sld [smem:$0x3FB2]  }
0x2e: {  	s3 =	simm.s32 @!p0 $0x1082;
	s9 =	sld [smem:$0x3FB3]  }
0x2f: {  	lr =	sadd.s32 s0, s3;
	s0 =	sld [smem:$0x3FAA]  }
0x30: {  	s3 =	sld [smem:$0x3FAD]  }
0x31: {  	[smem:$0x3FB6] =	sst s10  }
0x32: {  	s10 =	sld [smem:$0x3FB4];
	_ =	sdelay $0x3  }
0x33: {  	p0 =	seq.s32 s10, $0x1;
	s10 =	sld [smem:$0x3FB6];
	_ =	sdelay $0x3  }
0x34: {  	[smem:$0x3FB6] =	sst s10  }
0x35: {  	s10 =	sld [smem:$0x3FB5];
	_ =	sdelay $0x3  }
0x36: {  	p1 =	seq.s32 s10, $0x1;
	s10 =	sld [smem:$0x3FB6];
	_ =	sdelay $0x3  }
0x37: {  	[smem:$0x3FB6] =	sst s10  }
0x38: {  	s10 =	sld [smem:$0x3FB7]  }
0x39: {  	_ = 	snop;
	(pc) =	sbr.ind lr, $3  }
0x3a: {  	_ = 	snop  }
0x3b: {  	_ = 	snop  }
0x3c: {  	p2 =	seq.s32 s10, $0x1;
	s10 =	sld [smem:$0x3FB6]  }
0x3d: {  	_ =	shalt  }
0x3e: {  	_ =	shalt  }
0x3f: {  	_ =	shalt  }
0x40: {  	_ =	shalt  }
0x41: {  	_ =	shalt  }
0x42: {  	_ =	shalt  }
0x43: {  	_ =	shalt  }
0x44: {  	_ =	shalt  }
0x45: {  	_ =	shalt  }
0x46: {  	_ =	shalt  }
0x47: {  	_ =	shalt  }
0x48: {  	_ =	shalt  }
0x49: {  	_ =	shalt  }
0x4a: {  	_ =	shalt  }
0x4b: {  	_ =	shalt  }
0x4c: {  	_ =	shalt  }
0x4d: {  	_ =	shalt  }
0x4e: {  	_ =	shalt  }
0x4f: {  	_ =	shalt  }
0x50: {  	_ =	shalt  }
0x51: {  	_ =	shalt  }
0x52: {  	_ =	shalt  }
0x53: {  	_ =	shalt  }
0x54: {  	_ =	shalt  }
0x55: {  	_ =	shalt  }
0x56: {  	_ =	shalt  }
0x57: {  	_ =	shalt  }
0x58: {  	_ =	shalt  }
0x59: {  	_ =	shalt  }
0x5a: {  	_ =	shalt  }
0x5b: {  	_ =	shalt  }
0x5c: {  	_ =	shalt  }
0x5d: {  	_ =	shalt  }
0x5e: {  	_ =	shalt  }
0x5f: {  	_ =	shalt  }
0x60: {  	_ =	shalt  }
0x61: {  	_ =	shalt  }
0x62: {  	_ =	shalt  }
0x63: {  	_ =	shalt  }
0x64: {  	_ =	shalt  }
0x65: {  	_ =	shalt  }
0x66: {  	_ =	shalt  }
0x67: {  	_ =	shalt  }
0x68: {  	_ =	shalt  }
0x69: {  	_ =	shalt  }
0x6a: {  	_ =	shalt  }
0x6b: {  	_ =	shalt  }
0x6c: {  	_ =	shalt  }
0x6d: {  	_ =	shalt  }
0x6e: {  	_ =	shalt  }
0x6f: {  	_ =	shalt  }
0x70: {  	_ =	shalt  }
0x71: {  	_ =	shalt  }
0x72: {  	_ =	shalt  }
0x73: {  	_ =	shalt  }
0x74: {  	_ =	shalt  }
0x75: {  	_ =	shalt  }
0x76: {  	_ =	shalt  }
0x77: {  	_ =	shalt  }
0x78: {  	_ =	shalt  }
0x79: {  	_ =	shalt  }
0x7a: {  	_ =	shalt  }
0x7b: {  	_ =	shalt  }
0x7c: {  	_ =	shalt  }
0x7d: {  	_ =	shalt  }
0x7e: {  	_ =	shalt  }
0x7f: {  	_ =	shalt  }
0x80: {  	_ =	shalt  }
0x81: {  	_ =	shalt  }
0x82: {  	_ =	shalt  }
0x83: {  	_ =	shalt  }
0x84: {  	_ =	shalt  }
0x85: {  	_ =	shalt  }
0x86: {  	_ =	shalt  }
0x87: {  	_ =	shalt  }
.Lfunc_end0:
.L_simem_size_0:
called_computation.1_lowered:
.L_overlay_start_0:
0x88: {  	s2 =	sld [smem:$0x3FD9]  }
0x89: {  	s3 =	sld [smem:$0x3FFE];
	_ =	sdelay $0x1  }
0x8a: {  	s1 =	srdreg.scid  }
0x8b: {  	s0 =	sand.u32 $0x1, s1  }
0x8c: {  	s16 =	sshll.u32 s0, $0xA;
	s2 =	sadd.s32 s3, s2  }
0x8d: {  	s2 =	sadd.s32 s2, s16  }
0x8e: {  	[smem:$0x3FC2] =	sst s2  }
0x8f: {  	_ = 	snop  }
0x90: {  	(tm) =	ssettm $0x1  }
0x91: {  	s17 =	sld [smem:$0x3FFB];
	_ =	sdelay $0x3  }
0x92: {  	_ =	strace s17  }
0x93: {  	s2 =	sld [smem:$0x3FFC];
	_ =	sdelay $0x3  }
0x94: {  	_ =	strace s2  }
0x95: {  	s2 =	sld [smem:$0x3FFD];
	_ =	sdelay $0x3  }
0x96: {  	_ =	strace s2  }
0x97: {  	_ =	strace $0x8FFFFFFF  }
0x98: {  	s18 =	sld [smem:$0x3FDB];
	_ =	sdelay $0x1  }
0x99: {  	s19 =	simm.s32 $_scs_section_size  }
0x9a: {  	s4 =	simm.s32 $_size__tile_overlayer_lowered;
	s5 =	simm.s32 $_tile_overlayer_lowered  }
0x9b: {  	s22 =	simm.s32 $0x1BFF;
	s21 =	sshll.u32 s5, $0x1;
	s2 =	sadd.s32 s19, s18  }
0x9c: {  	s6 =	simm.s32 $0x0;
	s20 =	sshll.u32 s4, $0x1;
	s4 =	sadd.s32 s21, s2  }
0x9d: {  	[timem:s6], [sflag:s22] =	dma.local [hbm:s4], s20  }
0x9e: {  	_ =	swait.ge [sflag:s22], s20  }
0x9f: {  	s3 =	ssub.s32 $0x0, s20;
	[sflag:s22] =	ssyncset.done $0x0  }
0xa0: {  	[sflag:s22] =	ssyncadd.s32 s3;
	_ =	sdelay $0x1  }
0xa1: {  	s23 =	simm.s32 $0x1B8B  }
0xa2: {  	_ =	swait.ge [sflag:s23], $0x1  }
0xa3: {  	[sflag:s23] =	ssyncset.done $0x0  }
0xa4: {  	s25 =	simm.s32 $0x1B8E;
	s24 =	sld [smem:$0x3FFE];
	[sflag:s23] =	ssyncadd.s32 $0xFFFFFFFF  }
0xa5: {  	s26 =	simm.s32 $execute0_lowered;
	[smem:$0x3FD2] =	sst s25  }
0xa6: {  	s4 =	sshll.u32 s26, $0x1;
	_ =	strace $0x80000049;
	[dreg:$0x1] =	wrdreg $0xFFFFFFFF  }
0xa7: {  	s28 =	simm.s32 $_size_execute0_lowered;
	s2 =	sadd.s32 s2, s4;
	[dreg:$0x0] =	wrdreg $0x0  }
0xa8: {  	s4 =	sshll.u32 s28, $0x1;
	[dreg:$0x2] =	wrdreg s2  }
0xa9: {  	[dreg:$0x3] =	wrdreg s4  }
0xaa: {  	[dreg:$0x4] =	wrdreg $0xC0  }
0xab: {  	_ =	task [dreg:s6], $0x5FFFF  }
0xac: {  	[dreg:$0x1] =	wrdreg $0xFFFFFFFF  }
0xad: {  	[dreg:$0x0] =	wrdreg $0x60  }
0xae: {  	[dreg:$0x2] =	wrdreg s24  }
0xaf: {  	[dreg:$0x3] =	wrdreg $0x5C000  }
0xb0: {  	[dreg:$0x4] =	wrdreg $0x9  }
0xb1: {  	_ =	task.clear_ibuf [dreg:s6], $0x5FFFF;
	_ =	strace $0x90000049  }
0xb2: {  	s29 =	simm.s32 $0x9;
	_ =	strace $0x8000004B  }
0xb3: {  	_ =	swait.ge [sflag:s29], $0x1  }
0xb4: {  	[sflag:s29] =	ssyncadd.s32 $0xFFFFFFFF  }
0xb5: {  	_ =	strace $0x9000004B  }
0xb6: {  	_ =	sfence  }
0xb7: {  	s30 =	sld [smem:$0x0];
	_ =	sdelay $0x2  }
0xb8: {  	s31 =	sshll.u32 s1, $0xD;
	s1 =	sshrl.u32 s1, $0x2  }
0xb9: {  	s3 =	sand.u32 $0x4000, s31;
	s1 =	sadd.s32 s1, s30  }
0xba: {  	s0 =	sor.u32 s3, s0;
	s1 =	sshll.u32 s1, $0x11  }
0xbb: {  	s0 =	sor.u32 s1, s0  }
0xbc: {  	s0 =	sadd.s32 $0x8F2B, s0  }
0xbd: {  	[sflag:s0] =	ssyncadd.remote.s32 $0x1  }
0xbe: {  	_ =	sfence.sel $0xFFFF  }
0xbf: {  	[dreg:$0x0] =	wrdreg $0xFFFFFFFF;
	(pc) =	sbr.abs _section_cstart, $3  }
0xc0: {  	[dreg:$0x1] =	wrdreg $0xFFFFFFFF  }
0xc1: {  	_ =	task.clear_ibuf [dreg:s6], $0x2FFFF;
	_ =	strace $0x9FFFFFFF  }
0xc2: {  	(tm) =	ssettm $0x7FFFFFFF  }
0xc3: {  	_ =	shalt  }
tec
execute0_lowered:
.L_overlay_start_1:
0x0: {  	(tag) =	ssettag $0x1  }
0x1: {  	s1 =	rddreg [dreg:$0x0]  }
0x2: {  	s2 =	rddreg [dreg:$0x1];
	s3 =	simm.s32 $0x0  }
0x3: {  	s0 =	srdreg.scid;
	s18 =	simm.s32 $0x180;
	[smem:$0x7FF] =	sst s3  }
0x4: {  	s9 =	sadd.s32 $0x19800, s1;
	_ =	strace $0x8000004A;
	[dreg:$0x5] =	wrdreg s18  }
0x5: {  	s8 =	stileid.u32;
	s19 =	simm.s32 $0xF00;
	[dreg:$0x1f] =	wrdreg s9  }
0x6: {  	s20 =	simm.s32 $0x200;
	s21 =	simm.s32 $0x280;
	[dreg:$0x6] =	wrdreg s19  }
0x7: {  	s22 =	simm.s32 $0x300;
	s23 =	simm.s32 $0x380;
	[dreg:$0x7] =	wrdreg s20  }
0x8: {  	s24 =	simm.s32 $0x1000;
	s26 =	simm.s32 $0x1100;
	[dreg:$0x8] =	wrdreg s21  }
0x9: {  	s11 =	simm.s32 $0x500;
	s12 =	simm.s32 $0x580;
	[dreg:$0x9] =	wrdreg s22  }
0xa: {  	s13 =	simm.s32 $0x1200;
	s14 =	simm.s32 $0x1300;
	[dreg:$0xa] =	wrdreg s23  }
0xb: {  	s15 =	simm.s32 $0x600;
	s16 =	simm.s32 $0x680;
	[dreg:$0xb] =	wrdreg s24  }
0xc: {  	s28 =	simm.s32 $0x1900;
	s29 =	simm.s32 $0xC00;
	[dreg:$0xc] =	wrdreg s26  }
0xd: {  	s30 =	simm.s32 $0xC80;
	s5 =	smul.u32 $0xC40, s8;
	[dreg:$0xf] =	wrdreg s11  }
0xe: {  	s0 =	sand.u32 $0x1, s0;
	s17 =	smul.u32 $0x18700, s8;
	[dreg:$0x10] =	wrdreg s12  }
0xf: {  	s31 =	simm.s32 $0xD00;
	s4 =	smul.u32 $0xC400, s0;
	[dreg:$0x11] =	wrdreg s13  }
0x10: {  	s10 =	sshll.u32 s8, $0x6;
	s7 =	smul.u32 $0x187000, s0;
	[dreg:$0x12] =	wrdreg s14  }
0x11: {  	s0 =	ssub.s32 $0x2, s0;
	s9 =	simm.s32 $0x480;
	[dreg:$0x13] =	wrdreg s15  }
0x12: {  	s11 =	simm.s32 $0xE00;
	[dreg:$0x14] =	wrdreg s16;
	s12 =	simm.s32 $0x80  }
0x13: {  	s18 =	simm.s32 $0x780;
	s13 =	simm.s32 $0x1C00;
	[dreg:$0xe] =	wrdreg s9  }
0x14: {  	s19 =	simm.s32 $0x1400;
	s14 =	simm.s32 $0x2C00;
	[dreg:$0x16] =	wrdreg s18  }
0x15: {  	s20 =	simm.s32 $0x1500;
	s15 =	simm.s32 $0x100;
	[dreg:$0x17] =	wrdreg s19  }
0x16: {  	s21 =	simm.s32 $0x800;
	s16 =	simm.s32 $0x3C00;
	[dreg:$0x18] =	wrdreg s20  }
0x17: {  	s22 =	simm.s32 $0x880;
	s23 =	simm.s32 $0x900;
	[dreg:$0x19] =	wrdreg s21  }
0x18: {  	s24 =	simm.s32 $0x980;
	s26 =	simm.s32 $0x1700;
	[dreg:$0x1a] =	wrdreg s22  }
0x19: {  	s25 =	sshrl.u32 s0, $0x1;
	s18 =	simm.s32 $0x1;
	[dreg:$0x1b] =	wrdreg s23  }
0x1a: {  	s19 =	simm.s32 $0x2;
	[dreg:$0x1c] =	wrdreg s24;
	s20 =	simm.s32 $0x3  }
0x1b: {  	s21 =	simm.s32 $0x4;
	[dreg:$0x1e] =	wrdreg s26;
	s22 =	simm.s32 $0xA00  }
0x1c: {  	s23 =	simm.s32 $0xA80;
	s24 =	simm.s32 $0xB00;
	s26 =	simm.s32 $0x1800  }
0x1d: {  	s9 =	simm.s32 $0x0;
	s4 =	sadd.s32 s4, s1;
	s7 =	sadd.s32 s17, s7  }
0x1e: {  	s0 =	ssub.s32 s0, s25;
	s25 =	simm.s32 $0x1600;
	s5 =	sadd.s32 s5, s4  }
0x1f: {  	s4 =	sadd.s32 $0x96E00, s1;
	s0 =	smax.u32 s0, $0x1;
	[dreg:$0x1d] =	wrdreg s25  }
0x20: {  	s7 =	sshrl.u32 s7, $0x3;
	s6 =	sadd.s32 $0x1000, s5;
	[smem:$0x7FB] =	sst s0  }
0x21: {  	s25 =	simm.s32 $0xB80;
	s5 =	sadd.s32 $0x7E600, s5;
	[dreg:$0x3] =	wrdreg s6  }
0x22: {  	s1 =	sadd.s32 s7, s1;
	s7 =	simm.s32 $0x400;
	[dreg:$0x4] =	wrdreg s5  }
0x23: {  	s0 =	simm.s32 $0x1A00;
	[dreg:$0xd] =	wrdreg s7;
	s1 =	sadd.s32 $0xC7C00, s1  }
0x24: {  	s6 =	sadd.s32 s17, s2;
	s17 =	simm.s32 $0x700;
	[smem:$0x7FA] =	sst s1  }
0x25: {  	s7 =	sor.u32 $0x1C05, s10;
	s10 =	simm.s32 $0x5;
	[dreg:$0x15] =	wrdreg s17  }
0x26: {  	s5 =	simm.s32 $0x1B00;
	s8 =	sshrl.u32 s6, $0x3;
	[smem:$0x7FC] =	sst s7  }
0x27: {  	s17 =	simm.s32 $0x4C00;
	s1 =	simm.s32 $0xD80;
	[smem:$0x7FD] =	sst s8  }
.LBB2_1:
0x28: {  	[smem:$0x7F9] =	sst s9  }
0x29: {  	s6 =	rddreg [dreg:$0x1f]  }
0x2a: {  	[spmem:s8], [sflag:s7] =	dma.local [hbm:s6], $0x30E0  }
0x2b: {  	_ =	swait.ge [sflag:s10], $0x30E0  }
0x2c: {  	[sflag:s10] =	ssyncset.done $0x0  }
0x2d: {  	[sflag:s10] =	ssyncadd.s32 $0xFFFFCF20  }
0x2e: {  	[bflag:$0x0] =	sbarrier.arrive $0xFFFF  }
0x2f: {  	s8 =	rddreg [dreg:$0x4]  }
0x30: {  	s6 =	sadd.s32 $0x0, s8  }
0x31: {  	[tilespmem:s3], [sflag:$0x5] =	stream.linear.gather [hbm4b:s6+s3], $0xE00, $0x38;
	[tilespmem:$0x1E300] =	vst v63  }
0x32: {  	_ =	swait.ge [sflag:s10], $0xE00  }
0x33: {  	s9 =	rddreg [dreg:$0x3];
	[sflag:s10] =	ssyncset.done $0x0  }
0x34: {  	[sflag:s10] =	ssyncadd.s32 $0xFFFFF200;
	s6 =	sadd.s32 $0x0, s9  }
0x35: {  	[tilespmem:s11], [sflag:$0x5] =	stream.linear.gather [hbm4b:s6+s3], $0xE00, $0x38;
	[tilespmem:$0x1E300] =	vst v63  }
0x36: {  	_ =	swait.ge [sflag:s10], $0xE00  }
0x37: {  	[sflag:s10] =	ssyncset.done $0x0  }
0x38: {  	[sflag:s10] =	ssyncadd.s32 $0xFFFFF200  }
0x39: {  	[tilespmem:s13], [sflag:$0x1] =	stream.indirect.gather [hbm4b:s4+s12], $0x20, s3, s12, $0xb8;
	[tilespmem:$0x1E300] =	vst v63  }
0x3a: {  	_ = 	snop  }
0x3b: {  	[tilespmem:s14], [sflag:$0x1] =	stream.indirect.gather [hbm4b:s4+s12], $0x20, s12, s12, $0xb8;
	[tilespmem:$0x1E300] =	vst v63  }
0x3c: {  	_ = 	snop  }
0x3d: {  	[tilespmem:s16], [sflag:$0x2] =	stream.indirect.gather [hbm4b:s4+s12], $0x20, s15, s12, $0xb8;
	[tilespmem:$0x1E300] =	vst v63  }
0x3e: {  	s7 =	rddreg [dreg:$0x5]  }
0x3f: {  	[tilespmem:s17], [sflag:$0x2] =	stream.indirect.gather [hbm4b:s4+s12], $0x20, s7, s12, $0xb8;
	[tilespmem:$0x1E300] =	vst v63  }
0x40: {  	_ =	swait.ge [sflag:s18], $0x1000  }
0x41: {  	[sflag:s18] =	ssyncset.done $0x0  }
0x42: {  	[sflag:s18] =	ssyncadd.s32 $0xFFFFF000  }
0x43: {  	_ =	swait.ge [sflag:s18], $0x1000  }
0x44: {  	[sflag:s18] =	ssyncset.done $0x0  }
0x45: {  	[sflag:s18] =	ssyncadd.s32 $0xFFFFF000  }
0x46: {  	[spmem:s2] =	stream.indirect.scatter.add.f32 [tilespmem:s13], [sflag:$0x3], $0x20, s11, s15, $0xb8;
	[tilespmem:$0x1E300] =	vst v63  }
0x47: {  	_ =	swait.ge [sflag:s19], $0x1000  }
0x48: {  	[sflag:s19] =	ssyncset.done $0x0  }
0x49: {  	[sflag:s19] =	ssyncadd.s32 $0xFFFFF000  }
0x4a: {  	_ =	swait.ge [sflag:s19], $0x1000  }
0x4b: {  	[sflag:s19] =	ssyncset.done $0x0  }
0x4c: {  	s8 =	rddreg [dreg:$0x6];
	[sflag:s19] =	ssyncadd.s32 $0xFFFFF000  }
0x4d: {  	[spmem:s2] =	stream.indirect.scatter.add.f32 [tilespmem:s16], [sflag:$0x4], $0x20, s8, s15, $0xb8;
	[tilespmem:$0x1E300] =	vst v63  }
0x4e: {  	_ =	swait.ge [sflag:s20], $0x2000  }
0x4f: {  	[sflag:s20] =	ssyncset.done $0x0  }
0x50: {  	s9 =	rddreg [dreg:$0x7];
	[sflag:s20] =	ssyncadd.s32 $0xFFFFE000  }
0x51: {  	[tilespmem:s13], [sflag:$0x1] =	stream.indirect.gather [hbm4b:s4+s12], $0x20, s9, s12, $0xb8;
	[tilespmem:$0x1E300] =	vst v63  }
0x52: {  	s7 =	rddreg [dreg:$0x8]  }
0x53: {  	[tilespmem:s14], [sflag:$0x1] =	stream.indirect.gather [hbm4b:s4+s12], $0x20, s7, s12, $0xb8;
	[tilespmem:$0x1E300] =	vst v63  }
0x54: {  	_ =	swait.ge [sflag:s21], $0x2000  }
0x55: {  	[sflag:s21] =	ssyncset.done $0x0  }
0x56: {  	s8 =	rddreg [dreg:$0x9];
	[sflag:s21] =	ssyncadd.s32 $0xFFFFE000  }
0x57: {  	[tilespmem:s16], [sflag:$0x2] =	stream.indirect.gather [hbm4b:s4+s12], $0x20, s8, s12, $0xb8;
	[tilespmem:$0x1E300] =	vst v63  }
0x58: {  	s9 =	rddreg [dreg:$0xa]  }
0x59: {  	[tilespmem:s17], [sflag:$0x2] =	stream.indirect.gather [hbm4b:s4+s12], $0x20, s9, s12, $0xb8;
	[tilespmem:$0x1E300] =	vst v63  }
0x5a: {  	_ =	swait.ge [sflag:s18], $0x1000  }
0x5b: {  	[sflag:s18] =	ssyncset.done $0x0  }
0x5c: {  	[sflag:s18] =	ssyncadd.s32 $0xFFFFF000  }
0x5d: {  	_ =	swait.ge [sflag:s18], $0x1000  }
0x5e: {  	[sflag:s18] =	ssyncset.done $0x0  }
0x5f: {  	s7 =	rddreg [dreg:$0xb];
	[sflag:s18] =	ssyncadd.s32 $0xFFFFF000  }
0x60: {  	[spmem:s2] =	stream.indirect.scatter.add.f32 [tilespmem:s13], [sflag:$0x3], $0x20, s7, s15, $0xb8;
	[tilespmem:$0x1E300] =	vst v63  }
0x61: {  	_ =	swait.ge [sflag:s19], $0x1000  }
0x62: {  	[sflag:s19] =	ssyncset.done $0x0  }
0x63: {  	[sflag:s19] =	ssyncadd.s32 $0xFFFFF000  }
0x64: {  	_ =	swait.ge [sflag:s19], $0x1000  }
0x65: {  	[sflag:s19] =	ssyncset.done $0x0  }
0x66: {  	s8 =	rddreg [dreg:$0xc];
	[sflag:s19] =	ssyncadd.s32 $0xFFFFF000  }
0x67: {  	[spmem:s2] =	stream.indirect.scatter.add.f32 [tilespmem:s16], [sflag:$0x4], $0x20, s8, s15, $0xb8;
	[tilespmem:$0x1E300] =	vst v63  }
0x68: {  	_ =	swait.ge [sflag:s20], $0x2000  }
0x69: {  	[sflag:s20] =	ssyncset.done $0x0  }
0x6a: {  	s9 =	rddreg [dreg:$0xd];
	[sflag:s20] =	ssyncadd.s32 $0xFFFFE000  }
0x6b: {  	[tilespmem:s13], [sflag:$0x1] =	stream.indirect.gather [hbm4b:s4+s12], $0x20, s9, s12, $0xb8;
	[tilespmem:$0x1E300] =	vst v63  }
0x6c: {  	s7 =	rddreg [dreg:$0xe]  }
0x6d: {  	[tilespmem:s14], [sflag:$0x1] =	stream.indirect.gather [hbm4b:s4+s12], $0x20, s7, s12, $0xb8;
	[tilespmem:$0x1E300] =	vst v63  }
0x6e: {  	_ =	swait.ge [sflag:s21], $0x2000  }
0x6f: {  	[sflag:s21] =	ssyncset.done $0x0  }
0x70: {  	s8 =	rddreg [dreg:$0xf];
	[sflag:s21] =	ssyncadd.s32 $0xFFFFE000  }
0x71: {  	[tilespmem:s16], [sflag:$0x2] =	stream.indirect.gather [hbm4b:s4+s12], $0x20, s8, s12, $0xb8;
	[tilespmem:$0x1E300] =	vst v63  }
0x72: {  	s9 =	rddreg [dreg:$0x10]  }
0x73: {  	[tilespmem:s17], [sflag:$0x2] =	stream.indirect.gather [hbm4b:s4+s12], $0x20, s9, s12, $0xb8;
	[tilespmem:$0x1E300] =	vst v63  }
0x74: {  	_ =	swait.ge [sflag:s18], $0x1000  }
0x75: {  	[sflag:s18] =	ssyncset.done $0x0  }
0x76: {  	[sflag:s18] =	ssyncadd.s32 $0xFFFFF000  }
0x77: {  	_ =	swait.ge [sflag:s18], $0x1000  }
0x78: {  	[sflag:s18] =	ssyncset.done $0x0  }
0x79: {  	s7 =	rddreg [dreg:$0x11];
	[sflag:s18] =	ssyncadd.s32 $0xFFFFF000  }
0x7a: {  	[spmem:s2] =	stream.indirect.scatter.add.f32 [tilespmem:s13], [sflag:$0x3], $0x20, s7, s15, $0xb8;
	[tilespmem:$0x1E300] =	vst v63  }
0x7b: {  	_ =	swait.ge [sflag:s19], $0x1000  }
0x7c: {  	[sflag:s19] =	ssyncset.done $0x0  }
0x7d: {  	[sflag:s19] =	ssyncadd.s32 $0xFFFFF000  }
0x7e: {  	_ =	swait.ge [sflag:s19], $0x1000  }
0x7f: {  	[sflag:s19] =	ssyncset.done $0x0  }
0x80: {  	s8 =	rddreg [dreg:$0x12];
	[sflag:s19] =	ssyncadd.s32 $0xFFFFF000  }
0x81: {  	[spmem:s2] =	stream.indirect.scatter.add.f32 [tilespmem:s16], [sflag:$0x4], $0x20, s8, s15, $0xb8;
	[tilespmem:$0x1E300] =	vst v63  }
0x82: {  	_ =	swait.ge [sflag:s20], $0x2000  }
0x83: {  	[sflag:s20] =	ssyncset.done $0x0  }
0x84: {  	s9 =	rddreg [dreg:$0x13];
	[sflag:s20] =	ssyncadd.s32 $0xFFFFE000  }
0x85: {  	[tilespmem:s13], [sflag:$0x1] =	stream.indirect.gather [hbm4b:s4+s12], $0x20, s9, s12, $0xb8;
	[tilespmem:$0x1E300] =	vst v63  }
0x86: {  	s7 =	rddreg [dreg:$0x14]  }
0x87: {  	[tilespmem:s14], [sflag:$0x1] =	stream.indirect.gather [hbm4b:s4+s12], $0x20, s7, s12, $0xb8;
	[tilespmem:$0x1E300] =	vst v63  }
0x88: {  	_ =	swait.ge [sflag:s21], $0x2000  }
0x89: {  	[sflag:s21] =	ssyncset.done $0x0  }
0x8a: {  	s8 =	rddreg [dreg:$0x15];
	[sflag:s21] =	ssyncadd.s32 $0xFFFFE000  }
0x8b: {  	[tilespmem:s16], [sflag:$0x2] =	stream.indirect.gather [hbm4b:s4+s12], $0x20, s8, s12, $0xb8;
	[tilespmem:$0x1E300] =	vst v63  }
0x8c: {  	s9 =	rddreg [dreg:$0x16]  }
0x8d: {  	[tilespmem:s17], [sflag:$0x2] =	stream.indirect.gather [hbm4b:s4+s12], $0x20, s9, s12, $0xb8;
	[tilespmem:$0x1E300] =	vst v63  }
0x8e: {  	_ =	swait.ge [sflag:s18], $0x1000  }
0x8f: {  	[sflag:s18] =	ssyncset.done $0x0  }
0x90: {  	[sflag:s18] =	ssyncadd.s32 $0xFFFFF000  }
0x91: {  	_ =	swait.ge [sflag:s18], $0x1000  }
0x92: {  	[sflag:s18] =	ssyncset.done $0x0  }
0x93: {  	s7 =	rddreg [dreg:$0x17];
	[sflag:s18] =	ssyncadd.s32 $0xFFFFF000  }
0x94: {  	[spmem:s2] =	stream.indirect.scatter.add.f32 [tilespmem:s13], [sflag:$0x3], $0x20, s7, s15, $0xb8;
	[tilespmem:$0x1E300] =	vst v63  }
0x95: {  	_ =	swait.ge [sflag:s19], $0x1000  }
0x96: {  	[sflag:s19] =	ssyncset.done $0x0  }
0x97: {  	[sflag:s19] =	ssyncadd.s32 $0xFFFFF000  }
0x98: {  	_ =	swait.ge [sflag:s19], $0x1000  }
0x99: {  	[sflag:s19] =	ssyncset.done $0x0  }
0x9a: {  	s8 =	rddreg [dreg:$0x18];
	[sflag:s19] =	ssyncadd.s32 $0xFFFFF000  }
0x9b: {  	[spmem:s2] =	stream.indirect.scatter.add.f32 [tilespmem:s16], [sflag:$0x4], $0x20, s8, s15, $0xb8;
	[tilespmem:$0x1E300] =	vst v63  }
0x9c: {  	_ =	swait.ge [sflag:s20], $0x2000  }
0x9d: {  	[sflag:s20] =	ssyncset.done $0x0  }
0x9e: {  	s9 =	rddreg [dreg:$0x19];
	[sflag:s20] =	ssyncadd.s32 $0xFFFFE000  }
0x9f: {  	[tilespmem:s13], [sflag:$0x1] =	stream.indirect.gather [hbm4b:s4+s12], $0x20, s9, s12, $0xb8;
	[tilespmem:$0x1E300] =	vst v63  }
0xa0: {  	s7 =	rddreg [dreg:$0x1a]  }
0xa1: {  	[tilespmem:s14], [sflag:$0x1] =	stream.indirect.gather [hbm4b:s4+s12], $0x20, s7, s12, $0xb8;
	[tilespmem:$0x1E300] =	vst v63  }
0xa2: {  	_ =	swait.ge [sflag:s21], $0x2000  }
0xa3: {  	[sflag:s21] =	ssyncset.done $0x0  }
0xa4: {  	s9 =	rddreg [dreg:$0x1b];
	[sflag:s21] =	ssyncadd.s32 $0xFFFFE000  }
0xa5: {  	[tilespmem:s16], [sflag:$0x2] =	stream.indirect.gather [hbm4b:s4+s12], $0x20, s9, s12, $0xb8;
	[tilespmem:$0x1E300] =	vst v63  }
0xa6: {  	s7 =	rddreg [dreg:$0x1c]  }
0xa7: {  	[tilespmem:s17], [sflag:$0x2] =	stream.indirect.gather [hbm4b:s4+s12], $0x20, s7, s12, $0xb8;
	[tilespmem:$0x1E300] =	vst v63  }
0xa8: {  	_ =	swait.ge [sflag:s18], $0x1000  }
0xa9: {  	[sflag:s18] =	ssyncset.done $0x0  }
0xaa: {  	[sflag:s18] =	ssyncadd.s32 $0xFFFFF000  }
0xab: {  	_ =	swait.ge [sflag:s18], $0x1000  }
0xac: {  	[sflag:s18] =	ssyncset.done $0x0  }
0xad: {  	s8 =	rddreg [dreg:$0x1d];
	[sflag:s18] =	ssyncadd.s32 $0xFFFFF000  }
0xae: {  	[spmem:s2] =	stream.indirect.scatter.add.f32 [tilespmem:s13], [sflag:$0x3], $0x20, s8, s15, $0xb8;
	[tilespmem:$0x1E300] =	vst v63  }
0xaf: {  	_ =	swait.ge [sflag:s19], $0x1000  }
0xb0: {  	[sflag:s19] =	ssyncset.done $0x0  }
0xb1: {  	[sflag:s19] =	ssyncadd.s32 $0xFFFFF000  }
0xb2: {  	_ =	swait.ge [sflag:s19], $0x1000  }
0xb3: {  	[sflag:s19] =	ssyncset.done $0x0  }
0xb4: {  	s9 =	rddreg [dreg:$0x1e];
	[sflag:s19] =	ssyncadd.s32 $0xFFFFF000  }
0xb5: {  	[spmem:s2] =	stream.indirect.scatter.add.f32 [tilespmem:s16], [sflag:$0x4], $0x20, s9, s15, $0xb8;
	[tilespmem:$0x1E300] =	vst v63  }
0xb6: {  	_ =	swait.ge [sflag:s20], $0x2000  }
0xb7: {  	[sflag:s20] =	ssyncset.done $0x0  }
0xb8: {  	[sflag:s20] =	ssyncadd.s32 $0xFFFFE000  }
0xb9: {  	[tilespmem:s13], [sflag:$0x1] =	stream.indirect.gather [hbm4b:s4+s12], $0x20, s22, s12, $0xb8;
	[tilespmem:$0x1E300] =	vst v63  }
0xba: {  	_ = 	snop  }
0xbb: {  	[tilespmem:s14], [sflag:$0x1] =	stream.indirect.gather [hbm4b:s4+s12], $0x20, s23, s12, $0xb8;
	[tilespmem:$0x1E300] =	vst v63  }
0xbc: {  	_ =	swait.ge [sflag:s21], $0x2000  }
0xbd: {  	[sflag:s21] =	ssyncset.done $0x0  }
0xbe: {  	[sflag:s21] =	ssyncadd.s32 $0xFFFFE000  }
0xbf: {  	[tilespmem:s16], [sflag:$0x2] =	stream.indirect.gather [hbm4b:s4+s12], $0x20, s24, s12, $0xb8;
	[tilespmem:$0x1E300] =	vst v63  }
0xc0: {  	_ = 	snop  }
0xc1: {  	[tilespmem:s17], [sflag:$0x2] =	stream.indirect.gather [hbm4b:s4+s12], $0x20, s25, s12, $0xb8;
	[tilespmem:$0x1E300] =	vst v63  }
0xc2: {  	_ =	swait.ge [sflag:s18], $0x1000  }
0xc3: {  	[sflag:s18] =	ssyncset.done $0x0  }
0xc4: {  	[sflag:s18] =	ssyncadd.s32 $0xFFFFF000  }
0xc5: {  	_ =	swait.ge [sflag:s18], $0x1000  }
0xc6: {  	[sflag:s18] =	ssyncset.done $0x0  }
0xc7: {  	[sflag:s18] =	ssyncadd.s32 $0xFFFFF000  }
0xc8: {  	[spmem:s2] =	stream.indirect.scatter.add.f32 [tilespmem:s13], [sflag:$0x3], $0x20, s26, s15, $0xb8;
	[tilespmem:$0x1E300] =	vst v63  }
0xc9: {  	_ =	swait.ge [sflag:s19], $0x1000  }
0xca: {  	[sflag:s19] =	ssyncset.done $0x0  }
0xcb: {  	[sflag:s19] =	ssyncadd.s32 $0xFFFFF000  }
0xcc: {  	_ =	swait.ge [sflag:s19], $0x1000  }
0xcd: {  	[sflag:s19] =	ssyncset.done $0x0  }
0xce: {  	[sflag:s19] =	ssyncadd.s32 $0xFFFFF000  }
0xcf: {  	[spmem:s2] =	stream.indirect.scatter.add.f32 [tilespmem:s16], [sflag:$0x4], $0x20, s28, s15, $0xb8;
	[tilespmem:$0x1E300] =	vst v63  }
0xd0: {  	_ =	swait.ge [sflag:s20], $0x2000  }
0xd1: {  	[sflag:s20] =	ssyncset.done $0x0  }
0xd2: {  	[sflag:s20] =	ssyncadd.s32 $0xFFFFE000  }
0xd3: {  	[tilespmem:s13], [sflag:$0x1] =	stream.indirect.gather [hbm4b:s4+s12], $0x20, s29, s12, $0xb8;
	[tilespmem:$0x1E300] =	vst v63  }
0xd4: {  	_ = 	snop  }
0xd5: {  	[tilespmem:s14], [sflag:$0x1] =	stream.indirect.gather [hbm4b:s4+s12], $0x20, s30, s12, $0xb8;
	[tilespmem:$0x1E300] =	vst v63  }
0xd6: {  	_ =	swait.ge [sflag:s21], $0x2000  }
0xd7: {  	[sflag:s21] =	ssyncset.done $0x0  }
0xd8: {  	[sflag:s21] =	ssyncadd.s32 $0xFFFFE000  }
0xd9: {  	[tilespmem:s16], [sflag:$0x2] =	stream.indirect.gather [hbm4b:s4+s12], $0x20, s31, s12, $0xb8;
	[tilespmem:$0x1E300] =	vst v63  }
0xda: {  	_ = 	snop  }
0xdb: {  	[tilespmem:s17], [sflag:$0x2] =	stream.indirect.gather [hbm4b:s4+s12], $0x20, s1, s12, $0xb8;
	[tilespmem:$0x1E300] =	vst v63  }
0xdc: {  	_ =	swait.ge [sflag:s18], $0x1000  }
0xdd: {  	[sflag:s18] =	ssyncset.done $0x0  }
0xde: {  	[sflag:s18] =	ssyncadd.s32 $0xFFFFF000  }
0xdf: {  	_ =	swait.ge [sflag:s18], $0x1000  }
0xe0: {  	[sflag:s18] =	ssyncset.done $0x0  }
0xe1: {  	[sflag:s18] =	ssyncadd.s32 $0xFFFFF000  }
0xe2: {  	[spmem:s2] =	stream.indirect.scatter.add.f32 [tilespmem:s13], [sflag:$0x3], $0x20, s0, s15, $0xb8;
	[tilespmem:$0x1E300] =	vst v63  }
0xe3: {  	_ =	swait.ge [sflag:s19], $0x1000  }
0xe4: {  	[sflag:s19] =	ssyncset.done $0x0  }
0xe5: {  	[sflag:s19] =	ssyncadd.s32 $0xFFFFF000  }
0xe6: {  	_ =	swait.ge [sflag:s19], $0x1000  }
0xe7: {  	[sflag:s19] =	ssyncset.done $0x0  }
0xe8: {  	[sflag:s19] =	ssyncadd.s32 $0xFFFFF000  }
0xe9: {  	[spmem:s2] =	stream.indirect.scatter.add.f32 [tilespmem:s16], [sflag:$0x4], $0x20, s5, s15, $0xb8;
	[tilespmem:$0x1E300] =	vst v63  }
0xea: {  	_ =	swait.ge [sflag:s20], $0x2000  }
0xeb: {  	[sflag:s20] =	ssyncset.done $0x0  }
0xec: {  	[sflag:s20] =	ssyncadd.s32 $0xFFFFE000  }
0xed: {  	s6 =	simm.s32 $0x380;
	_ =	swait.ge [sflag:s21], $0x2000  }
0xee: {  	s8 =	simm.s32 $0x1C0;
	s9 =	rddreg [dreg:$0x4];
	[sflag:s21] =	ssyncset.done $0x0  }
.LBB2_2:
0xef: {  	[sflag:s21] =	ssyncadd.s32 $0xFFFFE000;
	s9 =	sadd.s32 s8, s9  }
0xf0: {  	[tilespmem:s3], [sflag:$0x5] =	stream.linear.gather [hbm4b:s9+s3], $0xE00, $0x38;
	[tilespmem:$0x1E300] =	vst v63  }
0xf1: {  	_ =	swait.ge [sflag:s10], $0xE00  }
0xf2: {  	s9 =	rddreg [dreg:$0x3];
	[sflag:s10] =	ssyncset.done $0x0  }
0xf3: {  	[sflag:s10] =	ssyncadd.s32 $0xFFFFF200;
	s9 =	sadd.s32 s8, s9  }
0xf4: {  	[tilespmem:s11], [sflag:$0x5] =	stream.linear.gather [hbm4b:s9+s3], $0xE00, $0x38;
	[tilespmem:$0x1E300] =	vst v63  }
0xf5: {  	_ =	swait.ge [sflag:s10], $0xE00  }
0xf6: {  	[sflag:s10] =	ssyncset.done $0x0  }
0xf7: {  	[sflag:s10] =	ssyncadd.s32 $0xFFFFF200  }
0xf8: {  	[tilespmem:s13], [sflag:$0x1] =	stream.indirect.gather [hbm4b:s4+s12], $0x20, s3, s12, $0xb8;
	[tilespmem:$0x1E300] =	vst v63  }
0xf9: {  	_ = 	snop  }
0xfa: {  	[tilespmem:s14], [sflag:$0x1] =	stream.indirect.gather [hbm4b:s4+s12], $0x20, s12, s12, $0xb8;
	[tilespmem:$0x1E300] =	vst v63  }
0xfb: {  	_ = 	snop  }
0xfc: {  	[tilespmem:s16], [sflag:$0x2] =	stream.indirect.gather [hbm4b:s4+s12], $0x20, s15, s12, $0xb8;
	[tilespmem:$0x1E300] =	vst v63  }
0xfd: {  	s9 =	rddreg [dreg:$0x5]  }
0xfe: {  	[tilespmem:s17], [sflag:$0x2] =	stream.indirect.gather [hbm4b:s4+s12], $0x20, s9, s12, $0xb8;
	[tilespmem:$0x1E300] =	vst v63  }
0xff: {  	_ =	swait.ge [sflag:s18], $0x1000  }
0x100: {  	[sflag:s18] =	ssyncset.done $0x0  }
0x101: {  	[sflag:s18] =	ssyncadd.s32 $0xFFFFF000  }
0x102: {  	_ =	swait.ge [sflag:s18], $0x1000  }
0x103: {  	[sflag:s18] =	ssyncset.done $0x0  }
0x104: {  	[sflag:s18] =	ssyncadd.s32 $0xFFFFF000  }
0x105: {  	[spmem:s2] =	stream.indirect.scatter.add.f32 [tilespmem:s13], [sflag:$0x3], $0x20, s11, s15, $0xb8;
	[tilespmem:$0x1E300] =	vst v63  }
0x106: {  	_ =	swait.ge [sflag:s19], $0x1000  }
0x107: {  	[sflag:s19] =	ssyncset.done $0x0  }
0x108: {  	[sflag:s19] =	ssyncadd.s32 $0xFFFFF000  }
0x109: {  	_ =	swait.ge [sflag:s19], $0x1000  }
0x10a: {  	[sflag:s19] =	ssyncset.done $0x0  }
0x10b: {  	s9 =	rddreg [dreg:$0x6];
	[sflag:s19] =	ssyncadd.s32 $0xFFFFF000  }
0x10c: {  	[spmem:s2] =	stream.indirect.scatter.add.f32 [tilespmem:s16], [sflag:$0x4], $0x20, s9, s15, $0xb8;
	[tilespmem:$0x1E300] =	vst v63  }
0x10d: {  	_ =	swait.ge [sflag:s20], $0x2000  }
0x10e: {  	s7 =	smov.u32 s6;
	[sflag:s20] =	ssyncset.done $0x0  }
0x10f: {  	s8 =	smov.u32 s7;
	s7 =	rddreg [dreg:$0x7];
	[sflag:s20] =	ssyncadd.s32 $0xFFFFE000  }
0x110: {  	[tilespmem:s13], [sflag:$0x1] =	stream.indirect.gather [hbm4b:s4+s12], $0x20, s7, s12, $0xb8;
	[tilespmem:$0x1E300] =	vst v63  }
0x111: {  	s9 =	rddreg [dreg:$0x8]  }
0x112: {  	[tilespmem:s14], [sflag:$0x1] =	stream.indirect.gather [hbm4b:s4+s12], $0x20, s9, s12, $0xb8;
	[tilespmem:$0x1E300] =	vst v63  }
0x113: {  	_ =	swait.ge [sflag:s21], $0x2000  }
0x114: {  	[sflag:s21] =	ssyncset.done $0x0  }
0x115: {  	s7 =	rddreg [dreg:$0x9];
	[sflag:s21] =	ssyncadd.s32 $0xFFFFE000  }
0x116: {  	[tilespmem:s16], [sflag:$0x2] =	stream.indirect.gather [hbm4b:s4+s12], $0x20, s7, s12, $0xb8;
	[tilespmem:$0x1E300] =	vst v63  }
0x117: {  	s9 =	rddreg [dreg:$0xa]  }
0x118: {  	[tilespmem:s17], [sflag:$0x2] =	stream.indirect.gather [hbm4b:s4+s12], $0x20, s9, s12, $0xb8;
	[tilespmem:$0x1E300] =	vst v63  }
0x119: {  	_ =	swait.ge [sflag:s18], $0x1000  }
0x11a: {  	[sflag:s18] =	ssyncset.done $0x0  }
0x11b: {  	[sflag:s18] =	ssyncadd.s32 $0xFFFFF000  }
0x11c: {  	_ =	swait.ge [sflag:s18], $0x1000  }
0x11d: {  	[sflag:s18] =	ssyncset.done $0x0  }
0x11e: {  	s9 =	rddreg [dreg:$0xb];
	[sflag:s18] =	ssyncadd.s32 $0xFFFFF000  }
0x11f: {  	[spmem:s2] =	stream.indirect.scatter.add.f32 [tilespmem:s13], [sflag:$0x3], $0x20, s9, s15, $0xb8;
	[tilespmem:$0x1E300] =	vst v63  }
0x120: {  	_ =	swait.ge [sflag:s19], $0x1000  }
0x121: {  	[sflag:s19] =	ssyncset.done $0x0  }
0x122: {  	[sflag:s19] =	ssyncadd.s32 $0xFFFFF000  }
0x123: {  	_ =	swait.ge [sflag:s19], $0x1000  }
0x124: {  	[sflag:s19] =	ssyncset.done $0x0  }
0x125: {  	s9 =	rddreg [dreg:$0xc];
	[sflag:s19] =	ssyncadd.s32 $0xFFFFF000  }
0x126: {  	[spmem:s2] =	stream.indirect.scatter.add.f32 [tilespmem:s16], [sflag:$0x4], $0x20, s9, s15, $0xb8;
	[tilespmem:$0x1E300] =	vst v63  }
0x127: {  	_ =	swait.ge [sflag:s20], $0x2000  }
0x128: {  	[sflag:s20] =	ssyncset.done $0x0  }
0x129: {  	s7 =	rddreg [dreg:$0xd];
	[sflag:s20] =	ssyncadd.s32 $0xFFFFE000  }
0x12a: {  	[tilespmem:s13], [sflag:$0x1] =	stream.indirect.gather [hbm4b:s4+s12], $0x20, s7, s12, $0xb8;
	[tilespmem:$0x1E300] =	vst v63  }
0x12b: {  	s9 =	rddreg [dreg:$0xe]  }
0x12c: {  	[tilespmem:s14], [sflag:$0x1] =	stream.indirect.gather [hbm4b:s4+s12], $0x20, s9, s12, $0xb8;
	[tilespmem:$0x1E300] =	vst v63  }
0x12d: {  	_ =	swait.ge [sflag:s21], $0x2000  }
0x12e: {  	[sflag:s21] =	ssyncset.done $0x0  }
0x12f: {  	s7 =	rddreg [dreg:$0xf];
	[sflag:s21] =	ssyncadd.s32 $0xFFFFE000  }
0x130: {  	[tilespmem:s16], [sflag:$0x2] =	stream.indirect.gather [hbm4b:s4+s12], $0x20, s7, s12, $0xb8;
	[tilespmem:$0x1E300] =	vst v63  }
0x131: {  	s9 =	rddreg [dreg:$0x10]  }
0x132: {  	[tilespmem:s17], [sflag:$0x2] =	stream.indirect.gather [hbm4b:s4+s12], $0x20, s9, s12, $0xb8;
	[tilespmem:$0x1E300] =	vst v63  }
0x133: {  	_ =	swait.ge [sflag:s18], $0x1000  }
0x134: {  	[sflag:s18] =	ssyncset.done $0x0  }
0x135: {  	[sflag:s18] =	ssyncadd.s32 $0xFFFFF000  }
0x136: {  	_ =	swait.ge [sflag:s18], $0x1000  }
0x137: {  	[sflag:s18] =	ssyncset.done $0x0  }
0x138: {  	s9 =	rddreg [dreg:$0x11];
	[sflag:s18] =	ssyncadd.s32 $0xFFFFF000  }
0x139: {  	[spmem:s2] =	stream.indirect.scatter.add.f32 [tilespmem:s13], [sflag:$0x3], $0x20, s9, s15, $0xb8;
	[tilespmem:$0x1E300] =	vst v63  }
0x13a: {  	_ =	swait.ge [sflag:s19], $0x1000  }
0x13b: {  	[sflag:s19] =	ssyncset.done $0x0  }
0x13c: {  	[sflag:s19] =	ssyncadd.s32 $0xFFFFF000  }
0x13d: {  	_ =	swait.ge [sflag:s19], $0x1000  }
0x13e: {  	[sflag:s19] =	ssyncset.done $0x0  }
0x13f: {  	s9 =	rddreg [dreg:$0x12];
	[sflag:s19] =	ssyncadd.s32 $0xFFFFF000  }
0x140: {  	[spmem:s2] =	stream.indirect.scatter.add.f32 [tilespmem:s16], [sflag:$0x4], $0x20, s9, s15, $0xb8;
	[tilespmem:$0x1E300] =	vst v63  }
0x141: {  	_ =	swait.ge [sflag:s20], $0x2000  }
0x142: {  	[sflag:s20] =	ssyncset.done $0x0  }
0x143: {  	s7 =	rddreg [dreg:$0x13];
	[sflag:s20] =	ssyncadd.s32 $0xFFFFE000  }
0x144: {  	[tilespmem:s13], [sflag:$0x1] =	stream.indirect.gather [hbm4b:s4+s12], $0x20, s7, s12, $0xb8;
	[tilespmem:$0x1E300] =	vst v63  }
0x145: {  	s9 =	rddreg [dreg:$0x14]  }
0x146: {  	[tilespmem:s14], [sflag:$0x1] =	stream.indirect.gather [hbm4b:s4+s12], $0x20, s9, s12, $0xb8;
	[tilespmem:$0x1E300] =	vst v63  }
0x147: {  	_ =	swait.ge [sflag:s21], $0x2000  }
0x148: {  	[sflag:s21] =	ssyncset.done $0x0  }
0x149: {  	s7 =	rddreg [dreg:$0x15];
	[sflag:s21] =	ssyncadd.s32 $0xFFFFE000  }
0x14a: {  	[tilespmem:s16], [sflag:$0x2] =	stream.indirect.gather [hbm4b:s4+s12], $0x20, s7, s12, $0xb8;
	[tilespmem:$0x1E300] =	vst v63  }
0x14b: {  	s9 =	rddreg [dreg:$0x16]  }
0x14c: {  	[tilespmem:s17], [sflag:$0x2] =	stream.indirect.gather [hbm4b:s4+s12], $0x20, s9, s12, $0xb8;
	[tilespmem:$0x1E300] =	vst v63  }
0x14d: {  	_ =	swait.ge [sflag:s18], $0x1000  }
0x14e: {  	[sflag:s18] =	ssyncset.done $0x0  }
0x14f: {  	[sflag:s18] =	ssyncadd.s32 $0xFFFFF000  }
0x150: {  	_ =	swait.ge [sflag:s18], $0x1000  }
0x151: {  	[sflag:s18] =	ssyncset.done $0x0  }
0x152: {  	s9 =	rddreg [dreg:$0x17];
	[sflag:s18] =	ssyncadd.s32 $0xFFFFF000  }
0x153: {  	[spmem:s2] =	stream.indirect.scatter.add.f32 [tilespmem:s13], [sflag:$0x3], $0x20, s9, s15, $0xb8;
	[tilespmem:$0x1E300] =	vst v63  }
0x154: {  	_ =	swait.ge [sflag:s19], $0x1000  }
0x155: {  	[sflag:s19] =	ssyncset.done $0x0  }
0x156: {  	[sflag:s19] =	ssyncadd.s32 $0xFFFFF000  }
0x157: {  	_ =	swait.ge [sflag:s19], $0x1000  }
0x158: {  	[sflag:s19] =	ssyncset.done $0x0  }
0x159: {  	s9 =	rddreg [dreg:$0x18];
	[sflag:s19] =	ssyncadd.s32 $0xFFFFF000  }
0x15a: {  	[spmem:s2] =	stream.indirect.scatter.add.f32 [tilespmem:s16], [sflag:$0x4], $0x20, s9, s15, $0xb8;
	[tilespmem:$0x1E300] =	vst v63  }
0x15b: {  	_ =	swait.ge [sflag:s20], $0x2000  }
0x15c: {  	[sflag:s20] =	ssyncset.done $0x0  }
0x15d: {  	s7 =	rddreg [dreg:$0x19];
	[sflag:s20] =	ssyncadd.s32 $0xFFFFE000  }
0x15e: {  	[tilespmem:s13], [sflag:$0x1] =	stream.indirect.gather [hbm4b:s4+s12], $0x20, s7, s12, $0xb8;
	[tilespmem:$0x1E300] =	vst v63  }
0x15f: {  	s9 =	rddreg [dreg:$0x1a]  }
0x160: {  	[tilespmem:s14], [sflag:$0x1] =	stream.indirect.gather [hbm4b:s4+s12], $0x20, s9, s12, $0xb8;
	[tilespmem:$0x1E300] =	vst v63  }
0x161: {  	_ =	swait.ge [sflag:s21], $0x2000  }
0x162: {  	[sflag:s21] =	ssyncset.done $0x0  }
0x163: {  	s7 =	rddreg [dreg:$0x1b];
	[sflag:s21] =	ssyncadd.s32 $0xFFFFE000  }
0x164: {  	[tilespmem:s16], [sflag:$0x2] =	stream.indirect.gather [hbm4b:s4+s12], $0x20, s7, s12, $0xb8;
	[tilespmem:$0x1E300] =	vst v63  }
0x165: {  	s9 =	rddreg [dreg:$0x1c]  }
0x166: {  	[tilespmem:s17], [sflag:$0x2] =	stream.indirect.gather [hbm4b:s4+s12], $0x20, s9, s12, $0xb8;
	[tilespmem:$0x1E300] =	vst v63  }
0x167: {  	_ =	swait.ge [sflag:s18], $0x1000  }
0x168: {  	[sflag:s18] =	ssyncset.done $0x0  }
0x169: {  	[sflag:s18] =	ssyncadd.s32 $0xFFFFF000  }
0x16a: {  	_ =	swait.ge [sflag:s18], $0x1000  }
0x16b: {  	[sflag:s18] =	ssyncset.done $0x0  }
0x16c: {  	s9 =	rddreg [dreg:$0x1d];
	[sflag:s18] =	ssyncadd.s32 $0xFFFFF000  }
0x16d: {  	[spmem:s2] =	stream.indirect.scatter.add.f32 [tilespmem:s13], [sflag:$0x3], $0x20, s9, s15, $0xb8;
	[tilespmem:$0x1E300] =	vst v63  }
0x16e: {  	_ =	swait.ge [sflag:s19], $0x1000  }
0x16f: {  	[sflag:s19] =	ssyncset.done $0x0  }
0x170: {  	[sflag:s19] =	ssyncadd.s32 $0xFFFFF000  }
0x171: {  	_ =	swait.ge [sflag:s19], $0x1000  }
0x172: {  	[sflag:s19] =	ssyncset.done $0x0  }
0x173: {  	s9 =	rddreg [dreg:$0x1e];
	[sflag:s19] =	ssyncadd.s32 $0xFFFFF000  }
0x174: {  	[spmem:s2] =	stream.indirect.scatter.add.f32 [tilespmem:s16], [sflag:$0x4], $0x20, s9, s15, $0xb8;
	[tilespmem:$0x1E300] =	vst v63  }
0x175: {  	_ =	swait.ge [sflag:s20], $0x2000  }
0x176: {  	[sflag:s20] =	ssyncset.done $0x0  }
0x177: {  	[sflag:s20] =	ssyncadd.s32 $0xFFFFE000  }
0x178: {  	[tilespmem:s13], [sflag:$0x1] =	stream.indirect.gather [hbm4b:s4+s12], $0x20, s22, s12, $0xb8;
	[tilespmem:$0x1E300] =	vst v63  }
0x179: {  	_ = 	snop  }
0x17a: {  	[tilespmem:s14], [sflag:$0x1] =	stream.indirect.gather [hbm4b:s4+s12], $0x20, s23, s12, $0xb8;
	[tilespmem:$0x1E300] =	vst v63  }
0x17b: {  	_ =	swait.ge [sflag:s21], $0x2000  }
0x17c: {  	[sflag:s21] =	ssyncset.done $0x0  }
0x17d: {  	[sflag:s21] =	ssyncadd.s32 $0xFFFFE000  }
0x17e: {  	[tilespmem:s16], [sflag:$0x2] =	stream.indirect.gather [hbm4b:s4+s12], $0x20, s24, s12, $0xb8;
	[tilespmem:$0x1E300] =	vst v63  }
0x17f: {  	_ = 	snop  }
0x180: {  	[tilespmem:s17], [sflag:$0x2] =	stream.indirect.gather [hbm4b:s4+s12], $0x20, s25, s12, $0xb8;
	[tilespmem:$0x1E300] =	vst v63  }
0x181: {  	_ =	swait.ge [sflag:s18], $0x1000  }
0x182: {  	[sflag:s18] =	ssyncset.done $0x0  }
0x183: {  	[sflag:s18] =	ssyncadd.s32 $0xFFFFF000  }
0x184: {  	_ =	swait.ge [sflag:s18], $0x1000  }
0x185: {  	[sflag:s18] =	ssyncset.done $0x0  }
0x186: {  	[sflag:s18] =	ssyncadd.s32 $0xFFFFF000  }
0x187: {  	[spmem:s2] =	stream.indirect.scatter.add.f32 [tilespmem:s13], [sflag:$0x3], $0x20, s26, s15, $0xb8;
	[tilespmem:$0x1E300] =	vst v63  }
0x188: {  	_ =	swait.ge [sflag:s19], $0x1000  }
0x189: {  	[sflag:s19] =	ssyncset.done $0x0  }
0x18a: {  	[sflag:s19] =	ssyncadd.s32 $0xFFFFF000  }
0x18b: {  	_ =	swait.ge [sflag:s19], $0x1000  }
0x18c: {  	[sflag:s19] =	ssyncset.done $0x0  }
0x18d: {  	[sflag:s19] =	ssyncadd.s32 $0xFFFFF000  }
0x18e: {  	[spmem:s2] =	stream.indirect.scatter.add.f32 [tilespmem:s16], [sflag:$0x4], $0x20, s28, s15, $0xb8;
	[tilespmem:$0x1E300] =	vst v63  }
0x18f: {  	_ =	swait.ge [sflag:s20], $0x2000  }
0x190: {  	[sflag:s20] =	ssyncset.done $0x0  }
0x191: {  	[sflag:s20] =	ssyncadd.s32 $0xFFFFE000  }
0x192: {  	[tilespmem:s13], [sflag:$0x1] =	stream.indirect.gather [hbm4b:s4+s12], $0x20, s29, s12, $0xb8;
	[tilespmem:$0x1E300] =	vst v63  }
0x193: {  	_ = 	snop  }
0x194: {  	[tilespmem:s14], [sflag:$0x1] =	stream.indirect.gather [hbm4b:s4+s12], $0x20, s30, s12, $0xb8;
	[tilespmem:$0x1E300] =	vst v63  }
0x195: {  	_ =	swait.ge [sflag:s21], $0x2000  }
0x196: {  	[sflag:s21] =	ssyncset.done $0x0  }
0x197: {  	[sflag:s21] =	ssyncadd.s32 $0xFFFFE000  }
0x198: {  	[tilespmem:s16], [sflag:$0x2] =	stream.indirect.gather [hbm4b:s4+s12], $0x20, s31, s12, $0xb8;
	[tilespmem:$0x1E300] =	vst v63  }
0x199: {  	_ = 	snop  }
0x19a: {  	[tilespmem:s17], [sflag:$0x2] =	stream.indirect.gather [hbm4b:s4+s12], $0x20, s1, s12, $0xb8;
	[tilespmem:$0x1E300] =	vst v63  }
0x19b: {  	_ =	swait.ge [sflag:s18], $0x1000  }
0x19c: {  	[sflag:s18] =	ssyncset.done $0x0  }
0x19d: {  	[sflag:s18] =	ssyncadd.s32 $0xFFFFF000  }
0x19e: {  	_ =	swait.ge [sflag:s18], $0x1000  }
0x19f: {  	[sflag:s18] =	ssyncset.done $0x0  }
0x1a0: {  	[sflag:s18] =	ssyncadd.s32 $0xFFFFF000  }
0x1a1: {  	[spmem:s2] =	stream.indirect.scatter.add.f32 [tilespmem:s13], [sflag:$0x3], $0x20, s0, s15, $0xb8;
	[tilespmem:$0x1E300] =	vst v63  }
0x1a2: {  	_ =	swait.ge [sflag:s19], $0x1000  }
0x1a3: {  	[sflag:s19] =	ssyncset.done $0x0  }
0x1a4: {  	[sflag:s19] =	ssyncadd.s32 $0xFFFFF000  }
0x1a5: {  	_ =	swait.ge [sflag:s19], $0x1000  }
0x1a6: {  	[sflag:s19] =	ssyncset.done $0x0  }
0x1a7: {  	p0 =	sne.s32 s6, $0xA80;
	[sflag:s19] =	ssyncadd.s32 $0xFFFFF000  }
0x1a8: {  	[spmem:s2] =	stream.indirect.scatter.add.f32 [tilespmem:s16], [sflag:$0x4], $0x20, s5, s15, $0xb8;
	[tilespmem:$0x1E300] =	vst v63  }
.Ltmp0:
0x1a9: {  	_ =	swait.ge [sflag:s20], $0x2000;
	(pc) =	sbr.rel @p0 .LBB2_2-.Ltmp0, $4  }
0x1aa: {  	[sflag:s20] =	ssyncset.done $0x0  }
0x1ab: {  	[sflag:s20] =	ssyncadd.s32 $0xFFFFE000  }
0x1ac: {  	_ =	swait.ge [sflag:s21], $0x2000  }
0x1ad: {  	s6 =	sadd.s32 $0x1C0, s6;
	s9 =	rddreg [dreg:$0x4];
	[sflag:s21] =	ssyncset.done $0x0  }
0x1ae: {  	[sflag:s21] =	ssyncadd.s32 $0xFFFFE000;
	s6 =	sadd.s32 s8, s9  }
0x1af: {  	[tilespmem:s3], [sflag:$0x5] =	stream.linear.gather [hbm4b:s6+s3], $0xE00, $0x38;
	[tilespmem:$0x1E300] =	vst v63  }
0x1b0: {  	_ =	swait.ge [sflag:s10], $0xE00  }
0x1b1: {  	s9 =	rddreg [dreg:$0x3];
	[sflag:s10] =	ssyncset.done $0x0  }
0x1b2: {  	[sflag:s10] =	ssyncadd.s32 $0xFFFFF200;
	s6 =	sadd.s32 s8, s9  }
0x1b3: {  	[tilespmem:s11], [sflag:$0x5] =	stream.linear.gather [hbm4b:s6+s3], $0xE00, $0x38;
	[tilespmem:$0x1E300] =	vst v63  }
0x1b4: {  	_ =	swait.ge [sflag:s10], $0xE00  }
0x1b5: {  	[sflag:s10] =	ssyncset.done $0x0  }
0x1b6: {  	[sflag:s10] =	ssyncadd.s32 $0xFFFFF200  }
0x1b7: {  	[tilespmem:s13], [sflag:$0x1] =	stream.indirect.gather [hbm4b:s4+s12], $0x20, s3, s12, $0xb8;
	[tilespmem:$0x1E300] =	vst v63  }
0x1b8: {  	_ = 	snop  }
0x1b9: {  	[tilespmem:s14], [sflag:$0x1] =	stream.indirect.gather [hbm4b:s4+s12], $0x20, s12, s12, $0xb8;
	[tilespmem:$0x1E300] =	vst v63  }
0x1ba: {  	_ = 	snop  }
0x1bb: {  	[tilespmem:s16], [sflag:$0x2] =	stream.indirect.gather [hbm4b:s4+s12], $0x20, s15, s12, $0xb8;
	[tilespmem:$0x1E300] =	vst v63  }
0x1bc: {  	s7 =	rddreg [dreg:$0x5]  }
0x1bd: {  	[tilespmem:s17], [sflag:$0x2] =	stream.indirect.gather [hbm4b:s4+s12], $0x20, s7, s12, $0xb8;
	[tilespmem:$0x1E300] =	vst v63  }
0x1be: {  	_ =	swait.ge [sflag:s18], $0x1000  }
0x1bf: {  	[sflag:s18] =	ssyncset.done $0x0  }
0x1c0: {  	[sflag:s18] =	ssyncadd.s32 $0xFFFFF000  }
0x1c1: {  	_ =	swait.ge [sflag:s18], $0x1000  }
0x1c2: {  	[sflag:s18] =	ssyncset.done $0x0  }
0x1c3: {  	[sflag:s18] =	ssyncadd.s32 $0xFFFFF000  }
0x1c4: {  	[spmem:s2] =	stream.indirect.scatter.add.f32 [tilespmem:s13], [sflag:$0x3], $0x20, s11, s15, $0xb8;
	[tilespmem:$0x1E300] =	vst v63  }
0x1c5: {  	_ =	swait.ge [sflag:s19], $0x1000  }
0x1c6: {  	[sflag:s19] =	ssyncset.done $0x0  }
0x1c7: {  	[sflag:s19] =	ssyncadd.s32 $0xFFFFF000  }
0x1c8: {  	_ =	swait.ge [sflag:s19], $0x1000  }
0x1c9: {  	[sflag:s19] =	ssyncset.done $0x0  }
0x1ca: {  	s8 =	rddreg [dreg:$0x6];
	[sflag:s19] =	ssyncadd.s32 $0xFFFFF000  }
0x1cb: {  	[spmem:s2] =	stream.indirect.scatter.add.f32 [tilespmem:s16], [sflag:$0x4], $0x20, s8, s15, $0xb8;
	[tilespmem:$0x1E300] =	vst v63  }
0x1cc: {  	_ =	swait.ge [sflag:s20], $0x2000  }
0x1cd: {  	[sflag:s20] =	ssyncset.done $0x0  }
0x1ce: {  	s9 =	rddreg [dreg:$0x7];
	[sflag:s20] =	ssyncadd.s32 $0xFFFFE000  }
0x1cf: {  	[tilespmem:s13], [sflag:$0x1] =	stream.indirect.gather [hbm4b:s4+s12], $0x20, s9, s12, $0xb8;
	[tilespmem:$0x1E300] =	vst v63  }
0x1d0: {  	s7 =	rddreg [dreg:$0x8]  }
0x1d1: {  	[tilespmem:s14], [sflag:$0x1] =	stream.indirect.gather [hbm4b:s4+s12], $0x20, s7, s12, $0xb8;
	[tilespmem:$0x1E300] =	vst v63  }
0x1d2: {  	_ =	swait.ge [sflag:s21], $0x2000  }
0x1d3: {  	[sflag:s21] =	ssyncset.done $0x0  }
0x1d4: {  	s7 =	rddreg [dreg:$0x9];
	[sflag:s21] =	ssyncadd.s32 $0xFFFFE000  }
0x1d5: {  	[tilespmem:s16], [sflag:$0x2] =	stream.indirect.gather [hbm4b:s4+s12], $0x20, s7, s12, $0xb8;
	[tilespmem:$0x1E300] =	vst v63  }
0x1d6: {  	s8 =	rddreg [dreg:$0xa]  }
0x1d7: {  	[tilespmem:s17], [sflag:$0x2] =	stream.indirect.gather [hbm4b:s4+s12], $0x20, s8, s12, $0xb8;
	[tilespmem:$0x1E300] =	vst v63  }
0x1d8: {  	_ =	swait.ge [sflag:s18], $0x1000  }
0x1d9: {  	[sflag:s18] =	ssyncset.done $0x0  }
0x1da: {  	[sflag:s18] =	ssyncadd.s32 $0xFFFFF000  }
0x1db: {  	_ =	swait.ge [sflag:s18], $0x1000  }
0x1dc: {  	[sflag:s18] =	ssyncset.done $0x0  }
0x1dd: {  	s9 =	rddreg [dreg:$0xb];
	[sflag:s18] =	ssyncadd.s32 $0xFFFFF000  }
0x1de: {  	[spmem:s2] =	stream.indirect.scatter.add.f32 [tilespmem:s13], [sflag:$0x3], $0x20, s9, s15, $0xb8;
	[tilespmem:$0x1E300] =	vst v63  }
0x1df: {  	_ =	swait.ge [sflag:s19], $0x1000  }
0x1e0: {  	[sflag:s19] =	ssyncset.done $0x0  }
0x1e1: {  	[sflag:s19] =	ssyncadd.s32 $0xFFFFF000  }
0x1e2: {  	_ =	swait.ge [sflag:s19], $0x1000  }
0x1e3: {  	[sflag:s19] =	ssyncset.done $0x0  }
0x1e4: {  	s7 =	rddreg [dreg:$0xc];
	[sflag:s19] =	ssyncadd.s32 $0xFFFFF000  }
0x1e5: {  	[spmem:s2] =	stream.indirect.scatter.add.f32 [tilespmem:s16], [sflag:$0x4], $0x20, s7, s15, $0xb8;
	[tilespmem:$0x1E300] =	vst v63  }
0x1e6: {  	_ =	swait.ge [sflag:s20], $0x2000  }
0x1e7: {  	[sflag:s20] =	ssyncset.done $0x0  }
0x1e8: {  	s8 =	rddreg [dreg:$0xd];
	[sflag:s20] =	ssyncadd.s32 $0xFFFFE000  }
0x1e9: {  	[tilespmem:s13], [sflag:$0x1] =	stream.indirect.gather [hbm4b:s4+s12], $0x20, s8, s12, $0xb8;
	[tilespmem:$0x1E300] =	vst v63  }
0x1ea: {  	s9 =	rddreg [dreg:$0xe]  }
0x1eb: {  	[tilespmem:s14], [sflag:$0x1] =	stream.indirect.gather [hbm4b:s4+s12], $0x20, s9, s12, $0xb8;
	[tilespmem:$0x1E300] =	vst v63  }
0x1ec: {  	_ =	swait.ge [sflag:s21], $0x2000  }
0x1ed: {  	[sflag:s21] =	ssyncset.done $0x0  }
0x1ee: {  	s7 =	rddreg [dreg:$0xf];
	[sflag:s21] =	ssyncadd.s32 $0xFFFFE000  }
0x1ef: {  	[tilespmem:s16], [sflag:$0x2] =	stream.indirect.gather [hbm4b:s4+s12], $0x20, s7, s12, $0xb8;
	[tilespmem:$0x1E300] =	vst v63  }
0x1f0: {  	s8 =	rddreg [dreg:$0x10]  }
0x1f1: {  	[tilespmem:s17], [sflag:$0x2] =	stream.indirect.gather [hbm4b:s4+s12], $0x20, s8, s12, $0xb8;
	[tilespmem:$0x1E300] =	vst v63  }
0x1f2: {  	_ =	swait.ge [sflag:s18], $0x1000  }
0x1f3: {  	[sflag:s18] =	ssyncset.done $0x0  }
0x1f4: {  	[sflag:s18] =	ssyncadd.s32 $0xFFFFF000  }
0x1f5: {  	_ =	swait.ge [sflag:s18], $0x1000  }
0x1f6: {  	[sflag:s18] =	ssyncset.done $0x0  }
0x1f7: {  	s9 =	rddreg [dreg:$0x11];
	[sflag:s18] =	ssyncadd.s32 $0xFFFFF000  }
0x1f8: {  	[spmem:s2] =	stream.indirect.scatter.add.f32 [tilespmem:s13], [sflag:$0x3], $0x20, s9, s15, $0xb8;
	[tilespmem:$0x1E300] =	vst v63  }
0x1f9: {  	_ =	swait.ge [sflag:s19], $0x1000  }
0x1fa: {  	[sflag:s19] =	ssyncset.done $0x0  }
0x1fb: {  	[sflag:s19] =	ssyncadd.s32 $0xFFFFF000  }
0x1fc: {  	_ =	swait.ge [sflag:s19], $0x1000  }
0x1fd: {  	[sflag:s19] =	ssyncset.done $0x0  }
0x1fe: {  	s7 =	rddreg [dreg:$0x12];
	[sflag:s19] =	ssyncadd.s32 $0xFFFFF000  }
0x1ff: {  	[spmem:s2] =	stream.indirect.scatter.add.f32 [tilespmem:s16], [sflag:$0x4], $0x20, s7, s15, $0xb8;
	[tilespmem:$0x1E300] =	vst v63  }
0x200: {  	_ =	swait.ge [sflag:s20], $0x2000  }
0x201: {  	[sflag:s20] =	ssyncset.done $0x0  }
0x202: {  	s8 =	rddreg [dreg:$0x13];
	[sflag:s20] =	ssyncadd.s32 $0xFFFFE000  }
0x203: {  	[tilespmem:s13], [sflag:$0x1] =	stream.indirect.gather [hbm4b:s4+s12], $0x20, s8, s12, $0xb8;
	[tilespmem:$0x1E300] =	vst v63  }
0x204: {  	s9 =	rddreg [dreg:$0x14]  }
0x205: {  	[tilespmem:s14], [sflag:$0x1] =	stream.indirect.gather [hbm4b:s4+s12], $0x20, s9, s12, $0xb8;
	[tilespmem:$0x1E300] =	vst v63  }
0x206: {  	_ =	swait.ge [sflag:s21], $0x2000  }
0x207: {  	[sflag:s21] =	ssyncset.done $0x0  }
0x208: {  	s7 =	rddreg [dreg:$0x15];
	[sflag:s21] =	ssyncadd.s32 $0xFFFFE000  }
0x209: {  	[tilespmem:s16], [sflag:$0x2] =	stream.indirect.gather [hbm4b:s4+s12], $0x20, s7, s12, $0xb8;
	[tilespmem:$0x1E300] =	vst v63  }
0x20a: {  	s8 =	rddreg [dreg:$0x16]  }
0x20b: {  	[tilespmem:s17], [sflag:$0x2] =	stream.indirect.gather [hbm4b:s4+s12], $0x20, s8, s12, $0xb8;
	[tilespmem:$0x1E300] =	vst v63  }
0x20c: {  	_ =	swait.ge [sflag:s18], $0x1000  }
0x20d: {  	[sflag:s18] =	ssyncset.done $0x0  }
0x20e: {  	[sflag:s18] =	ssyncadd.s32 $0xFFFFF000  }
0x20f: {  	_ =	swait.ge [sflag:s18], $0x1000  }
0x210: {  	[sflag:s18] =	ssyncset.done $0x0  }
0x211: {  	s9 =	rddreg [dreg:$0x17];
	[sflag:s18] =	ssyncadd.s32 $0xFFFFF000  }
0x212: {  	[spmem:s2] =	stream.indirect.scatter.add.f32 [tilespmem:s13], [sflag:$0x3], $0x20, s9, s15, $0xb8;
	[tilespmem:$0x1E300] =	vst v63  }
0x213: {  	_ =	swait.ge [sflag:s19], $0x1000  }
0x214: {  	[sflag:s19] =	ssyncset.done $0x0  }
0x215: {  	[sflag:s19] =	ssyncadd.s32 $0xFFFFF000  }
0x216: {  	_ =	swait.ge [sflag:s19], $0x1000  }
0x217: {  	[sflag:s19] =	ssyncset.done $0x0  }
0x218: {  	s7 =	rddreg [dreg:$0x18];
	[sflag:s19] =	ssyncadd.s32 $0xFFFFF000  }
0x219: {  	[spmem:s2] =	stream.indirect.scatter.add.f32 [tilespmem:s16], [sflag:$0x4], $0x20, s7, s15, $0xb8;
	[tilespmem:$0x1E300] =	vst v63  }
0x21a: {  	_ =	swait.ge [sflag:s20], $0x2000  }
0x21b: {  	[sflag:s20] =	ssyncset.done $0x0  }
0x21c: {  	s8 =	rddreg [dreg:$0x19];
	[sflag:s20] =	ssyncadd.s32 $0xFFFFE000  }
0x21d: {  	[tilespmem:s13], [sflag:$0x1] =	stream.indirect.gather [hbm4b:s4+s12], $0x20, s8, s12, $0xb8;
	[tilespmem:$0x1E300] =	vst v63  }
0x21e: {  	s9 =	rddreg [dreg:$0x1a]  }
0x21f: {  	[tilespmem:s14], [sflag:$0x1] =	stream.indirect.gather [hbm4b:s4+s12], $0x20, s9, s12, $0xb8;
	[tilespmem:$0x1E300] =	vst v63  }
0x220: {  	_ =	swait.ge [sflag:s21], $0x2000  }
0x221: {  	[sflag:s21] =	ssyncset.done $0x0  }
0x222: {  	s8 =	rddreg [dreg:$0x1b];
	[sflag:s21] =	ssyncadd.s32 $0xFFFFE000  }
0x223: {  	[tilespmem:s16], [sflag:$0x2] =	stream.indirect.gather [hbm4b:s4+s12], $0x20, s8, s12, $0xb8;
	[tilespmem:$0x1E300] =	vst v63  }
0x224: {  	s9 =	rddreg [dreg:$0x1c]  }
0x225: {  	[tilespmem:s17], [sflag:$0x2] =	stream.indirect.gather [hbm4b:s4+s12], $0x20, s9, s12, $0xb8;
	[tilespmem:$0x1E300] =	vst v63  }
0x226: {  	_ =	swait.ge [sflag:s18], $0x1000  }
0x227: {  	[sflag:s18] =	ssyncset.done $0x0  }
0x228: {  	[sflag:s18] =	ssyncadd.s32 $0xFFFFF000  }
0x229: {  	_ =	swait.ge [sflag:s18], $0x1000  }
0x22a: {  	[sflag:s18] =	ssyncset.done $0x0  }
0x22b: {  	s7 =	rddreg [dreg:$0x1d];
	[sflag:s18] =	ssyncadd.s32 $0xFFFFF000  }
0x22c: {  	[spmem:s2] =	stream.indirect.scatter.add.f32 [tilespmem:s13], [sflag:$0x3], $0x20, s7, s15, $0xb8;
	[tilespmem:$0x1E300] =	vst v63  }
0x22d: {  	_ =	swait.ge [sflag:s19], $0x1000  }
0x22e: {  	[sflag:s19] =	ssyncset.done $0x0  }
0x22f: {  	[sflag:s19] =	ssyncadd.s32 $0xFFFFF000  }
0x230: {  	_ =	swait.ge [sflag:s19], $0x1000  }
0x231: {  	[sflag:s19] =	ssyncset.done $0x0  }
0x232: {  	s8 =	rddreg [dreg:$0x1e];
	[sflag:s19] =	ssyncadd.s32 $0xFFFFF000  }
0x233: {  	[spmem:s2] =	stream.indirect.scatter.add.f32 [tilespmem:s16], [sflag:$0x4], $0x20, s8, s15, $0xb8;
	[tilespmem:$0x1E300] =	vst v63  }
0x234: {  	_ =	swait.ge [sflag:s20], $0x2000  }
0x235: {  	[sflag:s20] =	ssyncset.done $0x0  }
0x236: {  	[sflag:s20] =	ssyncadd.s32 $0xFFFFE000  }
0x237: {  	[tilespmem:s13], [sflag:$0x1] =	stream.indirect.gather [hbm4b:s4+s12], $0x20, s22, s12, $0xb8;
	[tilespmem:$0x1E300] =	vst v63  }
0x238: {  	_ = 	snop  }
0x239: {  	[tilespmem:s14], [sflag:$0x1] =	stream.indirect.gather [hbm4b:s4+s12], $0x20, s23, s12, $0xb8;
	[tilespmem:$0x1E300] =	vst v63  }
0x23a: {  	_ =	swait.ge [sflag:s21], $0x2000  }
0x23b: {  	[sflag:s21] =	ssyncset.done $0x0  }
0x23c: {  	[sflag:s21] =	ssyncadd.s32 $0xFFFFE000  }
0x23d: {  	[tilespmem:s16], [sflag:$0x2] =	stream.indirect.gather [hbm4b:s4+s12], $0x20, s24, s12, $0xb8;
	[tilespmem:$0x1E300] =	vst v63  }
0x23e: {  	_ = 	snop  }
0x23f: {  	[tilespmem:s17], [sflag:$0x2] =	stream.indirect.gather [hbm4b:s4+s12], $0x20, s25, s12, $0xb8;
	[tilespmem:$0x1E300] =	vst v63  }
0x240: {  	_ =	swait.ge [sflag:s18], $0x1000  }
0x241: {  	[sflag:s18] =	ssyncset.done $0x0  }
0x242: {  	[sflag:s18] =	ssyncadd.s32 $0xFFFFF000  }
0x243: {  	_ =	swait.ge [sflag:s18], $0x1000  }
0x244: {  	[sflag:s18] =	ssyncset.done $0x0  }
0x245: {  	[sflag:s18] =	ssyncadd.s32 $0xFFFFF000  }
0x246: {  	[spmem:s2] =	stream.indirect.scatter.add.f32 [tilespmem:s13], [sflag:$0x3], $0x20, s26, s15, $0xb8;
	[tilespmem:$0x1E300] =	vst v63  }
0x247: {  	_ =	swait.ge [sflag:s19], $0x1000  }
0x248: {  	[sflag:s19] =	ssyncset.done $0x0  }
0x249: {  	[sflag:s19] =	ssyncadd.s32 $0xFFFFF000  }
0x24a: {  	_ =	swait.ge [sflag:s19], $0x1000  }
0x24b: {  	[sflag:s19] =	ssyncset.done $0x0  }
0x24c: {  	[sflag:s19] =	ssyncadd.s32 $0xFFFFF000  }
0x24d: {  	[spmem:s2] =	stream.indirect.scatter.add.f32 [tilespmem:s16], [sflag:$0x4], $0x20, s28, s15, $0xb8;
	[tilespmem:$0x1E300] =	vst v63  }
0x24e: {  	_ =	swait.ge [sflag:s20], $0x2000  }
0x24f: {  	[sflag:s20] =	ssyncset.done $0x0  }
0x250: {  	[sflag:s20] =	ssyncadd.s32 $0xFFFFE000  }
0x251: {  	[tilespmem:s13], [sflag:$0x1] =	stream.indirect.gather [hbm4b:s4+s12], $0x20, s29, s12, $0xb8;
	[tilespmem:$0x1E300] =	vst v63  }
0x252: {  	_ = 	snop  }
0x253: {  	[tilespmem:s14], [sflag:$0x1] =	stream.indirect.gather [hbm4b:s4+s12], $0x20, s30, s12, $0xb8;
	[tilespmem:$0x1E300] =	vst v63  }
0x254: {  	_ =	swait.ge [sflag:s21], $0x2000  }
0x255: {  	[sflag:s21] =	ssyncset.done $0x0  }
0x256: {  	[sflag:s21] =	ssyncadd.s32 $0xFFFFE000  }
0x257: {  	[tilespmem:s16], [sflag:$0x2] =	stream.indirect.gather [hbm4b:s4+s12], $0x20, s31, s12, $0xb8;
	[tilespmem:$0x1E300] =	vst v63  }
0x258: {  	_ = 	snop  }
0x259: {  	[tilespmem:s17], [sflag:$0x2] =	stream.indirect.gather [hbm4b:s4+s12], $0x20, s1, s12, $0xb8;
	[tilespmem:$0x1E300] =	vst v63  }
0x25a: {  	_ =	swait.ge [sflag:s18], $0x1000  }
0x25b: {  	[sflag:s18] =	ssyncset.done $0x0  }
0x25c: {  	[sflag:s18] =	ssyncadd.s32 $0xFFFFF000  }
0x25d: {  	_ =	swait.ge [sflag:s18], $0x1000  }
0x25e: {  	[sflag:s18] =	ssyncset.done $0x0  }
0x25f: {  	[sflag:s18] =	ssyncadd.s32 $0xFFFFF000  }
0x260: {  	[spmem:s2] =	stream.indirect.scatter.add.f32 [tilespmem:s13], [sflag:$0x3], $0x20, s0, s15, $0xb8;
	[tilespmem:$0x1E300] =	vst v63  }
0x261: {  	_ =	swait.ge [sflag:s19], $0x1000  }
0x262: {  	[sflag:s19] =	ssyncset.done $0x0  }
0x263: {  	[sflag:s19] =	ssyncadd.s32 $0xFFFFF000  }
0x264: {  	_ =	swait.ge [sflag:s19], $0x1000  }
0x265: {  	[sflag:s19] =	ssyncset.done $0x0  }
0x266: {  	[sflag:s19] =	ssyncadd.s32 $0xFFFFF000  }
0x267: {  	[spmem:s2] =	stream.indirect.scatter.add.f32 [tilespmem:s16], [sflag:$0x4], $0x20, s5, s15, $0xb8;
	[tilespmem:$0x1E300] =	vst v63  }
0x268: {  	_ =	swait.ge [sflag:s20], $0x2000  }
0x269: {  	[sflag:s20] =	ssyncset.done $0x0  }
0x26a: {  	[sflag:s20] =	ssyncadd.s32 $0xFFFFE000  }
0x26b: {  	_ =	swait.ge [sflag:s21], $0x2000  }
0x26c: {  	[sflag:s21] =	ssyncset.done $0x0  }
0x26d: {  	[sflag:s21] =	ssyncadd.s32 $0xFFFFE000  }
0x26e: {  	[bflag:$0x0] =	sbarrier.arrive $0xFFFF  }
0x26f: {  	s7 =	sld [smem:$0x7FC]  }
0x270: {  	s9 =	sld [smem:$0x7FA]  }
0x271: {  	s8 =	sld [smem:$0x7FD];
	_ =	sdelay $0x2  }
0x272: {  	[hbm:s9], [sflag:s7] =	dma.local [spmem:s8], $0x30E0  }
0x273: {  	_ =	swait.ge [sflag:s10], $0x30E0  }
0x274: {  	s6 =	sld [smem:$0x7F9];
	_ =	sdelay $0x2  }
0x275: {  	s9 =	sadd.s32 $0x1, s6;
	s6 =	sld [smem:$0x7FB];
	_ =	sdelay $0x2  }
0x276: {  	p0 =	sne.s32 s9, s6  }
.Ltmp1:
0x277: {  	_ = 	snop;
	(pc) =	sbr.rel @p0 .LBB2_1-.Ltmp1, $3  }
0x278: {  	_ =	sdelay $0x1  }
0x279: {  	[sflag:s10] =	ssyncset.done $0x0  }
0x27a: {  	[sflag:s10] =	ssyncadd.s32 $0xFFFFCF20  }
0x27b: {  	_ =	sfence.sel $0x180000  }
0x27c: {  	[bflag:$0x0] =	sbarrier.arrive $0xFFFF  }
0x27d: {  	_ =	strace $0x9000004A  }
0x27e: {  	s0 =	stileid.u32;
	[bflag:$0x2] =	sbarrier.arrive $0xFFFF  }
0x27f: {  	p0 =	sne.s32 s0, $0x0;
	s0 =	rddreg [dreg:$0x2]  }
0x280: {  	s0 =	sadd.s32 @!p0 $0x100000, s0  }
0x281: {  	[sflag:s0] =	ssyncadd.tile.s32 @!p0 $0x1;
	_ =	shalt  }
.Lfunc_end2:
_tile_overlayer_lowered:
.L_overlay_start_2:
0x282: {  	(tag) =	ssettag $0x2  }
0x283: {  	s0 =	rddreg [dreg:$0x0];
	s2 =	stileid.u32  }
0x284: {  	s1 =	rddreg [dreg:$0x1];
	p0 =	sne.s32 s2, $0x0  }
0x285: {  	s3 =	rddreg [dreg:$0x2];
	[bflag:$0x3] =	sbarrier.arrive $0xFFFF;
	s2 =	simm.s32 @!p0 $0x1C05  }
0x286: {  	[timem:s3], [sflag:s2] =	dma.local @!p0 [hbm:s0], s1  }
0x287: {  	s0 =	simm.s32 @!p0 $0x5  }
0x288: {  	_ =	swait.ge @!p0 [sflag:s0], s1  }
0x289: {  	s1 =	ssub.s32 @!p0 $0x0, s1;
	[sflag:s0] =	ssyncset.done @!p0 $0x0  }
0x28a: {  	[sflag:s0] =	ssyncadd.s32 @!p0 s1  }
0x28b: {  	[bflag:$0x3] =	sbarrier.arrive $0xFFFF  }
0x28c: {  	_ =	shalt  }

// kernel: kernel.14.cloned.1.call-start
scs
__scs_entry_jumppad:
0x0: {  	(pc) =	sbr.rel $0x88, $3  }
0x1: {  	(tag) =	ssettag $0x0;
	lr =	simm.s32 $0x1  }
0x2: {  	[smem:$0x3F9B] =	sst lr;
	_ =	strace $0xD0000000  }
0x3: {  	_ = 	snop  }
0x4: {  	_ = 	snop  }
0x5: {  	_ = 	snop  }
0x6: {  	_ = 	snop  }
0x7: {  	_ = 	snop  }
__scs_overlays_trampoline_lowered:
0x8: {  	[smem:$0x3FAA] =	sst s0  }
0x9: {  	[smem:$0x3FAB] =	sst s1  }
0xa: {  	[smem:$0x3FAC] =	sst s2  }
0xb: {  	[smem:$0x3FAD] =	sst s3  }
0xc: {  	[smem:$0x3FAE] =	sst s4  }
0xd: {  	[smem:$0x3FAF] =	sst s5  }
0xe: {  	[smem:$0x3FB0] =	sst s6  }
0xf: {  	[smem:$0x3FB1] =	sst s7  }
0x10: {  	[smem:$0x3FB2] =	sst s8  }
0x11: {  	[smem:$0x3FB3] =	sst s9;
	s0 =	simm.s32 @!p0 $0x0  }
0x12: {  	s1 =	sld [smem:$0x3F99];
	s0 =	simm.s32 @p0 $0x1  }
0x13: {  	[smem:$0x3FB4] =	sst s0;
	s0 =	simm.s32 @!p1 $0x0  }
0x14: {  	s2 =	sld [smem:$0x3F98];
	s0 =	simm.s32 @p1 $0x1  }
0x15: {  	[smem:$0x3FB5] =	sst s0;
	s0 =	simm.s32 @!p2 $0x0  }
0x16: {  	s3 =	sld [smem:$0x3FDB];
	s0 =	simm.s32 @p2 $0x1  }
0x17: {  	s4 =	simm.s32 $0x1BF5;
	[smem:$0x3FB7] =	sst s0  }
0x18: {  	s0 =	sld [smem:$0x3F9A];
	_ =	swait.ge [sflag:s4], $0x0  }
0x19: {  	s7 =	sld [smem:$0x3F9B]  }
0x1a: {  	s8 =	sadd.s32 $0xFFFFE003, lr  }
0x1b: {  	s9 =	sadd.s32 $0xFFFFFEF7, lr;
	s5 =	simm.s32 $0xFFFFFFFF;
	p2 =	slt.u32 s8, $0xFFFFF086  }
0x1c: {  	p1 =	slt.u32 s9, $0xF7A;
	s5 =	simm.s32 @!p2 $0x0  }
0x1d: {  	s5 =	simm.s32 @p1 $0x1;
	p0 =	seq.s32 s7, s2  }
0x1e: {  	s7 =	smul.u32 @!p0 $0xF7A, s2;
	p2 =	seq.s32 @!p0 s5, $0x0  }
0x1f: {  	s9 =	smul.u32 $0xF7A, s1;
	s8 =	simm.s32 @!p0 $0x1BF5;
	p2 =	por !p2, p0  }
0x20: {  	[sflag:s8] =	ssyncset.s32 @!p0 $0xFFFFF086;
	s6 =	sadd.s32 @!p0 s3, s7;
	s7 =	simm.s32 @!p0 $0x108  }
0x21: {  	s3 =	sadd.s32 s3, s9;
	s6 =	sadd.s32 @!p0 $0x88, s6;
	s7 =	simm.s32 @p2 $0x1082  }
0x22: {  	[simem:s7], [sflag:s8] =	dma.local @!p0 [hbm:s6], $0xF7A  }
0x23: {  	s9 =	sor.u32 $0xD0000000, s2;
	s6 =	simm.s32 $0x108;
	_ =	swait.ge @!p0 [sflag:s8], $0x0  }
0x24: {  	s3 =	sadd.s32 $0x88, s3;
	s6 =	simm.s32 @!p1 $0x1082;
	[sflag:s4] =	ssyncset.s32 $0xFFFFF086  }
0x25: {  	[simem:s6], [sflag:s4] =	dma.local [hbm:s3], $0xF7A  }
0x26: {  	[smem:$0x3F9B] =	sst s1;
	(tag) =	ssettag s2;
	_ =	strace s9  }
0x27: {  	s1 =	sld [smem:$0x3FAB]  }
0x28: {  	s2 =	sld [smem:$0x3FAC]  }
0x29: {  	s4 =	sld [smem:$0x3FAE]  }
0x2a: {  	p0 =	seq.s32 s5, $0x0;
	s5 =	sld [smem:$0x3FAF]  }
0x2b: {  	s6 =	sld [smem:$0x3FB0]  }
0x2c: {  	s7 =	sld [smem:$0x3FB1]  }
0x2d: {  	s3 =	simm.s32 $0x108;
	s8 =	sld [smem:$0x3FB2]  }
0x2e: {  	s3 =	simm.s32 @!p0 $0x1082;
	s9 =	sld [smem:$0x3FB3]  }
0x2f: {  	lr =	sadd.s32 s0, s3;
	s0 =	sld [smem:$0x3FAA]  }
0x30: {  	s3 =	sld [smem:$0x3FAD]  }
0x31: {  	[smem:$0x3FB6] =	sst s10  }
0x32: {  	s10 =	sld [smem:$0x3FB4];
	_ =	sdelay $0x3  }
0x33: {  	p0 =	seq.s32 s10, $0x1;
	s10 =	sld [smem:$0x3FB6];
	_ =	sdelay $0x3  }
0x34: {  	[smem:$0x3FB6] =	sst s10  }
0x35: {  	s10 =	sld [smem:$0x3FB5];
	_ =	sdelay $0x3  }
0x36: {  	p1 =	seq.s32 s10, $0x1;
	s10 =	sld [smem:$0x3FB6];
	_ =	sdelay $0x3  }
0x37: {  	[smem:$0x3FB6] =	sst s10  }
0x38: {  	s10 =	sld [smem:$0x3FB7]  }
0x39: {  	_ = 	snop;
	(pc) =	sbr.ind lr, $3  }
0x3a: {  	_ = 	snop  }
0x3b: {  	_ = 	snop  }
0x3c: {  	p2 =	seq.s32 s10, $0x1;
	s10 =	sld [smem:$0x3FB6]  }
0x3d: {  	_ =	shalt  }
0x3e: {  	_ =	shalt  }
0x3f: {  	_ =	shalt  }
0x40: {  	_ =	shalt  }
0x41: {  	_ =	shalt  }
0x42: {  	_ =	shalt  }
0x43: {  	_ =	shalt  }
0x44: {  	_ =	shalt  }
0x45: {  	_ =	shalt  }
0x46: {  	_ =	shalt  }
0x47: {  	_ =	shalt  }
0x48: {  	_ =	shalt  }
0x49: {  	_ =	shalt  }
0x4a: {  	_ =	shalt  }
0x4b: {  	_ =	shalt  }
0x4c: {  	_ =	shalt  }
0x4d: {  	_ =	shalt  }
0x4e: {  	_ =	shalt  }
0x4f: {  	_ =	shalt  }
0x50: {  	_ =	shalt  }
0x51: {  	_ =	shalt  }
0x52: {  	_ =	shalt  }
0x53: {  	_ =	shalt  }
0x54: {  	_ =	shalt  }
0x55: {  	_ =	shalt  }
0x56: {  	_ =	shalt  }
0x57: {  	_ =	shalt  }
0x58: {  	_ =	shalt  }
0x59: {  	_ =	shalt  }
0x5a: {  	_ =	shalt  }
0x5b: {  	_ =	shalt  }
0x5c: {  	_ =	shalt  }
0x5d: {  	_ =	shalt  }
0x5e: {  	_ =	shalt  }
0x5f: {  	_ =	shalt  }
0x60: {  	_ =	shalt  }
0x61: {  	_ =	shalt  }
0x62: {  	_ =	shalt  }
0x63: {  	_ =	shalt  }
0x64: {  	_ =	shalt  }
0x65: {  	_ =	shalt  }
0x66: {  	_ =	shalt  }
0x67: {  	_ =	shalt  }
0x68: {  	_ =	shalt  }
0x69: {  	_ =	shalt  }
0x6a: {  	_ =	shalt  }
0x6b: {  	_ =	shalt  }
0x6c: {  	_ =	shalt  }
0x6d: {  	_ =	shalt  }
0x6e: {  	_ =	shalt  }
0x6f: {  	_ =	shalt  }
0x70: {  	_ =	shalt  }
0x71: {  	_ =	shalt  }
0x72: {  	_ =	shalt  }
0x73: {  	_ =	shalt  }
0x74: {  	_ =	shalt  }
0x75: {  	_ =	shalt  }
0x76: {  	_ =	shalt  }
0x77: {  	_ =	shalt  }
0x78: {  	_ =	shalt  }
0x79: {  	_ =	shalt  }
0x7a: {  	_ =	shalt  }
0x7b: {  	_ =	shalt  }
0x7c: {  	_ =	shalt  }
0x7d: {  	_ =	shalt  }
0x7e: {  	_ =	shalt  }
0x7f: {  	_ =	shalt  }
0x80: {  	_ =	shalt  }
0x81: {  	_ =	shalt  }
0x82: {  	_ =	shalt  }
0x83: {  	_ =	shalt  }
0x84: {  	_ =	shalt  }
0x85: {  	_ =	shalt  }
0x86: {  	_ =	shalt  }
0x87: {  	_ =	shalt  }
.Lfunc_end0:
.L_simem_size_0:
called_computation.2_lowered:
.L_overlay_start_0:
0x88: {  	s2 =	sld [smem:$0x3FD9]  }
0x89: {  	s3 =	sld [smem:$0x3FFE];
	_ =	sdelay $0x1  }
0x8a: {  	s1 =	srdreg.scid  }
0x8b: {  	s0 =	sand.u32 $0x1, s1  }
0x8c: {  	s17 =	sshll.u32 s0, $0xA;
	s2 =	sadd.s32 s3, s2  }
0x8d: {  	s2 =	sadd.s32 s2, s17  }
0x8e: {  	[smem:$0x3FC2] =	sst s2  }
0x8f: {  	_ = 	snop  }
0x90: {  	s2 =	sld [smem:$0x3FD0];
	(tm) =	ssettm $0x1  }
0x91: {  	s18 =	sld [smem:$0x3FFB];
	_ =	sdelay $0x3  }
0x92: {  	_ =	strace s18  }
0x93: {  	s3 =	sld [smem:$0x3FFC];
	_ =	sdelay $0x3  }
0x94: {  	_ =	strace s3  }
0x95: {  	s3 =	sld [smem:$0x3FFD];
	_ =	sdelay $0x3  }
0x96: {  	_ =	strace s3  }
0x97: {  	_ =	strace $0x8FFFFFFF  }
0x98: {  	s19 =	sld [smem:$0x3FDB];
	_ =	sdelay $0x1  }
0x99: {  	s4 =	simm.s32 $_scs_section_size  }
0x9a: {  	s5 =	simm.s32 $_size__tile_overlayer_lowered;
	s6 =	simm.s32 $_tile_overlayer_lowered  }
0x9b: {  	s22 =	simm.s32 $0x1BFF;
	s21 =	sshll.u32 s6, $0x1;
	s3 =	sadd.s32 s4, s19  }
0x9c: {  	s7 =	simm.s32 $0x0;
	s20 =	sshll.u32 s5, $0x1;
	s5 =	sadd.s32 s21, s3  }
0x9d: {  	[timem:s7], [sflag:s22] =	dma.local [hbm:s5], s20  }
0x9e: {  	_ =	swait.ge [sflag:s22], s20  }
0x9f: {  	s4 =	ssub.s32 $0x0, s20;
	[sflag:s22] =	ssyncset.done $0x0  }
0xa0: {  	[sflag:s22] =	ssyncadd.s32 s4;
	_ =	sdelay $0x1  }
0xa1: {  	s23 =	simm.s32 $0x1B8B  }
0xa2: {  	_ =	swait.ge [sflag:s23], $0x1  }
0xa3: {  	[sflag:s23] =	ssyncset.done $0x0  }
0xa4: {  	s25 =	simm.s32 $0x1B8E;
	s24 =	sld [smem:$0x3FFE];
	[sflag:s23] =	ssyncadd.s32 $0xFFFFFFFF  }
0xa5: {  	s26 =	simm.s32 $execute0_lowered;
	[smem:$0x3FD2] =	sst s25  }
0xa6: {  	s5 =	sshll.u32 s26, $0x1;
	_ =	strace $0x8000004C;
	[dreg:$0x1] =	wrdreg $0xFFFFFFFF  }
0xa7: {  	s28 =	simm.s32 $_size_execute0_lowered;
	s3 =	sadd.s32 s3, s5;
	[dreg:$0x0] =	wrdreg $0x0  }
0xa8: {  	s5 =	sshll.u32 s28, $0x1;
	[dreg:$0x2] =	wrdreg s3  }
0xa9: {  	[dreg:$0x3] =	wrdreg s5  }
0xaa: {  	[dreg:$0x4] =	wrdreg $0xC0  }
0xab: {  	_ =	task [dreg:s7], $0x5FFFF  }
0xac: {  	[dreg:$0x1] =	wrdreg $0xFFFFFFFF  }
0xad: {  	[dreg:$0x0] =	wrdreg $0x60  }
0xae: {  	[dreg:$0x2] =	wrdreg s24  }
0xaf: {  	[dreg:$0x3] =	wrdreg s2  }
0xb0: {  	[dreg:$0x4] =	wrdreg $0xE4000  }
0xb1: {  	[dreg:$0x5] =	wrdreg $0x9  }
0xb2: {  	_ =	task.clear_ibuf [dreg:s7], $0x6FFFF;
	_ =	strace $0x9000004C  }
0xb3: {  	s29 =	simm.s32 $0x9;
	_ =	strace $0x8000004E  }
0xb4: {  	_ =	swait.ge [sflag:s29], $0x1  }
0xb5: {  	[sflag:s29] =	ssyncadd.s32 $0xFFFFFFFF  }
0xb6: {  	_ =	strace $0x9000004E  }
0xb7: {  	_ =	sfence  }
0xb8: {  	s30 =	sld [smem:$0x0];
	_ =	sdelay $0x2  }
0xb9: {  	s31 =	sshll.u32 s1, $0xD;
	s1 =	sshrl.u32 s1, $0x2  }
0xba: {  	s3 =	sand.u32 $0x4000, s31;
	s1 =	sadd.s32 s1, s30  }
0xbb: {  	s0 =	sor.u32 s3, s0;
	s1 =	sshll.u32 s1, $0x11  }
0xbc: {  	s0 =	sor.u32 s1, s0  }
0xbd: {  	s0 =	sadd.s32 $0x8F2B, s0  }
0xbe: {  	[sflag:s0] =	ssyncadd.remote.s32 $0x1  }
0xbf: {  	_ =	sfence.sel $0xFFFF  }
0xc0: {  	[dreg:$0x0] =	wrdreg $0xFFFFFFFF;
	(pc) =	sbr.abs _section_cstart, $3  }
0xc1: {  	[dreg:$0x1] =	wrdreg $0xFFFFFFFF  }
0xc2: {  	_ =	task.clear_ibuf [dreg:s7], $0x2FFFF;
	_ =	strace $0x9FFFFFFF  }
0xc3: {  	(tm) =	ssettm $0x7FFFFFFF  }
tec
execute0_lowered:
.L_overlay_start_1:
0x0: {  	(tag) =	ssettag $0x1  }
0x1: {  	s0 =	rddreg [dreg:$0x0]  }
0x2: {  	s3 =	rddreg [dreg:$0x2]  }
0x3: {  	s1 =	srdreg.scid;
	s9 =	stileid.u32;
	s4 =	simm.s32 $0x0  }
0x4: {  	s12 =	simm.s32 $0x9;
	s14 =	simm.s32 $0x80;
	s15 =	simm.s32 $0xC400  }
0x5: {  	s16 =	simm.s32 $0xC800;
	s17 =	simm.s32 $0x100;
	s18 =	simm.s32 $0xCC00  }
0x6: {  	s20 =	simm.s32 $0xD000;
	s22 =	simm.s32 $0xD400;
	s24 =	simm.s32 $0xD800  }
0x7: {  	s29 =	simm.s32 $0xE000;
	s30 =	simm.s32 $0x1;
	s31 =	simm.s32 $0x5  }
0x8: {  	s13 =	simm.s32 $0x7;
	s19 =	simm.s32 $0x4;
	s21 =	simm.s32 $0x8  }
0x9: {  	s25 =	simm.s32 $0x0;
	s1 =	sand.u32 $0x1, s1;
	s2 =	smul.u32 $0x61C0, s9  }
0xa: {  	[smem:$0x7FF] =	sst s4;
	s28 =	sshll.u32 s9, $0x6;
	s5 =	sshll.u32 s1, $0x4  }
0xb: {  	s6 =	smul.u32 $0x61C00, s1;
	s1 =	ssub.s32 $0x2, s1;
	s5 =	sor.u32 s9, s5  }
0xc: {  	_ =	strace $0x8000004D;
	s26 =	sshrl.u32 s1, $0x1;
	s7 =	smul.u32 $0xC40, s5  }
0xd: {  	s6 =	sadd.s32 s2, s6;
	s5 =	sadd.s32 $0x96E00, s0;
	s1 =	ssub.s32 s1, s26  }
0xe: {  	s2 =	sadd.s32 s2, s3;
	s26 =	simm.s32 $0xDC00;
	s6 =	sshrl.u32 s6, $0x3  }
0xf: {  	s10 =	smax.u32 s1, $0x1;
	s11 =	sshrl.u32 s2, $0x3;
	s1 =	simm.s32 $0x6  }
0x10: {  	s2 =	simm.s32 $0x3;
	s8 =	sadd.s32 s7, s0;
	s0 =	sadd.s32 s6, s0  }
0x11: {  	s6 =	sor.u32 $0x1C09, s28;
	s7 =	sadd.s32 $0x7E600, s8;
	s8 =	sadd.s32 $0x1000, s8  }
0x12: {  	s9 =	sadd.s32 $0xA3200, s0;
	s0 =	simm.s32 $0x2;
	[dreg:$0x4] =	wrdreg s7  }
.LBB2_1:
0x13: {  	s7 =	rddreg [dreg:$0x1]  }
0x14: {  	[spmem:s11], [sflag:s6] =	dma.local [hbm:s7], $0xC38  }
0x15: {  	_ =	swait.ge [sflag:s12], $0xC38  }
0x16: {  	[sflag:s12] =	ssyncset.done $0x0  }
0x17: {  	s23 =	rddreg [dreg:$0x4];
	[sflag:s12] =	ssyncadd.s32 $0xFFFFF3C8  }
0x18: {  	[tilespmem:s4], [sflag:$0x9] =	stream.linear.gather [hbm4b:s23+s4], $0x6200, $0x38;
	[tilespmem:$0x145C0] =	vst v63  }
0x19: {  	_ =	swait.ge [sflag:s12], $0x6200  }
0x1a: {  	[sflag:s12] =	ssyncset.done $0x0  }
0x1b: {  	s23 =	simm.s32 $0x6200;
	[sflag:s12] =	ssyncadd.s32 $0xFFFF9E00  }
0x1c: {  	[tilespmem:s23], [sflag:$0x9] =	stream.linear.gather [hbm4b:s8+s4], $0x6200, $0x38;
	[tilespmem:$0x145C0] =	vst v63  }
0x1d: {  	_ =	swait.ge [sflag:s12], $0x6200  }
0x1e: {  	[sflag:s12] =	ssyncset.done $0x0  }
0x1f: {  	[sflag:s12] =	ssyncadd.s32 $0xFFFF9E00  }
0x20: {  	[bflag:$0x0] =	sbarrier.arrive $0xFFFF  }
0x21: {  	[tilespmem:s15], [sflag:$0x1] =	stream.indirect.gather [hbm4b:s5+s14], $0x8, s4, s14, $0xb8;
	[tilespmem:$0x145C0] =	vst v63  }
0x22: {  	_ = 	snop  }
0x23: {  	[tilespmem:s16], [sflag:$0x1] =	stream.indirect.gather [hbm4b:s5+s14], $0x8, s14, s14, $0xb8;
	[tilespmem:$0x145C0] =	vst v63  }
0x24: {  	_ = 	snop  }
0x25: {  	[tilespmem:s18], [sflag:$0x2] =	stream.indirect.gather [hbm4b:s5+s14], $0x8, s17, s14, $0xb8;
	[tilespmem:$0x145C0] =	vst v63  }
0x26: {  	s23 =	simm.s32 $0x180  }
0x27: {  	[tilespmem:s20], [sflag:$0x2] =	stream.indirect.gather [hbm4b:s5+s14], $0x8, s23, s14, $0xb8;
	[tilespmem:$0x145C0] =	vst v63  }
0x28: {  	s23 =	simm.s32 $0x200  }
0x29: {  	[tilespmem:s22], [sflag:$0x3] =	stream.indirect.gather [hbm4b:s5+s14], $0x8, s23, s14, $0xb8;
	[tilespmem:$0x145C0] =	vst v63  }
0x2a: {  	s23 =	simm.s32 $0x280  }
0x2b: {  	[tilespmem:s24], [sflag:$0x3] =	stream.indirect.gather [hbm4b:s5+s14], $0x8, s23, s14, $0xb8;
	[tilespmem:$0x145C0] =	vst v63  }
0x2c: {  	s23 =	simm.s32 $0x300  }
0x2d: {  	[tilespmem:s26], [sflag:$0x4] =	stream.indirect.gather [hbm4b:s5+s14], $0x8, s23, s14, $0xb8;
	[tilespmem:$0x145C0] =	vst v63  }
0x2e: {  	s23 =	simm.s32 $0x380  }
0x2f: {  	[tilespmem:s29], [sflag:$0x4] =	stream.indirect.gather [hbm4b:s5+s14], $0x8, s23, s14, $0xb8;
	[tilespmem:$0x145C0] =	vst v63  }
0x30: {  	_ =	swait.ge [sflag:s30], $0x400  }
0x31: {  	[sflag:s30] =	ssyncset.done $0x0  }
0x32: {  	[sflag:s30] =	ssyncadd.s32 $0xFFFFFC00  }
0x33: {  	_ =	swait.ge [sflag:s30], $0x400  }
0x34: {  	[sflag:s30] =	ssyncset.done $0x0  }
0x35: {  	s23 =	simm.s32 $0x6200;
	[sflag:s30] =	ssyncadd.s32 $0xFFFFFC00  }
0x36: {  	[spmem:s3] =	stream.indirect.scatter.add.f32 [tilespmem:s15], [sflag:$0x5], $0x8, s23, s17, $0xb8;
	[tilespmem:$0x145C0] =	vst v63  }
0x37: {  	_ =	swait.ge [sflag:s31], $0x800  }
0x38: {  	[sflag:s31] =	ssyncset.done $0x0  }
0x39: {  	s7 =	simm.s32 $0x400;
	[sflag:s31] =	ssyncadd.s32 $0xFFFFF800  }
0x3a: {  	[tilespmem:s15], [sflag:$0x1] =	stream.indirect.gather [hbm4b:s5+s14], $0x8, s7, s14, $0xb8;
	[tilespmem:$0x145C0] =	vst v63  }
0x3b: {  	s7 =	simm.s32 $0x480  }
0x3c: {  	[tilespmem:s16], [sflag:$0x1] =	stream.indirect.gather [hbm4b:s5+s14], $0x8, s7, s14, $0xb8;
	[tilespmem:$0x145C0] =	vst v63  }
0x3d: {  	_ =	swait.ge [sflag:s0], $0x400  }
0x3e: {  	[sflag:s0] =	ssyncset.done $0x0  }
0x3f: {  	[sflag:s0] =	ssyncadd.s32 $0xFFFFFC00  }
0x40: {  	_ =	swait.ge [sflag:s0], $0x400  }
0x41: {  	[sflag:s0] =	ssyncset.done $0x0  }
0x42: {  	s7 =	simm.s32 $0x6300;
	[sflag:s0] =	ssyncadd.s32 $0xFFFFFC00  }
0x43: {  	[spmem:s3] =	stream.indirect.scatter.add.f32 [tilespmem:s18], [sflag:$0x6], $0x8, s7, s17, $0xb8;
	[tilespmem:$0x145C0] =	vst v63  }
0x44: {  	_ =	swait.ge [sflag:s1], $0x800  }
0x45: {  	[sflag:s1] =	ssyncset.done $0x0  }
0x46: {  	s7 =	simm.s32 $0x500;
	[sflag:s1] =	ssyncadd.s32 $0xFFFFF800  }
0x47: {  	[tilespmem:s18], [sflag:$0x2] =	stream.indirect.gather [hbm4b:s5+s14], $0x8, s7, s14, $0xb8;
	[tilespmem:$0x145C0] =	vst v63  }
0x48: {  	s7 =	simm.s32 $0x580  }
0x49: {  	[tilespmem:s20], [sflag:$0x2] =	stream.indirect.gather [hbm4b:s5+s14], $0x8, s7, s14, $0xb8;
	[tilespmem:$0x145C0] =	vst v63  }
0x4a: {  	_ =	swait.ge [sflag:s2], $0x400  }
0x4b: {  	[sflag:s2] =	ssyncset.done $0x0  }
0x4c: {  	[sflag:s2] =	ssyncadd.s32 $0xFFFFFC00  }
0x4d: {  	_ =	swait.ge [sflag:s2], $0x400  }
0x4e: {  	[sflag:s2] =	ssyncset.done $0x0  }
0x4f: {  	s7 =	simm.s32 $0x6400;
	[sflag:s2] =	ssyncadd.s32 $0xFFFFFC00  }
0x50: {  	[spmem:s3] =	stream.indirect.scatter.add.f32 [tilespmem:s22], [sflag:$0x7], $0x8, s7, s17, $0xb8;
	[tilespmem:$0x145C0] =	vst v63  }
0x51: {  	_ =	swait.ge [sflag:s13], $0x800  }
0x52: {  	[sflag:s13] =	ssyncset.done $0x0  }
0x53: {  	s7 =	simm.s32 $0x600;
	[sflag:s13] =	ssyncadd.s32 $0xFFFFF800  }
0x54: {  	[tilespmem:s22], [sflag:$0x3] =	stream.indirect.gather [hbm4b:s5+s14], $0x8, s7, s14, $0xb8;
	[tilespmem:$0x145C0] =	vst v63  }
0x55: {  	s7 =	simm.s32 $0x680  }
0x56: {  	[tilespmem:s24], [sflag:$0x3] =	stream.indirect.gather [hbm4b:s5+s14], $0x8, s7, s14, $0xb8;
	[tilespmem:$0x145C0] =	vst v63  }
0x57: {  	_ =	swait.ge [sflag:s19], $0x400  }
0x58: {  	[sflag:s19] =	ssyncset.done $0x0  }
0x59: {  	[sflag:s19] =	ssyncadd.s32 $0xFFFFFC00  }
0x5a: {  	_ =	swait.ge [sflag:s19], $0x400  }
0x5b: {  	[sflag:s19] =	ssyncset.done $0x0  }
0x5c: {  	s7 =	simm.s32 $0x6500;
	[sflag:s19] =	ssyncadd.s32 $0xFFFFFC00  }
0x5d: {  	[spmem:s3] =	stream.indirect.scatter.add.f32 [tilespmem:s26], [sflag:$0x8], $0x8, s7, s17, $0xb8;
	[tilespmem:$0x145C0] =	vst v63  }
0x5e: {  	_ =	swait.ge [sflag:s21], $0x800  }
0x5f: {  	s28 =	simm.s32 $0x1000;
	[sflag:s21] =	ssyncset.done $0x0  }
0x60: {  	s23 =	simm.s32 $0x780;
	s7 =	simm.s32 $0x700;
	[sflag:s21] =	ssyncadd.s32 $0xFFFFF800  }
0x61: {  	[tilespmem:s26], [sflag:$0x4] =	stream.indirect.gather [hbm4b:s5+s14], $0x8, s7, s14, $0xb8;
	[tilespmem:$0x145C0] =	vst v63  }
.LBB2_2:
0x62: {  	[tilespmem:s29], [sflag:$0x4] =	stream.indirect.gather [hbm4b:s5+s14], $0x8, s23, s14, $0xb8;
	[tilespmem:$0x145C0] =	vst v63  }
0x63: {  	s23 =	smov.u32 s28  }
0x64: {  	p0 =	sne.s32 s28, $0x16000;
	s28 =	sadd.s32 $0x1000, s28;
	_ =	swait.ge [sflag:s30], $0x400  }
0x65: {  	[sflag:s30] =	ssyncset.done $0x0  }
0x66: {  	[sflag:s30] =	ssyncadd.s32 $0xFFFFFC00  }
0x67: {  	_ =	swait.ge [sflag:s30], $0x400  }
0x68: {  	s23 =	sshra.s32 s23, $0x2;
	[sflag:s30] =	ssyncset.done $0x0  }
0x69: {  	s7 =	sadd.s32 $0x6200, s23;
	[sflag:s30] =	ssyncadd.s32 $0xFFFFFC00  }
0x6a: {  	[spmem:s3] =	stream.indirect.scatter.add.f32 [tilespmem:s15], [sflag:$0x5], $0x8, s7, s17, $0xb8;
	[tilespmem:$0x145C0] =	vst v63  }
0x6b: {  	_ =	swait.ge [sflag:s31], $0x800  }
0x6c: {  	[sflag:s31] =	ssyncset.done $0x0  }
0x6d: {  	s7 =	sadd.s32 $0x400, s23;
	[sflag:s31] =	ssyncadd.s32 $0xFFFFF800  }
0x6e: {  	[tilespmem:s15], [sflag:$0x1] =	stream.indirect.gather [hbm4b:s5+s14], $0x8, s7, s14, $0xb8;
	[tilespmem:$0x145C0] =	vst v63  }
0x6f: {  	s7 =	sadd.s32 $0x480, s23  }
0x70: {  	[tilespmem:s16], [sflag:$0x1] =	stream.indirect.gather [hbm4b:s5+s14], $0x8, s7, s14, $0xb8;
	[tilespmem:$0x145C0] =	vst v63  }
0x71: {  	_ =	swait.ge [sflag:s0], $0x400  }
0x72: {  	[sflag:s0] =	ssyncset.done $0x0  }
0x73: {  	[sflag:s0] =	ssyncadd.s32 $0xFFFFFC00  }
0x74: {  	_ =	swait.ge [sflag:s0], $0x400  }
0x75: {  	[sflag:s0] =	ssyncset.done $0x0  }
0x76: {  	s7 =	sadd.s32 $0x6300, s23;
	[sflag:s0] =	ssyncadd.s32 $0xFFFFFC00  }
0x77: {  	[spmem:s3] =	stream.indirect.scatter.add.f32 [tilespmem:s18], [sflag:$0x6], $0x8, s7, s17, $0xb8;
	[tilespmem:$0x145C0] =	vst v63  }
0x78: {  	_ =	swait.ge [sflag:s1], $0x800  }
0x79: {  	[sflag:s1] =	ssyncset.done $0x0  }
0x7a: {  	s7 =	sadd.s32 $0x500, s23;
	[sflag:s1] =	ssyncadd.s32 $0xFFFFF800  }
0x7b: {  	[tilespmem:s18], [sflag:$0x2] =	stream.indirect.gather [hbm4b:s5+s14], $0x8, s7, s14, $0xb8;
	[tilespmem:$0x145C0] =	vst v63  }
0x7c: {  	s7 =	sadd.s32 $0x580, s23  }
0x7d: {  	[tilespmem:s20], [sflag:$0x2] =	stream.indirect.gather [hbm4b:s5+s14], $0x8, s7, s14, $0xb8;
	[tilespmem:$0x145C0] =	vst v63  }
0x7e: {  	_ =	swait.ge [sflag:s2], $0x400  }
0x7f: {  	[sflag:s2] =	ssyncset.done $0x0  }
0x80: {  	[sflag:s2] =	ssyncadd.s32 $0xFFFFFC00  }
0x81: {  	_ =	swait.ge [sflag:s2], $0x400  }
0x82: {  	[sflag:s2] =	ssyncset.done $0x0  }
0x83: {  	s7 =	sadd.s32 $0x6400, s23;
	[sflag:s2] =	ssyncadd.s32 $0xFFFFFC00  }
0x84: {  	[spmem:s3] =	stream.indirect.scatter.add.f32 [tilespmem:s22], [sflag:$0x7], $0x8, s7, s17, $0xb8;
	[tilespmem:$0x145C0] =	vst v63  }
0x85: {  	_ =	swait.ge [sflag:s13], $0x800  }
0x86: {  	[sflag:s13] =	ssyncset.done $0x0  }
0x87: {  	s7 =	sadd.s32 $0x600, s23;
	[sflag:s13] =	ssyncadd.s32 $0xFFFFF800  }
0x88: {  	[tilespmem:s22], [sflag:$0x3] =	stream.indirect.gather [hbm4b:s5+s14], $0x8, s7, s14, $0xb8;
	[tilespmem:$0x145C0] =	vst v63  }
0x89: {  	s7 =	sadd.s32 $0x680, s23  }
0x8a: {  	[tilespmem:s24], [sflag:$0x3] =	stream.indirect.gather [hbm4b:s5+s14], $0x8, s7, s14, $0xb8;
	[tilespmem:$0x145C0] =	vst v63  }
0x8b: {  	_ =	swait.ge [sflag:s19], $0x400  }
0x8c: {  	[sflag:s19] =	ssyncset.done $0x0  }
0x8d: {  	[sflag:s19] =	ssyncadd.s32 $0xFFFFFC00  }
0x8e: {  	_ =	swait.ge [sflag:s19], $0x400  }
0x8f: {  	[sflag:s19] =	ssyncset.done $0x0  }
0x90: {  	s7 =	sadd.s32 $0x6500, s23;
	[sflag:s19] =	ssyncadd.s32 $0xFFFFFC00  }
0x91: {  	[spmem:s3] =	stream.indirect.scatter.add.f32 [tilespmem:s26], [sflag:$0x8], $0x8, s7, s17, $0xb8;
	[tilespmem:$0x145C0] =	vst v63  }
.Ltmp0:
0x92: {  	_ =	swait.ge [sflag:s21], $0x800;
	(pc) =	sbr.rel @p0 .LBB2_2-.Ltmp0, $4  }
0x93: {  	[sflag:s21] =	ssyncset.done $0x0  }
0x94: {  	s7 =	sadd.s32 $0x700, s23;
	[sflag:s21] =	ssyncadd.s32 $0xFFFFF800  }
0x95: {  	[tilespmem:s26], [sflag:$0x4] =	stream.indirect.gather [hbm4b:s5+s14], $0x8, s7, s14, $0xb8;
	[tilespmem:$0x145C0] =	vst v63  }
0x96: {  	s23 =	sadd.s32 $0x780, s23  }
0x97: {  	[tilespmem:s29], [sflag:$0x4] =	stream.indirect.gather [hbm4b:s5+s14], $0x8, s23, s14, $0xb8;
	[tilespmem:$0x145C0] =	vst v63  }
0x98: {  	_ =	swait.ge [sflag:s30], $0x400  }
0x99: {  	[sflag:s30] =	ssyncset.done $0x0  }
0x9a: {  	[sflag:s30] =	ssyncadd.s32 $0xFFFFFC00  }
0x9b: {  	_ =	swait.ge [sflag:s30], $0x400  }
0x9c: {  	[sflag:s30] =	ssyncset.done $0x0  }
0x9d: {  	s7 =	simm.s32 $0xBE00;
	[sflag:s30] =	ssyncadd.s32 $0xFFFFFC00  }
0x9e: {  	[spmem:s3] =	stream.indirect.scatter.add.f32 [tilespmem:s15], [sflag:$0x9], $0x8, s7, s17, $0xb8;
	[tilespmem:$0x145C0] =	vst v63  }
0x9f: {  	_ =	swait.ge [sflag:s12], $0x800  }
0xa0: {  	[sflag:s12] =	ssyncset.done $0x0  }
0xa1: {  	[sflag:s12] =	ssyncadd.s32 $0xFFFFF800  }
0xa2: {  	_ =	swait.ge [sflag:s0], $0x400  }
0xa3: {  	[sflag:s0] =	ssyncset.done $0x0  }
0xa4: {  	[sflag:s0] =	ssyncadd.s32 $0xFFFFFC00  }
0xa5: {  	_ =	swait.ge [sflag:s0], $0x400  }
0xa6: {  	[sflag:s0] =	ssyncset.done $0x0  }
0xa7: {  	s28 =	simm.s32 $0xBF00;
	[sflag:s0] =	ssyncadd.s32 $0xFFFFFC00  }
0xa8: {  	[spmem:s3] =	stream.indirect.scatter.add.f32 [tilespmem:s18], [sflag:$0x9], $0x8, s28, s17, $0xb8;
	[tilespmem:$0x145C0] =	vst v63  }
0xa9: {  	_ =	swait.ge [sflag:s12], $0x800  }
0xaa: {  	[sflag:s12] =	ssyncset.done $0x0  }
0xab: {  	[sflag:s12] =	ssyncadd.s32 $0xFFFFF800  }
0xac: {  	_ =	swait.ge [sflag:s2], $0x400  }
0xad: {  	[sflag:s2] =	ssyncset.done $0x0  }
0xae: {  	[sflag:s2] =	ssyncadd.s32 $0xFFFFFC00  }
0xaf: {  	_ =	swait.ge [sflag:s2], $0x400  }
0xb0: {  	[sflag:s2] =	ssyncset.done $0x0  }
0xb1: {  	s23 =	simm.s32 $0xC000;
	[sflag:s2] =	ssyncadd.s32 $0xFFFFFC00  }
0xb2: {  	[spmem:s3] =	stream.indirect.scatter.add.f32 [tilespmem:s22], [sflag:$0x9], $0x8, s23, s17, $0xb8;
	[tilespmem:$0x145C0] =	vst v63  }
0xb3: {  	_ =	swait.ge [sflag:s12], $0x800  }
0xb4: {  	[sflag:s12] =	ssyncset.done $0x0  }
0xb5: {  	[sflag:s12] =	ssyncadd.s32 $0xFFFFF800  }
0xb6: {  	_ =	swait.ge [sflag:s19], $0x400  }
0xb7: {  	[sflag:s19] =	ssyncset.done $0x0  }
0xb8: {  	[sflag:s19] =	ssyncadd.s32 $0xFFFFFC00  }
0xb9: {  	_ =	swait.ge [sflag:s19], $0x400  }
0xba: {  	[sflag:s19] =	ssyncset.done $0x0  }
0xbb: {  	s28 =	simm.s32 $0xC100;
	[sflag:s19] =	ssyncadd.s32 $0xFFFFFC00  }
0xbc: {  	[spmem:s3] =	stream.indirect.scatter.add.f32 [tilespmem:s26], [sflag:$0x9], $0x8, s28, s17, $0xb8;
	[tilespmem:$0x145C0] =	vst v63  }
0xbd: {  	_ =	swait.ge [sflag:s12], $0x800  }
0xbe: {  	[sflag:s12] =	ssyncset.done $0x0  }
0xbf: {  	s23 =	simm.s32 $0x6000;
	[sflag:s12] =	ssyncadd.s32 $0xFFFFF800  }
0xc0: {  	[tilespmem:s15], [sflag:$0x1] =	stream.indirect.gather [hbm4b:s5+s14], $0x8, s23, s14, $0xb8;
	[tilespmem:$0x145C0] =	vst v63  }
0xc1: {  	s28 =	simm.s32 $0x6080  }
0xc2: {  	[tilespmem:s16], [sflag:$0x1] =	stream.indirect.gather [hbm4b:s5+s14], $0x8, s28, s14, $0xb8;
	[tilespmem:$0x145C0] =	vst v63  }
0xc3: {  	_ =	swait.ge [sflag:s30], $0x400  }
0xc4: {  	[sflag:s30] =	ssyncset.done $0x0  }
0xc5: {  	[sflag:s30] =	ssyncadd.s32 $0xFFFFFC00  }
0xc6: {  	_ =	swait.ge [sflag:s30], $0x400  }
0xc7: {  	[sflag:s30] =	ssyncset.done $0x0  }
0xc8: {  	s23 =	simm.s32 $0xC200;
	[sflag:s30] =	ssyncadd.s32 $0xFFFFFC00  }
0xc9: {  	[spmem:s3] =	stream.indirect.scatter.add.f32 [tilespmem:s15], [sflag:$0x9], $0x8, s23, s17, $0xb8;
	[tilespmem:$0x145C0] =	vst v63  }
0xca: {  	_ =	swait.ge [sflag:s12], $0x800  }
0xcb: {  	[sflag:s12] =	ssyncset.done $0x0  }
0xcc: {  	s28 =	simm.s32 $0x6100;
	[sflag:s12] =	ssyncadd.s32 $0xFFFFF800  }
0xcd: {  	[tilespmem:s18], [sflag:$0x2] =	stream.indirect.gather [hbm4b:s5+s14], $0x8, s28, s14, $0xb8;
	[tilespmem:$0x145C0] =	vst v63  }
0xce: {  	s23 =	simm.s32 $0x6180  }
0xcf: {  	[tilespmem:s20], [sflag:$0x2] =	stream.indirect.gather [hbm4b:s5+s14], $0x8, s23, s14, $0xb8;
	[tilespmem:$0x145C0] =	vst v63  }
0xd0: {  	_ =	swait.ge [sflag:s0], $0x400  }
0xd1: {  	[sflag:s0] =	ssyncset.done $0x0  }
0xd2: {  	[sflag:s0] =	ssyncadd.s32 $0xFFFFFC00  }
0xd3: {  	_ =	swait.ge [sflag:s0], $0x400  }
0xd4: {  	[sflag:s0] =	ssyncset.done $0x0  }
0xd5: {  	s28 =	simm.s32 $0xC300;
	[sflag:s0] =	ssyncadd.s32 $0xFFFFFC00  }
0xd6: {  	[spmem:s3] =	stream.indirect.scatter.add.f32 [tilespmem:s18], [sflag:$0x9], $0x8, s28, s17, $0xb8;
	[tilespmem:$0x145C0] =	vst v63  }
0xd7: {  	_ =	swait.ge [sflag:s12], $0x800  }
0xd8: {  	s25 =	sadd.s32 $0x1, s25;
	[sflag:s12] =	ssyncset.done $0x0  }
0xd9: {  	p0 =	sne.s32 s25, s10;
	[sflag:s12] =	ssyncadd.s32 $0xFFFFF800  }
.Ltmp1:
0xda: {  	[bflag:$0x0] =	sbarrier.arrive $0xFFFF;
	(pc) =	sbr.rel @p0 .LBB2_1-.Ltmp1, $4  }
0xdb: {  	[hbm:s9], [sflag:s6] =	dma.local [spmem:s11], $0xC38  }
0xdc: {  	_ =	swait.ge [sflag:s12], $0xC38  }
0xdd: {  	[sflag:s12] =	ssyncset.done $0x0  }
0xde: {  	[sflag:s12] =	ssyncadd.s32 $0xFFFFF3C8  }
0xdf: {  	_ =	sfence.sel $0x180000  }
0xe0: {  	[bflag:$0x0] =	sbarrier.arrive $0xFFFF  }
0xe1: {  	_ =	strace $0x9000004D  }
0xe2: {  	s0 =	stileid.u32;
	[bflag:$0x2] =	sbarrier.arrive $0xFFFF  }
0xe3: {  	p0 =	sne.s32 s0, $0x0;
	s0 =	rddreg [dreg:$0x3]  }
0xe4: {  	s0 =	sadd.s32 @!p0 $0x100000, s0  }
0xe5: {  	[sflag:s0] =	ssyncadd.tile.s32 @!p0 $0x1;
	_ =	shalt  }
.Lfunc_end2:
_tile_overlayer_lowered:
.L_overlay_start_2:
0xe6: {  	(tag) =	ssettag $0x2  }
0xe7: {  	s0 =	rddreg [dreg:$0x0];
	s2 =	stileid.u32  }
0xe8: {  	s1 =	rddreg [dreg:$0x1];
	p0 =	sne.s32 s2, $0x0  }
0xe9: {  	s3 =	rddreg [dreg:$0x2];
	[bflag:$0x3] =	sbarrier.arrive $0xFFFF;
	s2 =	simm.s32 @!p0 $0x1C09  }
0xea: {  	[timem:s3], [sflag:s2] =	dma.local @!p0 [hbm:s0], s1  }
0xeb: {  	s0 =	simm.s32 @!p0 $0x9  }
0xec: {  	_ =	swait.ge @!p0 [sflag:s0], s1  }
0xed: {  	s1 =	ssub.s32 @!p0 $0x0, s1;
	[sflag:s0] =	ssyncset.done @!p0 $0x0  }
0xee: {  	[sflag:s0] =	ssyncadd.s32 @!p0 s1  }
0xef: {  	[bflag:$0x3] =	sbarrier.arrive $0xFFFF  }
0xf0: {  	_ =	shalt  }

// kernel: kernel.8.cloned.1.call-start
scs
__scs_entry_jumppad:
0x0: {  	(pc) =	sbr.rel $0x88, $3  }
0x1: {  	(tag) =	ssettag $0x0;
	lr =	simm.s32 $0x1  }
0x2: {  	[smem:$0x3F9B] =	sst lr;
	_ =	strace $0xD0000000  }
0x3: {  	_ = 	snop  }
0x4: {  	_ = 	snop  }
0x5: {  	_ = 	snop  }
0x6: {  	_ = 	snop  }
0x7: {  	_ = 	snop  }
__scs_overlays_trampoline_lowered:
0x8: {  	[smem:$0x3FAA] =	sst s0  }
0x9: {  	[smem:$0x3FAB] =	sst s1  }
0xa: {  	[smem:$0x3FAC] =	sst s2  }
0xb: {  	[smem:$0x3FAD] =	sst s3  }
0xc: {  	[smem:$0x3FAE] =	sst s4  }
0xd: {  	[smem:$0x3FAF] =	sst s5  }
0xe: {  	[smem:$0x3FB0] =	sst s6  }
0xf: {  	[smem:$0x3FB1] =	sst s7  }
0x10: {  	[smem:$0x3FB2] =	sst s8  }
0x11: {  	[smem:$0x3FB3] =	sst s9;
	s0 =	simm.s32 @!p0 $0x0  }
0x12: {  	s1 =	sld [smem:$0x3F99];
	s0 =	simm.s32 @p0 $0x1  }
0x13: {  	[smem:$0x3FB4] =	sst s0;
	s0 =	simm.s32 @!p1 $0x0  }
0x14: {  	s2 =	sld [smem:$0x3F98];
	s0 =	simm.s32 @p1 $0x1  }
0x15: {  	[smem:$0x3FB5] =	sst s0;
	s0 =	simm.s32 @!p2 $0x0  }
0x16: {  	s3 =	sld [smem:$0x3FDB];
	s0 =	simm.s32 @p2 $0x1  }
0x17: {  	s4 =	simm.s32 $0x1BF5;
	[smem:$0x3FB7] =	sst s0  }
0x18: {  	s0 =	sld [smem:$0x3F9A];
	_ =	swait.ge [sflag:s4], $0x0  }
0x19: {  	s7 =	sld [smem:$0x3F9B]  }
0x1a: {  	s8 =	sadd.s32 $0xFFFFE003, lr  }
0x1b: {  	s9 =	sadd.s32 $0xFFFFFEF7, lr;
	s5 =	simm.s32 $0xFFFFFFFF;
	p2 =	slt.u32 s8, $0xFFFFF086  }
0x1c: {  	p1 =	slt.u32 s9, $0xF7A;
	s5 =	simm.s32 @!p2 $0x0  }
0x1d: {  	s5 =	simm.s32 @p1 $0x1;
	p0 =	seq.s32 s7, s2  }
0x1e: {  	s7 =	smul.u32 @!p0 $0xF7A, s2;
	p2 =	seq.s32 @!p0 s5, $0x0  }
0x1f: {  	s9 =	smul.u32 $0xF7A, s1;
	s8 =	simm.s32 @!p0 $0x1BF5;
	p2 =	por !p2, p0  }
0x20: {  	[sflag:s8] =	ssyncset.s32 @!p0 $0xFFFFF086;
	s6 =	sadd.s32 @!p0 s3, s7;
	s7 =	simm.s32 @!p0 $0x108  }
0x21: {  	s3 =	sadd.s32 s3, s9;
	s6 =	sadd.s32 @!p0 $0x88, s6;
	s7 =	simm.s32 @p2 $0x1082  }
0x22: {  	[simem:s7], [sflag:s8] =	dma.local @!p0 [hbm:s6], $0xF7A  }
0x23: {  	s9 =	sor.u32 $0xD0000000, s2;
	s6 =	simm.s32 $0x108;
	_ =	swait.ge @!p0 [sflag:s8], $0x0  }
0x24: {  	s3 =	sadd.s32 $0x88, s3;
	s6 =	simm.s32 @!p1 $0x1082;
	[sflag:s4] =	ssyncset.s32 $0xFFFFF086  }
0x25: {  	[simem:s6], [sflag:s4] =	dma.local [hbm:s3], $0xF7A  }
0x26: {  	[smem:$0x3F9B] =	sst s1;
	(tag) =	ssettag s2;
	_ =	strace s9  }
0x27: {  	s1 =	sld [smem:$0x3FAB]  }
0x28: {  	s2 =	sld [smem:$0x3FAC]  }
0x29: {  	s4 =	sld [smem:$0x3FAE]  }
0x2a: {  	p0 =	seq.s32 s5, $0x0;
	s5 =	sld [smem:$0x3FAF]  }
0x2b: {  	s6 =	sld [smem:$0x3FB0]  }
0x2c: {  	s7 =	sld [smem:$0x3FB1]  }
0x2d: {  	s3 =	simm.s32 $0x108;
	s8 =	sld [smem:$0x3FB2]  }
0x2e: {  	s3 =	simm.s32 @!p0 $0x1082;
	s9 =	sld [smem:$0x3FB3]  }
0x2f: {  	lr =	sadd.s32 s0, s3;
	s0 =	sld [smem:$0x3FAA]  }
0x30: {  	s3 =	sld [smem:$0x3FAD]  }
0x31: {  	[smem:$0x3FB6] =	sst s10  }
0x32: {  	s10 =	sld [smem:$0x3FB4];
	_ =	sdelay $0x3  }
0x33: {  	p0 =	seq.s32 s10, $0x1;
	s10 =	sld [smem:$0x3FB6];
	_ =	sdelay $0x3  }
0x34: {  	[smem:$0x3FB6] =	sst s10  }
0x35: {  	s10 =	sld [smem:$0x3FB5];
	_ =	sdelay $0x3  }
0x36: {  	p1 =	seq.s32 s10, $0x1;
	s10 =	sld [smem:$0x3FB6];
	_ =	sdelay $0x3  }
0x37: {  	[smem:$0x3FB6] =	sst s10  }
0x38: {  	s10 =	sld [smem:$0x3FB7]  }
0x39: {  	_ = 	snop;
	(pc) =	sbr.ind lr, $3  }
0x3a: {  	_ = 	snop  }
0x3b: {  	_ = 	snop  }
0x3c: {  	p2 =	seq.s32 s10, $0x1;
	s10 =	sld [smem:$0x3FB6]  }
0x3d: {  	_ =	shalt  }
0x3e: {  	_ =	shalt  }
0x3f: {  	_ =	shalt  }
0x40: {  	_ =	shalt  }
0x41: {  	_ =	shalt  }
0x42: {  	_ =	shalt  }
0x43: {  	_ =	shalt  }
0x44: {  	_ =	shalt  }
0x45: {  	_ =	shalt  }
0x46: {  	_ =	shalt  }
0x47: {  	_ =	shalt  }
0x48: {  	_ =	shalt  }
0x49: {  	_ =	shalt  }
0x4a: {  	_ =	shalt  }
0x4b: {  	_ =	shalt  }
0x4c: {  	_ =	shalt  }
0x4d: {  	_ =	shalt  }
0x4e: {  	_ =	shalt  }
0x4f: {  	_ =	shalt  }
0x50: {  	_ =	shalt  }
0x51: {  	_ =	shalt  }
0x52: {  	_ =	shalt  }
0x53: {  	_ =	shalt  }
0x54: {  	_ =	shalt  }
0x55: {  	_ =	shalt  }
0x56: {  	_ =	shalt  }
0x57: {  	_ =	shalt  }
0x58: {  	_ =	shalt  }
0x59: {  	_ =	shalt  }
0x5a: {  	_ =	shalt  }
0x5b: {  	_ =	shalt  }
0x5c: {  	_ =	shalt  }
0x5d: {  	_ =	shalt  }
0x5e: {  	_ =	shalt  }
0x5f: {  	_ =	shalt  }
0x60: {  	_ =	shalt  }
0x61: {  	_ =	shalt  }
0x62: {  	_ =	shalt  }
0x63: {  	_ =	shalt  }
0x64: {  	_ =	shalt  }
0x65: {  	_ =	shalt  }
0x66: {  	_ =	shalt  }
0x67: {  	_ =	shalt  }
0x68: {  	_ =	shalt  }
0x69: {  	_ =	shalt  }
0x6a: {  	_ =	shalt  }
0x6b: {  	_ =	shalt  }
0x6c: {  	_ =	shalt  }
0x6d: {  	_ =	shalt  }
0x6e: {  	_ =	shalt  }
0x6f: {  	_ =	shalt  }
0x70: {  	_ =	shalt  }
0x71: {  	_ =	shalt  }
0x72: {  	_ =	shalt  }
0x73: {  	_ =	shalt  }
0x74: {  	_ =	shalt  }
0x75: {  	_ =	shalt  }
0x76: {  	_ =	shalt  }
0x77: {  	_ =	shalt  }
0x78: {  	_ =	shalt  }
0x79: {  	_ =	shalt  }
0x7a: {  	_ =	shalt  }
0x7b: {  	_ =	shalt  }
0x7c: {  	_ =	shalt  }
0x7d: {  	_ =	shalt  }
0x7e: {  	_ =	shalt  }
0x7f: {  	_ =	shalt  }
0x80: {  	_ =	shalt  }
0x81: {  	_ =	shalt  }
0x82: {  	_ =	shalt  }
0x83: {  	_ =	shalt  }
0x84: {  	_ =	shalt  }
0x85: {  	_ =	shalt  }
0x86: {  	_ =	shalt  }
0x87: {  	_ =	shalt  }
.Lfunc_end0:
.L_simem_size_0:
called_computation_lowered:
.L_overlay_start_0:
0x88: {  	s2 =	sld [smem:$0x3FD9]  }
0x89: {  	s3 =	sld [smem:$0x3FFE];
	_ =	sdelay $0x1  }
0x8a: {  	s1 =	srdreg.scid  }
0x8b: {  	s0 =	sand.u32 $0x1, s1  }
0x8c: {  	s17 =	sshll.u32 s0, $0xA;
	s2 =	sadd.s32 s3, s2  }
0x8d: {  	s2 =	sadd.s32 s2, s17  }
0x8e: {  	[smem:$0x3FC2] =	sst s2  }
0x8f: {  	_ = 	snop  }
0x90: {  	s2 =	sld [smem:$0x3FD0];
	(tm) =	ssettm $0x1  }
0x91: {  	s18 =	sld [smem:$0x3FFB];
	_ =	sdelay $0x3  }
0x92: {  	_ =	strace s18  }
0x93: {  	s3 =	sld [smem:$0x3FFC];
	_ =	sdelay $0x3  }
0x94: {  	_ =	strace s3  }
0x95: {  	s3 =	sld [smem:$0x3FFD];
	_ =	sdelay $0x3  }
0x96: {  	_ =	strace s3  }
0x97: {  	_ =	strace $0x8FFFFFFF  }
0x98: {  	s19 =	sld [smem:$0x3FDB];
	_ =	sdelay $0x1  }
0x99: {  	s4 =	simm.s32 $_scs_section_size  }
0x9a: {  	s5 =	simm.s32 $_size__tile_overlayer_lowered;
	s6 =	simm.s32 $_tile_overlayer_lowered  }
0x9b: {  	s22 =	simm.s32 $0x1BFF;
	s21 =	sshll.u32 s6, $0x1;
	s3 =	sadd.s32 s4, s19  }
0x9c: {  	s7 =	simm.s32 $0x0;
	s20 =	sshll.u32 s5, $0x1;
	s5 =	sadd.s32 s21, s3  }
0x9d: {  	[timem:s7], [sflag:s22] =	dma.local [hbm:s5], s20  }
0x9e: {  	_ =	swait.ge [sflag:s22], s20  }
0x9f: {  	s4 =	ssub.s32 $0x0, s20;
	[sflag:s22] =	ssyncset.done $0x0  }
0xa0: {  	[sflag:s22] =	ssyncadd.s32 s4;
	_ =	sdelay $0x1  }
0xa1: {  	s23 =	simm.s32 $0x1B8B  }
0xa2: {  	_ =	swait.ge [sflag:s23], $0x1  }
0xa3: {  	[sflag:s23] =	ssyncset.done $0x0  }
0xa4: {  	s25 =	simm.s32 $0x1B8E;
	s24 =	sld [smem:$0x3FFE];
	[sflag:s23] =	ssyncadd.s32 $0xFFFFFFFF  }
0xa5: {  	s26 =	simm.s32 $execute0_lowered;
	[smem:$0x3FD2] =	sst s25  }
0xa6: {  	s5 =	sshll.u32 s26, $0x1;
	_ =	strace $0x80000046;
	[dreg:$0x1] =	wrdreg $0xFFFFFFFF  }
0xa7: {  	s28 =	simm.s32 $_size_execute0_lowered;
	s3 =	sadd.s32 s3, s5;
	[dreg:$0x0] =	wrdreg $0x0  }
0xa8: {  	s5 =	sshll.u32 s28, $0x1;
	[dreg:$0x2] =	wrdreg s3  }
0xa9: {  	[dreg:$0x3] =	wrdreg s5  }
0xaa: {  	[dreg:$0x4] =	wrdreg $0xC0  }
0xab: {  	_ =	task [dreg:s7], $0x5FFFF  }
0xac: {  	[dreg:$0x1] =	wrdreg $0xFFFFFFFF  }
0xad: {  	[dreg:$0x0] =	wrdreg $0x60  }
0xae: {  	[dreg:$0x2] =	wrdreg s24  }
0xaf: {  	[dreg:$0x3] =	wrdreg s2  }
0xb0: {  	[dreg:$0x4] =	wrdreg $0x2E000  }
0xb1: {  	[dreg:$0x5] =	wrdreg $0x9  }
0xb2: {  	_ =	task.clear_ibuf [dreg:s7], $0x6FFFF;
	_ =	strace $0x90000046  }
0xb3: {  	s29 =	simm.s32 $0x9;
	_ =	strace $0x80000048  }
0xb4: {  	_ =	swait.ge [sflag:s29], $0x1  }
0xb5: {  	[sflag:s29] =	ssyncadd.s32 $0xFFFFFFFF  }
0xb6: {  	_ =	strace $0x90000048  }
0xb7: {  	_ =	sfence  }
0xb8: {  	s30 =	sld [smem:$0x0];
	_ =	sdelay $0x2  }
0xb9: {  	s31 =	sshll.u32 s1, $0xD;
	s1 =	sshrl.u32 s1, $0x2  }
0xba: {  	s3 =	sand.u32 $0x4000, s31;
	s1 =	sadd.s32 s1, s30  }
0xbb: {  	s0 =	sor.u32 s3, s0;
	s1 =	sshll.u32 s1, $0x11  }
0xbc: {  	s0 =	sor.u32 s1, s0  }
0xbd: {  	s0 =	sadd.s32 $0x8F2B, s0  }
0xbe: {  	[sflag:s0] =	ssyncadd.remote.s32 $0x1  }
0xbf: {  	_ =	sfence.sel $0xFFFF  }
0xc0: {  	[dreg:$0x0] =	wrdreg $0xFFFFFFFF;
	(pc) =	sbr.abs _section_cstart, $3  }
0xc1: {  	[dreg:$0x1] =	wrdreg $0xFFFFFFFF  }
0xc2: {  	_ =	task.clear_ibuf [dreg:s7], $0x2FFFF;
	_ =	strace $0x9FFFFFFF  }
0xc3: {  	(tm) =	ssettm $0x7FFFFFFF  }
tec
execute0_lowered:
.L_overlay_start_1:
0x0: {  	(tag) =	ssettag $0x1  }
0x1: {  	s0 =	rddreg [dreg:$0x0];
	s1 =	srdreg.scid  }
0x2: {  	s3 =	rddreg [dreg:$0x2];
	s5 =	stileid.u32  }
0x3: {  	s4 =	simm.s32 $0x0;
	s11 =	simm.s32 $0x5;
	s12 =	simm.s32 $0xE00  }
0x4: {  	s13 =	simm.s32 $0x100;
	s14 =	simm.s32 $0x200;
	s15 =	simm.s32 $0x300  }
0x5: {  	s16 =	simm.s32 $0x1;
	s17 =	simm.s32 $0x400;
	s18 =	simm.s32 $0x2  }
0x6: {  	s19 =	simm.s32 $0x500;
	s20 =	simm.s32 $0x3;
	s21 =	simm.s32 $0x600  }
0x7: {  	s22 =	simm.s32 $0x4;
	s23 =	simm.s32 $0x700;
	s24 =	simm.s32 $0x800  }
0x8: {  	s28 =	simm.s32 $0xB00;
	s29 =	simm.s32 $0xC00;
	s6 =	smul.u32 $0x18700, s5  }
0x9: {  	s30 =	simm.s32 $0xD00;
	s1 =	sand.u32 $0x1, s1;
	s9 =	smul.u32 $0xC40, s5  }
0xa: {  	s31 =	simm.s32 $0x0;
	[smem:$0x7FF] =	sst s4;
	s2 =	smul.u32 $0xC400, s1  }
0xb: {  	s8 =	sadd.s32 $0x19800, s0;
	s26 =	sshll.u32 s5, $0x6;
	s7 =	smul.u32 $0x187000, s1  }
0xc: {  	_ =	strace $0x80000047;
	[dreg:$0x4] =	wrdreg s8;
	s1 =	ssub.s32 $0x2, s1  }
0xd: {  	s25 =	sshrl.u32 s1, $0x1;
	s10 =	sadd.s32 s6, s3;
	s2 =	sadd.s32 s2, s0  }
0xe: {  	s7 =	sadd.s32 s6, s7;
	s1 =	ssub.s32 s1, s25;
	s6 =	sor.u32 $0x1C05, s26  }
0xf: {  	s10 =	sshrl.u32 s10, $0x3;
	s25 =	simm.s32 $0x900;
	s7 =	sshrl.u32 s7, $0x3  }
0x10: {  	s26 =	simm.s32 $0xA00;
	s2 =	sadd.s32 s9, s2;
	s0 =	sadd.s32 s7, s0  }
0x11: {  	s8 =	smax.u32 s1, $0x1;
	s9 =	sadd.s32 $0x1000, s2;
	s7 =	sadd.s32 $0x1CA00, s0  }
.LBB2_1:
0x12: {  	s0 =	rddreg [dreg:$0x4]  }
0x13: {  	[spmem:s10], [sflag:s6] =	dma.local [hbm:s0], $0x30E0  }
0x14: {  	_ =	swait.ge [sflag:s11], $0x30E0  }
0x15: {  	[sflag:s11] =	ssyncset.done $0x0  }
0x16: {  	[sflag:s11] =	ssyncadd.s32 $0xFFFFCF20  }
0x17: {  	s2 =	rddreg [dreg:$0x1]  }
0x18: {  	[tilespmem:s12], [sflag:$0x5] =	stream.linear.gather [hbm4b:s2+s4], $0x2000, $0x38;
	[tilespmem:$0x1B500] =	vst v63  }
0x19: {  	_ =	swait.ge [sflag:s11], $0x2000  }
0x1a: {  	[sflag:s11] =	ssyncset.done $0x0  }
0x1b: {  	[sflag:s11] =	ssyncadd.s32 $0xFFFFE000  }
0x1c: {  	s5 =	sadd.s32 $0x0, s9;
	[bflag:$0x0] =	sbarrier.arrive $0xFFFF  }
0x1d: {  	[tilespmem:s4], [sflag:$0x5] =	stream.linear.gather [hbm4b:s5+s4], $0xE00, $0x38;
	[tilespmem:$0x1B500] =	vst v63  }
0x1e: {  	_ =	swait.ge [sflag:s11], $0xE00  }
0x1f: {  	[sflag:s11] =	ssyncset.done $0x0  }
0x20: {  	[sflag:s11] =	ssyncadd.s32 $0xFFFFF200  }
0x21: {  	[spmem:s3] =	stream.indirect.scatter.add.f32 [tilespmem:s12], [sflag:$0x1], $0x20, s4, s13, $0xb8;
	[tilespmem:$0x1B500] =	vst v63  }
0x22: {  	_ = 	snop  }
0x23: {  	[spmem:s3] =	stream.indirect.scatter.add.f32 [tilespmem:s12], [sflag:$0x2], $0x20, s13, s13, $0xb8;
	[tilespmem:$0x1B500] =	vst v63  }
0x24: {  	_ = 	snop  }
0x25: {  	[spmem:s3] =	stream.indirect.scatter.add.f32 [tilespmem:s12], [sflag:$0x3], $0x20, s14, s13, $0xb8;
	[tilespmem:$0x1B500] =	vst v63  }
0x26: {  	_ = 	snop  }
0x27: {  	[spmem:s3] =	stream.indirect.scatter.add.f32 [tilespmem:s12], [sflag:$0x4], $0x20, s15, s13, $0xb8;
	[tilespmem:$0x1B500] =	vst v63  }
0x28: {  	_ =	swait.ge [sflag:s16], $0x2000  }
0x29: {  	[sflag:s16] =	ssyncset.done $0x0  }
0x2a: {  	[sflag:s16] =	ssyncadd.s32 $0xFFFFE000  }
0x2b: {  	[spmem:s3] =	stream.indirect.scatter.add.f32 [tilespmem:s12], [sflag:$0x1], $0x20, s17, s13, $0xb8;
	[tilespmem:$0x1B500] =	vst v63  }
0x2c: {  	_ =	swait.ge [sflag:s18], $0x2000  }
0x2d: {  	[sflag:s18] =	ssyncset.done $0x0  }
0x2e: {  	[sflag:s18] =	ssyncadd.s32 $0xFFFFE000  }
0x2f: {  	[spmem:s3] =	stream.indirect.scatter.add.f32 [tilespmem:s12], [sflag:$0x2], $0x20, s19, s13, $0xb8;
	[tilespmem:$0x1B500] =	vst v63  }
0x30: {  	_ =	swait.ge [sflag:s20], $0x2000  }
0x31: {  	[sflag:s20] =	ssyncset.done $0x0  }
0x32: {  	[sflag:s20] =	ssyncadd.s32 $0xFFFFE000  }
0x33: {  	[spmem:s3] =	stream.indirect.scatter.add.f32 [tilespmem:s12], [sflag:$0x3], $0x20, s21, s13, $0xb8;
	[tilespmem:$0x1B500] =	vst v63  }
0x34: {  	_ =	swait.ge [sflag:s22], $0x2000  }
0x35: {  	[sflag:s22] =	ssyncset.done $0x0  }
0x36: {  	[sflag:s22] =	ssyncadd.s32 $0xFFFFE000  }
0x37: {  	[spmem:s3] =	stream.indirect.scatter.add.f32 [tilespmem:s12], [sflag:$0x4], $0x20, s23, s13, $0xb8;
	[tilespmem:$0x1B500] =	vst v63  }
0x38: {  	_ =	swait.ge [sflag:s16], $0x2000  }
0x39: {  	[sflag:s16] =	ssyncset.done $0x0  }
0x3a: {  	[sflag:s16] =	ssyncadd.s32 $0xFFFFE000  }
0x3b: {  	[spmem:s3] =	stream.indirect.scatter.add.f32 [tilespmem:s12], [sflag:$0x1], $0x20, s24, s13, $0xb8;
	[tilespmem:$0x1B500] =	vst v63  }
0x3c: {  	_ =	swait.ge [sflag:s18], $0x2000  }
0x3d: {  	[sflag:s18] =	ssyncset.done $0x0  }
0x3e: {  	[sflag:s18] =	ssyncadd.s32 $0xFFFFE000  }
0x3f: {  	[spmem:s3] =	stream.indirect.scatter.add.f32 [tilespmem:s12], [sflag:$0x2], $0x20, s25, s13, $0xb8;
	[tilespmem:$0x1B500] =	vst v63  }
0x40: {  	_ =	swait.ge [sflag:s20], $0x2000  }
0x41: {  	[sflag:s20] =	ssyncset.done $0x0  }
0x42: {  	[sflag:s20] =	ssyncadd.s32 $0xFFFFE000  }
0x43: {  	[spmem:s3] =	stream.indirect.scatter.add.f32 [tilespmem:s12], [sflag:$0x3], $0x20, s26, s13, $0xb8;
	[tilespmem:$0x1B500] =	vst v63  }
0x44: {  	_ =	swait.ge [sflag:s22], $0x2000  }
0x45: {  	[sflag:s22] =	ssyncset.done $0x0  }
0x46: {  	[sflag:s22] =	ssyncadd.s32 $0xFFFFE000  }
0x47: {  	[spmem:s3] =	stream.indirect.scatter.add.f32 [tilespmem:s12], [sflag:$0x4], $0x20, s28, s13, $0xb8;
	[tilespmem:$0x1B500] =	vst v63  }
0x48: {  	_ =	swait.ge [sflag:s16], $0x2000  }
0x49: {  	[sflag:s16] =	ssyncset.done $0x0  }
0x4a: {  	[sflag:s16] =	ssyncadd.s32 $0xFFFFE000  }
0x4b: {  	_ =	swait.ge [sflag:s18], $0x2000  }
0x4c: {  	[sflag:s18] =	ssyncset.done $0x0  }
0x4d: {  	[sflag:s18] =	ssyncadd.s32 $0xFFFFE000  }
0x4e: {  	_ =	swait.ge [sflag:s20], $0x2000  }
0x4f: {  	[sflag:s20] =	ssyncset.done $0x0  }
0x50: {  	[sflag:s20] =	ssyncadd.s32 $0xFFFFE000  }
0x51: {  	_ =	swait.ge [sflag:s22], $0x2000  }
0x52: {  	[sflag:s22] =	ssyncset.done $0x0  }
0x53: {  	[sflag:s22] =	ssyncadd.s32 $0xFFFFE000  }
0x54: {  	[spmem:s3] =	stream.indirect.scatter.add.f32 [tilespmem:s12], [sflag:$0x5], $0x20, s29, s13, $0xb8;
	[tilespmem:$0x1B500] =	vst v63  }
0x55: {  	_ =	swait.ge [sflag:s11], $0x2000  }
0x56: {  	[sflag:s11] =	ssyncset.done $0x0  }
0x57: {  	[sflag:s11] =	ssyncadd.s32 $0xFFFFE000  }
0x58: {  	[spmem:s3] =	stream.indirect.scatter.add.f32 [tilespmem:s12], [sflag:$0x5], $0x20, s30, s13, $0xb8;
	[tilespmem:$0x1B500] =	vst v63  }
0x59: {  	_ =	swait.ge [sflag:s11], $0x2000  }
0x5a: {  	s0 =	simm.s32 $0x1C0;
	s2 =	simm.s32 $0x380;
	[sflag:s11] =	ssyncset.done $0x0  }
.LBB2_2:
0x5b: {  	s5 =	sadd.s32 s0, s9  }
0x5c: {  	[sflag:s11] =	ssyncadd.s32 $0xFFFFE000;
	s0 =	smov.u32 s2;
	s1 =	sadd.s32 $0x1C0, s2  }
0x5d: {  	[tilespmem:s4], [sflag:$0x5] =	stream.linear.gather [hbm4b:s5+s4], $0xE00, $0x38;
	[tilespmem:$0x1B500] =	vst v63  }
0x5e: {  	p0 =	sne.s32 s2, $0xA80;
	_ =	swait.ge [sflag:s11], $0xE00  }
0x5f: {  	[sflag:s11] =	ssyncset.done $0x0  }
0x60: {  	[sflag:s11] =	ssyncadd.s32 $0xFFFFF200  }
0x61: {  	[spmem:s3] =	stream.indirect.scatter.add.f32 [tilespmem:s12], [sflag:$0x1], $0x20, s4, s13, $0xb8;
	[tilespmem:$0x1B500] =	vst v63  }
0x62: {  	_ = 	snop  }
0x63: {  	[spmem:s3] =	stream.indirect.scatter.add.f32 [tilespmem:s12], [sflag:$0x2], $0x20, s13, s13, $0xb8;
	[tilespmem:$0x1B500] =	vst v63  }
0x64: {  	_ = 	snop  }
0x65: {  	[spmem:s3] =	stream.indirect.scatter.add.f32 [tilespmem:s12], [sflag:$0x3], $0x20, s14, s13, $0xb8;
	[tilespmem:$0x1B500] =	vst v63  }
0x66: {  	_ = 	snop  }
0x67: {  	[spmem:s3] =	stream.indirect.scatter.add.f32 [tilespmem:s12], [sflag:$0x4], $0x20, s15, s13, $0xb8;
	[tilespmem:$0x1B500] =	vst v63  }
0x68: {  	_ =	swait.ge [sflag:s16], $0x2000  }
0x69: {  	[sflag:s16] =	ssyncset.done $0x0  }
0x6a: {  	[sflag:s16] =	ssyncadd.s32 $0xFFFFE000  }
0x6b: {  	[spmem:s3] =	stream.indirect.scatter.add.f32 [tilespmem:s12], [sflag:$0x1], $0x20, s17, s13, $0xb8;
	[tilespmem:$0x1B500] =	vst v63  }
0x6c: {  	_ =	swait.ge [sflag:s18], $0x2000  }
0x6d: {  	[sflag:s18] =	ssyncset.done $0x0  }
0x6e: {  	[sflag:s18] =	ssyncadd.s32 $0xFFFFE000  }
0x6f: {  	[spmem:s3] =	stream.indirect.scatter.add.f32 [tilespmem:s12], [sflag:$0x2], $0x20, s19, s13, $0xb8;
	[tilespmem:$0x1B500] =	vst v63  }
0x70: {  	_ =	swait.ge [sflag:s20], $0x2000  }
0x71: {  	[sflag:s20] =	ssyncset.done $0x0  }
0x72: {  	[sflag:s20] =	ssyncadd.s32 $0xFFFFE000  }
0x73: {  	[spmem:s3] =	stream.indirect.scatter.add.f32 [tilespmem:s12], [sflag:$0x3], $0x20, s21, s13, $0xb8;
	[tilespmem:$0x1B500] =	vst v63  }
0x74: {  	_ =	swait.ge [sflag:s22], $0x2000  }
0x75: {  	[sflag:s22] =	ssyncset.done $0x0  }
0x76: {  	[sflag:s22] =	ssyncadd.s32 $0xFFFFE000  }
0x77: {  	[spmem:s3] =	stream.indirect.scatter.add.f32 [tilespmem:s12], [sflag:$0x4], $0x20, s23, s13, $0xb8;
	[tilespmem:$0x1B500] =	vst v63  }
0x78: {  	_ =	swait.ge [sflag:s16], $0x2000  }
0x79: {  	[sflag:s16] =	ssyncset.done $0x0  }
0x7a: {  	[sflag:s16] =	ssyncadd.s32 $0xFFFFE000  }
0x7b: {  	[spmem:s3] =	stream.indirect.scatter.add.f32 [tilespmem:s12], [sflag:$0x1], $0x20, s24, s13, $0xb8;
	[tilespmem:$0x1B500] =	vst v63  }
0x7c: {  	_ =	swait.ge [sflag:s18], $0x2000  }
0x7d: {  	[sflag:s18] =	ssyncset.done $0x0  }
0x7e: {  	[sflag:s18] =	ssyncadd.s32 $0xFFFFE000  }
0x7f: {  	[spmem:s3] =	stream.indirect.scatter.add.f32 [tilespmem:s12], [sflag:$0x2], $0x20, s25, s13, $0xb8;
	[tilespmem:$0x1B500] =	vst v63  }
0x80: {  	_ =	swait.ge [sflag:s20], $0x2000  }
0x81: {  	[sflag:s20] =	ssyncset.done $0x0  }
0x82: {  	[sflag:s20] =	ssyncadd.s32 $0xFFFFE000  }
0x83: {  	[spmem:s3] =	stream.indirect.scatter.add.f32 [tilespmem:s12], [sflag:$0x3], $0x20, s26, s13, $0xb8;
	[tilespmem:$0x1B500] =	vst v63  }
0x84: {  	_ =	swait.ge [sflag:s22], $0x2000  }
0x85: {  	[sflag:s22] =	ssyncset.done $0x0  }
0x86: {  	[sflag:s22] =	ssyncadd.s32 $0xFFFFE000  }
0x87: {  	[spmem:s3] =	stream.indirect.scatter.add.f32 [tilespmem:s12], [sflag:$0x4], $0x20, s28, s13, $0xb8;
	[tilespmem:$0x1B500] =	vst v63  }
0x88: {  	_ =	swait.ge [sflag:s16], $0x2000  }
0x89: {  	[sflag:s16] =	ssyncset.done $0x0  }
0x8a: {  	[sflag:s16] =	ssyncadd.s32 $0xFFFFE000  }
0x8b: {  	_ =	swait.ge [sflag:s18], $0x2000  }
0x8c: {  	[sflag:s18] =	ssyncset.done $0x0  }
0x8d: {  	[sflag:s18] =	ssyncadd.s32 $0xFFFFE000  }
0x8e: {  	_ =	swait.ge [sflag:s20], $0x2000  }
0x8f: {  	[sflag:s20] =	ssyncset.done $0x0  }
0x90: {  	[sflag:s20] =	ssyncadd.s32 $0xFFFFE000  }
0x91: {  	_ =	swait.ge [sflag:s22], $0x2000  }
0x92: {  	[sflag:s22] =	ssyncset.done $0x0  }
0x93: {  	[sflag:s22] =	ssyncadd.s32 $0xFFFFE000  }
0x94: {  	[spmem:s3] =	stream.indirect.scatter.add.f32 [tilespmem:s12], [sflag:$0x5], $0x20, s29, s13, $0xb8;
	[tilespmem:$0x1B500] =	vst v63  }
0x95: {  	_ =	swait.ge [sflag:s11], $0x2000  }
.Ltmp0:
0x96: {  	[sflag:s11] =	ssyncset.done $0x0;
	(pc) =	sbr.rel @p0 .LBB2_2-.Ltmp0, $4  }
0x97: {  	[sflag:s11] =	ssyncadd.s32 $0xFFFFE000  }
0x98: {  	[spmem:s3] =	stream.indirect.scatter.add.f32 [tilespmem:s12], [sflag:$0x5], $0x20, s30, s13, $0xb8;
	[tilespmem:$0x1B500] =	vst v63  }
0x99: {  	_ =	swait.ge [sflag:s11], $0x2000  }
0x9a: {  	s2 =	smov.u32 s1;
	[sflag:s11] =	ssyncset.done $0x0  }
0x9b: {  	s0 =	sadd.s32 s0, s9;
	[sflag:s11] =	ssyncadd.s32 $0xFFFFE000  }
0x9c: {  	[tilespmem:s4], [sflag:$0x5] =	stream.linear.gather [hbm4b:s0+s4], $0xE00, $0x38;
	[tilespmem:$0x1B500] =	vst v63  }
0x9d: {  	_ =	swait.ge [sflag:s11], $0xE00  }
0x9e: {  	[sflag:s11] =	ssyncset.done $0x0  }
0x9f: {  	[sflag:s11] =	ssyncadd.s32 $0xFFFFF200  }
0xa0: {  	[spmem:s3] =	stream.indirect.scatter.add.f32 [tilespmem:s12], [sflag:$0x1], $0x20, s4, s13, $0xb8;
	[tilespmem:$0x1B500] =	vst v63  }
0xa1: {  	_ = 	snop  }
0xa2: {  	[spmem:s3] =	stream.indirect.scatter.add.f32 [tilespmem:s12], [sflag:$0x2], $0x20, s13, s13, $0xb8;
	[tilespmem:$0x1B500] =	vst v63  }
0xa3: {  	_ = 	snop  }
0xa4: {  	[spmem:s3] =	stream.indirect.scatter.add.f32 [tilespmem:s12], [sflag:$0x3], $0x20, s14, s13, $0xb8;
	[tilespmem:$0x1B500] =	vst v63  }
0xa5: {  	_ = 	snop  }
0xa6: {  	[spmem:s3] =	stream.indirect.scatter.add.f32 [tilespmem:s12], [sflag:$0x4], $0x20, s15, s13, $0xb8;
	[tilespmem:$0x1B500] =	vst v63  }
0xa7: {  	_ =	swait.ge [sflag:s16], $0x2000  }
0xa8: {  	[sflag:s16] =	ssyncset.done $0x0  }
0xa9: {  	[sflag:s16] =	ssyncadd.s32 $0xFFFFE000  }
0xaa: {  	[spmem:s3] =	stream.indirect.scatter.add.f32 [tilespmem:s12], [sflag:$0x1], $0x20, s17, s13, $0xb8;
	[tilespmem:$0x1B500] =	vst v63  }
0xab: {  	_ =	swait.ge [sflag:s18], $0x2000  }
0xac: {  	[sflag:s18] =	ssyncset.done $0x0  }
0xad: {  	[sflag:s18] =	ssyncadd.s32 $0xFFFFE000  }
0xae: {  	[spmem:s3] =	stream.indirect.scatter.add.f32 [tilespmem:s12], [sflag:$0x2], $0x20, s19, s13, $0xb8;
	[tilespmem:$0x1B500] =	vst v63  }
0xaf: {  	_ =	swait.ge [sflag:s20], $0x2000  }
0xb0: {  	[sflag:s20] =	ssyncset.done $0x0  }
0xb1: {  	[sflag:s20] =	ssyncadd.s32 $0xFFFFE000  }
0xb2: {  	[spmem:s3] =	stream.indirect.scatter.add.f32 [tilespmem:s12], [sflag:$0x3], $0x20, s21, s13, $0xb8;
	[tilespmem:$0x1B500] =	vst v63  }
0xb3: {  	_ =	swait.ge [sflag:s22], $0x2000  }
0xb4: {  	[sflag:s22] =	ssyncset.done $0x0  }
0xb5: {  	[sflag:s22] =	ssyncadd.s32 $0xFFFFE000  }
0xb6: {  	[spmem:s3] =	stream.indirect.scatter.add.f32 [tilespmem:s12], [sflag:$0x4], $0x20, s23, s13, $0xb8;
	[tilespmem:$0x1B500] =	vst v63  }
0xb7: {  	_ =	swait.ge [sflag:s16], $0x2000  }
0xb8: {  	[sflag:s16] =	ssyncset.done $0x0  }
0xb9: {  	[sflag:s16] =	ssyncadd.s32 $0xFFFFE000  }
0xba: {  	[spmem:s3] =	stream.indirect.scatter.add.f32 [tilespmem:s12], [sflag:$0x1], $0x20, s24, s13, $0xb8;
	[tilespmem:$0x1B500] =	vst v63  }
0xbb: {  	_ =	swait.ge [sflag:s18], $0x2000  }
0xbc: {  	[sflag:s18] =	ssyncset.done $0x0  }
0xbd: {  	[sflag:s18] =	ssyncadd.s32 $0xFFFFE000  }
0xbe: {  	[spmem:s3] =	stream.indirect.scatter.add.f32 [tilespmem:s12], [sflag:$0x2], $0x20, s25, s13, $0xb8;
	[tilespmem:$0x1B500] =	vst v63  }
0xbf: {  	_ =	swait.ge [sflag:s20], $0x2000  }
0xc0: {  	[sflag:s20] =	ssyncset.done $0x0  }
0xc1: {  	[sflag:s20] =	ssyncadd.s32 $0xFFFFE000  }
0xc2: {  	[spmem:s3] =	stream.indirect.scatter.add.f32 [tilespmem:s12], [sflag:$0x3], $0x20, s26, s13, $0xb8;
	[tilespmem:$0x1B500] =	vst v63  }
0xc3: {  	_ =	swait.ge [sflag:s22], $0x2000  }
0xc4: {  	[sflag:s22] =	ssyncset.done $0x0  }
0xc5: {  	[sflag:s22] =	ssyncadd.s32 $0xFFFFE000  }
0xc6: {  	[spmem:s3] =	stream.indirect.scatter.add.f32 [tilespmem:s12], [sflag:$0x4], $0x20, s28, s13, $0xb8;
	[tilespmem:$0x1B500] =	vst v63  }
0xc7: {  	_ =	swait.ge [sflag:s16], $0x2000  }
0xc8: {  	[sflag:s16] =	ssyncset.done $0x0  }
0xc9: {  	[sflag:s16] =	ssyncadd.s32 $0xFFFFE000  }
0xca: {  	_ =	swait.ge [sflag:s18], $0x2000  }
0xcb: {  	[sflag:s18] =	ssyncset.done $0x0  }
0xcc: {  	[sflag:s18] =	ssyncadd.s32 $0xFFFFE000  }
0xcd: {  	_ =	swait.ge [sflag:s20], $0x2000  }
0xce: {  	[sflag:s20] =	ssyncset.done $0x0  }
0xcf: {  	[sflag:s20] =	ssyncadd.s32 $0xFFFFE000  }
0xd0: {  	_ =	swait.ge [sflag:s22], $0x2000  }
0xd1: {  	[sflag:s22] =	ssyncset.done $0x0  }
0xd2: {  	[sflag:s22] =	ssyncadd.s32 $0xFFFFE000  }
0xd3: {  	[spmem:s3] =	stream.indirect.scatter.add.f32 [tilespmem:s12], [sflag:$0x5], $0x20, s29, s13, $0xb8;
	[tilespmem:$0x1B500] =	vst v63  }
0xd4: {  	_ =	swait.ge [sflag:s11], $0x2000  }
0xd5: {  	[sflag:s11] =	ssyncset.done $0x0  }
0xd6: {  	[sflag:s11] =	ssyncadd.s32 $0xFFFFE000  }
0xd7: {  	[spmem:s3] =	stream.indirect.scatter.add.f32 [tilespmem:s12], [sflag:$0x5], $0x20, s30, s13, $0xb8;
	[tilespmem:$0x1B500] =	vst v63  }
0xd8: {  	_ =	swait.ge [sflag:s11], $0x2000  }
0xd9: {  	s31 =	sadd.s32 $0x1, s31;
	[sflag:s11] =	ssyncset.done $0x0  }
0xda: {  	p0 =	sne.s32 s31, s8;
	[sflag:s11] =	ssyncadd.s32 $0xFFFFE000  }
.Ltmp1:
0xdb: {  	[bflag:$0x0] =	sbarrier.arrive $0xFFFF;
	(pc) =	sbr.rel @p0 .LBB2_1-.Ltmp1, $4  }
0xdc: {  	[hbm:s7], [sflag:s6] =	dma.local [spmem:s10], $0x30E0  }
0xdd: {  	_ =	swait.ge [sflag:s11], $0x30E0  }
0xde: {  	[sflag:s11] =	ssyncset.done $0x0  }
0xdf: {  	[sflag:s11] =	ssyncadd.s32 $0xFFFFCF20  }
0xe0: {  	_ =	sfence.sel $0x180000  }
0xe1: {  	[bflag:$0x0] =	sbarrier.arrive $0xFFFF  }
0xe2: {  	_ =	strace $0x90000047  }
0xe3: {  	s0 =	stileid.u32;
	[bflag:$0x2] =	sbarrier.arrive $0xFFFF  }
0xe4: {  	p0 =	sne.s32 s0, $0x0;
	s0 =	rddreg [dreg:$0x3]  }
0xe5: {  	s0 =	sadd.s32 @!p0 $0x100000, s0  }
0xe6: {  	[sflag:s0] =	ssyncadd.tile.s32 @!p0 $0x1;
	_ =	shalt  }
.Lfunc_end2:
_tile_overlayer_lowered:
.L_overlay_start_2:
0xe7: {  	(tag) =	ssettag $0x2  }
0xe8: {  	s0 =	rddreg [dreg:$0x0];
	s2 =	stileid.u32  }
0xe9: {  	s1 =	rddreg [dreg:$0x1];
	p0 =	sne.s32 s2, $0x0  }
0xea: {  	s3 =	rddreg [dreg:$0x2];
	[bflag:$0x3] =	sbarrier.arrive $0xFFFF;
	s2 =	simm.s32 @!p0 $0x1C05  }
0xeb: {  	[timem:s3], [sflag:s2] =	dma.local @!p0 [hbm:s0], s1  }
0xec: {  	s0 =	simm.s32 @!p0 $0x5  }
0xed: {  	_ =	swait.ge @!p0 [sflag:s0], s1  }
0xee: {  	s1 =	ssub.s32 @!p0 $0x0, s1;
	[sflag:s0] =	ssyncset.done @!p0 $0x0  }
0xef: {  	[sflag:s0] =	ssyncadd.s32 @!p0 s1  }
0xf0: {  	[bflag:$0x3] =	sbarrier.arrive $0xFFFF  }
0xf1: {  	_ =	shalt  }

</sc_bundles>
